<compile_context>
chip_gen: v7x
topology: tpu7x:2x2x1
jax: 0.10.2.dev20260603
libtpu: 0.0.44.dev20260713+nightly
codegen_flags: <defaults>
</compile_context>

<pallas_src>
import functools

import jax
import jax.numpy as jnp
from jax import lax
from jax.experimental import pallas as pl
from jax.experimental.pallas import tpu as pltpu
from jax.experimental.pallas import tpu_sc as plsc

N = 10000
E = 320000
IN_CH = 128
HID = 16
HEADS = 8
OUT = 16

NPAD = 10240
ROWS_PT = NPAD // 16
C = 128
NW = 32
K = 81
EPAD = NW * C * K

f32 = jnp.float32
i32 = jnp.int32


def _dense1_body(x_ref, w1_ref, asw_ref, adw_ref,
                 h1_ref, asp_ref, adp_ref, maxb_ref):
    i = pl.program_id(0)
    h = jnp.dot(x_ref[...], w1_ref[...], preferred_element_type=f32)
    h1_ref[...] = h
    asp = jnp.dot(h, asw_ref[...], preferred_element_type=f32)
    adp = jnp.dot(h, adw_ref[...], preferred_element_type=f32)
    asp_ref[...] = asp
    adp_ref[...] = adp

    @pl.when(i == 0)
    def _():
        maxb_ref[...] = jnp.zeros_like(maxb_ref)

    ms = jnp.max(asp, axis=0)[None, :]
    md = jnp.max(adp, axis=0)[None, :]
    maxb_ref[0:1, 0:16] = jnp.maximum(maxb_ref[0:1, 0:16], ms)
    maxb_ref[1:2, 0:16] = jnp.maximum(maxb_ref[1:2, 0:16], md)


def _dense2_body(m0_ref, m1_ref, w0_ref, w1_ref, b1_ref, w2_ref, r_ref,
                 as2w_ref, ad2w_ref,
                 g2_ref, as2p_ref, ad2p_ref, maxb2_ref):
    i = pl.program_id(0)
    msg = m0_ref[...] + m1_ref[...]
    den = w0_ref[...] + w1_ref[...]
    denrep = jnp.dot(den, r_ref[...], preferred_element_type=f32)
    out1 = msg / (denrep + 1e-16) + b1_ref[...]
    h2 = jnp.where(out1 > 0.0, out1, jnp.exp(jnp.minimum(out1, 0.0)) - 1.0)
    g2 = jnp.dot(h2, w2_ref[...], preferred_element_type=f32)
    g2_ref[...] = g2
    as2p = jnp.dot(g2, as2w_ref[...], preferred_element_type=f32)
    ad2p = jnp.dot(g2, ad2w_ref[...], preferred_element_type=f32)
    as2p_ref[...] = as2p
    ad2p_ref[...] = ad2p

    @pl.when(i == 0)
    def _():
        maxb2_ref[...] = jnp.zeros_like(maxb2_ref)

    ms = jnp.max(as2p, axis=0)[None, :]
    md = jnp.max(ad2p, axis=0)[None, :]
    maxb2_ref[0:1, 0:16] = jnp.maximum(maxb2_ref[0:1, 0:16], ms)
    maxb2_ref[1:2, 0:16] = jnp.maximum(maxb2_ref[1:2, 0:16], md)


def _final_body(m0_ref, m1_ref, w0_ref, w1_ref, b2_ref, bsel_ref, out_ref):
    den = jnp.dot(w0_ref[...] + w1_ref[...], bsel_ref[...],
                  preferred_element_type=f32)
    out_ref[...] = (m0_ref[...] + m1_ref[...]) / (den + 1e-16) + b2_ref[...]


def _make_sc1():
    mesh = plsc.VectorSubcoreMesh(core_axis_name="c", subcore_axis_name="s",
                                  num_cores=2, num_subcores=16)

    @functools.partial(
        pl.kernel, mesh=mesh,
        compiler_params=pltpu.CompilerParams(needs_layout_passes=False,
                                             use_tc_tiling_on_sc=False),
        out_type=[jax.ShapeDtypeStruct((2, NPAD, IN_CH), f32),
                  jax.ShapeDtypeStruct((2, NPAD, 16), f32)],
        scratch_types=[
            pltpu.VMEM((C,), i32), pltpu.VMEM((C,), i32),
            pltpu.VMEM((C, IN_CH), f32), pltpu.VMEM((C, 16), f32),
            pltpu.VMEM((C, 16), f32), pltpu.VMEM((C, 16), f32),
            pltpu.VMEM((16,), f32), pltpu.VMEM((16,), f32),
            pltpu.VMEM_SHARED((NPAD, IN_CH), f32),
            pltpu.VMEM_SHARED((NPAD, 16), f32),
            pltpu.SemaphoreType.DMA, pltpu.SemaphoreType.DMA,
            pltpu.SemaphoreType.DMA,
        ],
    )
    def sc1(h1, asp, adp, s_idx, d_idx, maxb, zm, zw,
            outm, outw,
            sidx, didx, hrows, asr, adr, wzbuf, msv, mdv,
            accm, accw, sem1, sem2, sem3):
        cid = lax.axis_index("c")
        sid = lax.axis_index("s")
        wid = cid * 16 + sid
        r0 = sid * ROWS_PT
        pltpu.sync_copy(zm, accm.at[pl.ds(r0, ROWS_PT)])
        pltpu.sync_copy(zw, accw.at[pl.ds(r0, ROWS_PT)])
        pltpu.sync_copy(maxb.at[0, pl.ds(0, 16)], msv)
        pltpu.sync_copy(maxb.at[1, pl.ds(0, 16)], mdv)
        msum = msv[...] + mdv[...]
        msv[...] = jnp.where(msum > 0.0, msum, 0.2 * msum)

        def _zb(r, carry):
            wzbuf[r, :] = jnp.zeros((16,), f32)
            return carry
        lax.fori_loop(0, C, _zb, 0)
        plsc.subcore_barrier()

        lanes = lax.iota(i32, 16)
        mvals = msv[...]
        mh = [mvals[h] for h in range(HEADS)]
        ebase = wid * (C * K)

        def chunk(k, carry):
            base = ebase + k * C
            pltpu.sync_copy(s_idx.at[pl.ds(base, C)], sidx)
            pltpu.sync_copy(d_idx.at[pl.ds(base, C)], didx)
            cp1 = pltpu.async_copy(h1.at[sidx], hrows, sem1)
            cp2 = pltpu.async_copy(asp.at[sidx], asr, sem2)
            cp3 = pltpu.async_copy(adp.at[didx], adr, sem3)
            cp1.wait()
            cp2.wait()
            cp3.wait()
            for g in range(C // 16):
                eidx = lanes + (g * 16)
                for h in range(HEADS):
                    hsplat = jnp.full((16,), h, i32)
                    asv = plsc.load_gather(asr, [eidx, hsplat])
                    adv = plsc.load_gather(adr, [eidx, hsplat])
                    al = asv + adv
                    al = jnp.where(al > 0.0, al, 0.2 * al)
                    w = jnp.exp(al - mh[h])
                    plsc.store_scatter(wzbuf, [eidx, hsplat], w)

            def edge(e, carry2):
                esplat = lanes * 0 + e
                for h in range(HEADS):
                    hsplat = jnp.full((16,), h, i32)
                    wh = plsc.load_gather(wzbuf, [esplat, hsplat])
                    seg = hrows[e, pl.ds(h * HID, HID)]
                    hrows[e, pl.ds(h * HID, HID)] = seg * wh
                return carry2
            lax.fori_loop(0, C, edge, 0)

            pltpu.sync_copy(hrows, accm.at[didx], add=True)
            pltpu.sync_copy(wzbuf, accw.at[didx], add=True)
            return carry
        lax.fori_loop(0, K, chunk, 0)
        plsc.subcore_barrier()
        pltpu.sync_copy(accm.at[pl.ds(r0, ROWS_PT)],
                        outm.at[cid, pl.ds(r0, ROWS_PT)])
        pltpu.sync_copy(accw.at[pl.ds(r0, ROWS_PT)],
                        outw.at[cid, pl.ds(r0, ROWS_PT)])

    return sc1


def _make_sc2():
    mesh = plsc.VectorSubcoreMesh(core_axis_name="c", subcore_axis_name="s",
                                  num_cores=2, num_subcores=16)

    @functools.partial(
        pl.kernel, mesh=mesh,
        compiler_params=pltpu.CompilerParams(needs_layout_passes=False,
                                             use_tc_tiling_on_sc=False),
        out_type=[jax.ShapeDtypeStruct((2, NPAD, 16), f32),
                  jax.ShapeDtypeStruct((2, NPAD, 16), f32)],
        scratch_types=[
            pltpu.VMEM((C,), i32), pltpu.VMEM((C,), i32),
            pltpu.VMEM((C, 16), f32), pltpu.VMEM((C, 16), f32),
            pltpu.VMEM((C, 16), f32), pltpu.VMEM((C, 16), f32),
            pltpu.VMEM((16,), f32), pltpu.VMEM((16,), f32),
            pltpu.VMEM_SHARED((NPAD, 16), f32),
            pltpu.VMEM_SHARED((NPAD, 16), f32),
            pltpu.SemaphoreType.DMA, pltpu.SemaphoreType.DMA,
            pltpu.SemaphoreType.DMA,
        ],
    )
    def sc2(g2, as2p, ad2p, s_idx, d_idx, maxb2, zw,
            outm, outw,
            sidx, didx, grows, asr, adr, wzbuf, msv, mdv,
            accm, accw, sem1, sem2, sem3):
        cid = lax.axis_index("c")
        sid = lax.axis_index("s")
        wid = cid * 16 + sid
        r0 = sid * ROWS_PT
        pltpu.sync_copy(zw, accm.at[pl.ds(r0, ROWS_PT)])
        pltpu.sync_copy(zw, accw.at[pl.ds(r0, ROWS_PT)])
        pltpu.sync_copy(maxb2.at[0, pl.ds(0, 16)], msv)
        pltpu.sync_copy(maxb2.at[1, pl.ds(0, 16)], mdv)
        msum = msv[...] + mdv[...]
        mvec = jnp.where(msum > 0.0, msum, 0.2 * msum)
        plsc.subcore_barrier()

        lanes = lax.iota(i32, 16)
        lane0 = lanes == 0
        ebase = wid * (C * K)

        def chunk(k, carry):
            base = ebase + k * C
            pltpu.sync_copy(s_idx.at[pl.ds(base, C)], sidx)
            pltpu.sync_copy(d_idx.at[pl.ds(base, C)], didx)
            cp1 = pltpu.async_copy(g2.at[sidx], grows, sem1)
            cp2 = pltpu.async_copy(as2p.at[sidx], asr, sem2)
            cp3 = pltpu.async_copy(ad2p.at[didx], adr, sem3)
            cp1.wait()
            cp2.wait()
            cp3.wait()

            def edge(e, carry2):
                al = asr[e, :] + adr[e, :]
                al = jnp.where(al > 0.0, al, 0.2 * al)
                w = jnp.exp(al - mvec)
                grows[e, :] = grows[e, :] * w
                wzbuf[e, :] = jnp.where(lane0, w, 0.0)
                return carry2
            lax.fori_loop(0, C, edge, 0)

            pltpu.sync_copy(grows, accm.at[didx], add=True)
            pltpu.sync_copy(wzbuf, accw.at[didx], add=True)
            return carry
        lax.fori_loop(0, K, chunk, 0)
        plsc.subcore_barrier()
        pltpu.sync_copy(accm.at[pl.ds(r0, ROWS_PT)],
                        outm.at[cid, pl.ds(r0, ROWS_PT)])
        pltpu.sync_copy(accw.at[pl.ds(r0, ROWS_PT)],
                        outw.at[cid, pl.ds(r0, ROWS_PT)])

    return sc2


_make_sc1 = functools.cache(_make_sc1)
_make_sc2 = functools.cache(_make_sc2)

_GRID = 10
_BLK = N // _GRID


def _full(shape):
    return pl.BlockSpec(shape, lambda *_: (0,) * len(shape))


def kernel(x, edge_index, W1, att_src1, att_dst1, bias1,
           W2, att_src2, att_dst2, bias2):
    src = edge_index[0]
    dst = edge_index[1]
    loop = jnp.arange(N, dtype=i32)
    padn = EPAD - (E + N)
    s_full = jnp.concatenate([src, loop, jnp.zeros((padn,), i32)])
    d_full = jnp.concatenate([dst, loop, jnp.full((padn,), NPAD - 1, i32)])

    eye8 = jnp.eye(HEADS, dtype=f32)
    AS1 = jnp.pad((eye8[:, None, :] * att_src1[:, :, None]).reshape(IN_CH, HEADS),
                  ((0, 0), (0, 8)))
    AD1 = jnp.pad((eye8[:, None, :] * att_dst1[:, :, None]).reshape(IN_CH, HEADS),
                  ((0, 0), (0, 8)))
    R = jnp.pad(jnp.repeat(eye8, HID, axis=1), ((0, 8), (0, 0)))
    AS2 = jnp.tile(att_src2.reshape(OUT, 1), (1, 16))
    AD2 = jnp.tile(att_dst2.reshape(OUT, 1), (1, 16))
    BSEL = jnp.zeros((16, 16), f32).at[0].set(1.0)
    ZM = jnp.zeros((ROWS_PT, IN_CH), f32)
    ZW = jnp.zeros((ROWS_PT, 16), f32)

    h1, asp, adp, maxb = pl.pallas_call(
        _dense1_body,
        grid=(_GRID,),
        in_specs=[pl.BlockSpec((_BLK, IN_CH), lambda i: (i, 0)),
                  _full((IN_CH, IN_CH)), _full((IN_CH, 16)),
                  _full((IN_CH, 16))],
        out_specs=[pl.BlockSpec((_BLK, IN_CH), lambda i: (i, 0)),
                   pl.BlockSpec((_BLK, 16), lambda i: (i, 0)),
                   pl.BlockSpec((_BLK, 16), lambda i: (i, 0)),
                   _full((8, 128))],
        out_shape=[jax.ShapeDtypeStruct((N, IN_CH), f32),
                   jax.ShapeDtypeStruct((N, 16), f32),
                   jax.ShapeDtypeStruct((N, 16), f32),
                   jax.ShapeDtypeStruct((8, 128), f32)],
    )(x, W1, AS1, AD1)

    adp_p = jnp.concatenate([adp, jnp.zeros((NPAD - N, 16), f32)], axis=0)
    outm, outw = _make_sc1()(h1, asp, adp_p, s_full, d_full, maxb, ZM, ZW)

    g2, as2p, ad2p, maxb2 = pl.pallas_call(
        _dense2_body,
        grid=(_GRID,),
        in_specs=[pl.BlockSpec((_BLK, IN_CH), lambda i: (i, 0)),
                  pl.BlockSpec((_BLK, IN_CH), lambda i: (i, 0)),
                  pl.BlockSpec((_BLK, 16), lambda i: (i, 0)),
                  pl.BlockSpec((_BLK, 16), lambda i: (i, 0)),
                  _full((1, IN_CH)), _full((IN_CH, OUT)),
                  _full((16, IN_CH)), _full((OUT, 16)), _full((OUT, 16))],
        out_specs=[pl.BlockSpec((_BLK, OUT), lambda i: (i, 0)),
                   pl.BlockSpec((_BLK, 16), lambda i: (i, 0)),
                   pl.BlockSpec((_BLK, 16), lambda i: (i, 0)),
                   _full((8, 128))],
        out_shape=[jax.ShapeDtypeStruct((N, OUT), f32),
                   jax.ShapeDtypeStruct((N, 16), f32),
                   jax.ShapeDtypeStruct((N, 16), f32),
                   jax.ShapeDtypeStruct((8, 128), f32)],
    )(outm[0, :N], outm[1, :N], outw[0, :N], outw[1, :N],
      bias1[None, :], W2, R, AS2, AD2)

    ad2p_p = jnp.concatenate([ad2p, jnp.zeros((NPAD - N, 16), f32)], axis=0)
    m2, w2 = _make_sc2()(g2, as2p, ad2p_p, s_full, d_full, maxb2, ZW)

    out = pl.pallas_call(
        _final_body,
        grid=(_GRID,),
        in_specs=[pl.BlockSpec((_BLK, 16), lambda i: (i, 0)),
                  pl.BlockSpec((_BLK, 16), lambda i: (i, 0)),
                  pl.BlockSpec((_BLK, 16), lambda i: (i, 0)),
                  pl.BlockSpec((_BLK, 16), lambda i: (i, 0)),
                  _full((1, OUT)), _full((16, 16))],
        out_specs=[pl.BlockSpec((_BLK, OUT), lambda i: (i, 0))],
        out_shape=[jax.ShapeDtypeStruct((N, OUT), f32)],
    )(m2[0, :N], m2[1, :N], w2[0, :N], w2[1, :N], bias2[None, :], BSEL)

    return out[0]

# --- scband reference (transcript-rebuilt; emitter-appended) ---
"""Pipeline reference for scband-gat-82901458747986 (READ-ONLY COPY).

The authoritative reference and input builder live on the scoring server;
editing this copy changes nothing except your own understanding.
"""

import jax, jax.numpy as jnp
import numpy as np

N = 10000
E = 320000
IN_CH = 128
HID = 16
HEADS = 8
OUT = 16

def setup_inputs(seed: int = 0):
    key = jax.random.key(seed)
    ks = jax.random.split(key, 12)
    def glorot(k, shape):
        fan_in, fan_out = shape[0], shape[-1]
        lim = float(np.sqrt(6.0 / (fan_in + fan_out)))
        return jax.random.uniform(k, shape, jnp.float32, -lim, lim)
    x = jax.random.normal(ks[0], (N, IN_CH), jnp.float32)
    edge_index = jax.random.randint(ks[1], (2, E), 0, N, dtype=jnp.int32)
    W1 = glorot(ks[2], (IN_CH, HEADS * HID))
    att_src1 = glorot(ks[3], (HEADS, HID))
    att_dst1 = glorot(ks[4], (HEADS, HID))
    bias1 = jnp.zeros((HEADS * HID,), jnp.float32)
    W2 = glorot(ks[5], (HEADS * HID, OUT))
    att_src2 = glorot(ks[6], (1, OUT))
    att_dst2 = glorot(ks[7], (1, OUT))
    bias2 = jnp.zeros((OUT,), jnp.float32)
    return {"x": x, "edge_index": edge_index, "W1": W1, "att_src1": att_src1, "att_dst1": att_dst1, "bias1": bias1, "W2": W2, "att_src2": att_src2, "att_dst2": att_dst2, "bias2": bias2}

def _gat_conv(x, src, dst, W, a_s, a_d, b, heads, ch, concat, n_nodes):
    h = (x @ W).reshape(n_nodes, heads, ch)
    loop = jnp.arange(n_nodes, dtype=src.dtype)
    s = jnp.concatenate([src, loop])
    d = jnp.concatenate([dst, loop])
    alpha_src = jnp.sum(h * a_s[None, :, :], axis=-1)
    alpha_dst = jnp.sum(h * a_d[None, :, :], axis=-1)
    alpha = alpha_src[s] + alpha_dst[d]
    alpha = jax.nn.leaky_relu(alpha, negative_slope=0.2)
    m = jax.lax.stop_gradient(jax.ops.segment_max(alpha, d, num_segments=n_nodes))
    m = jnp.where(jnp.isfinite(m), m, 0.0)
    ex = jnp.exp(alpha - m[d])
    denom = jax.ops.segment_sum(ex, d, num_segments=n_nodes)
    a = ex / (denom[d] + 1e-16)
    msg = h[s] * a[:, :, None]
    out = jax.ops.segment_sum(msg, d, num_segments=n_nodes)
    out = out.reshape(n_nodes, heads * ch) if concat else out.mean(axis=1)
    return out + b

def reference(x, edge_index, W1, att_src1, att_dst1, bias1, W2, att_src2, att_dst2, bias2):
    # eval mode: F.dropout(p=0.6, training=False) is identity
    src, dst = edge_index[0], edge_index[1]
    h = _gat_conv(x, src, dst, W1, att_src1, att_dst1, bias1, HEADS, HID, True, N)
    h = jax.nn.elu(h)
    out = _gat_conv(h, src, dst, W2, att_src2, att_dst2, bias2, 1, OUT, False, N)
    return out

if __name__ == "__main__":
    import jax
    _d = setup_inputs()
    print(jax.jit(kernel)(*tuple(_d.values())))

</pallas_src>

<mosaic_0001>
#map = affine_map<(d0, d1) -> (0, 0)>
#map1 = affine_map<(d0, d1) -> (0)>
#map2 = affine_map<(d0, d1) -> (0, 0, 0)>
module attributes {stable_mosaic.version = 14 : i64} {
  func.func @sc1(%arg0: i32, %arg1: i32, %arg2: memref<10000x128xf32, #tpu.memory_space<hbm>>, %arg3: memref<10000x16xf32, #tpu.memory_space<hbm>>, %arg4: memref<10240x16xf32, #tpu.memory_space<hbm>>, %arg5: memref<331776xi32, #tpu.memory_space<hbm>>, %arg6: memref<331776xi32, #tpu.memory_space<hbm>>, %arg7: memref<8x128xf32, #tpu.memory_space<hbm>>, %arg8: memref<640x128xf32, #tpu.memory_space<hbm>>, %arg9: memref<640x16xf32, #tpu.memory_space<hbm>>, %arg10: memref<2x10240x128xf32, #tpu.memory_space<hbm>>, %arg11: memref<2x10240x16xf32, #tpu.memory_space<hbm>>, %arg12: memref<128xi32, #tpu.memory_space<vmem>>, %arg13: memref<128xi32, #tpu.memory_space<vmem>>, %arg14: memref<128x128xf32, #tpu.memory_space<vmem>>, %arg15: memref<128x16xf32, #tpu.memory_space<vmem>>, %arg16: memref<128x16xf32, #tpu.memory_space<vmem>>, %arg17: memref<128x16xf32, #tpu.memory_space<vmem>>, %arg18: memref<16xf32, #tpu.memory_space<vmem>>, %arg19: memref<16xf32, #tpu.memory_space<vmem>>, %arg20: memref<10240x128xf32, #tpu.memory_space<vmem_shared>>, %arg21: memref<10240x16xf32, #tpu.memory_space<vmem_shared>>, %arg22: memref<!tpu.dma_semaphore, #tpu.memory_space<semaphore_mem>>, %arg23: memref<!tpu.dma_semaphore, #tpu.memory_space<semaphore_mem>>, %arg24: memref<!tpu.dma_semaphore, #tpu.memory_space<semaphore_mem>>) attributes {dimension_semantics = [#tpu.dimension_semantics<core_parallel>, #tpu.dimension_semantics<subcore_parallel>], iteration_bounds = array<i64: 2, 16>, scalar_prefetch = 0 : i64, scratch_operands = 13 : i64, tpu.core_type = #tpu.core_type<sc_vector_subcore>, window_params = [{transform_indices = #map}, {transform_indices = #map}, {transform_indices = #map}, {transform_indices = #map1}, {transform_indices = #map1}, {transform_indices = #map}, {transform_indices = #map}, {transform_indices = #map}, {transform_indices = #map2}, {transform_indices = #map2}]} {
    %mul3A = arith.constant 16 : i32
    %mul3A_0 = arith.muli %arg0, %mul3A : i32
    %add3A = arith.addi %mul3A_0, %arg1 : i32
    %mul3A_1 = arith.constant 640 : i32
    %mul3A_2 = arith.muli %arg1, %mul3A_1 : i32
    "tpu.region"() ({
      %run_scoped3A_44 = tpu.sem_alloc : memref<!tpu.dma_semaphore, #tpu.memory_space<semaphore_mem>>
      %dma_start3A = arith.constant 0 : i32
      %dma_start3A_45 = tpu.memref_slice %arg20[%mul3A_2, %dma_start3A] : memref<10240x128xf32, #tpu.memory_space<vmem_shared>> -> memref<640x128xf32, #tpu.memory_space<vmem_shared>>
      tpu.enqueue_dma source(%arg8 : memref<640x128xf32, #tpu.memory_space<hbm>>) target(%dma_start3A_45 : memref<640x128xf32, #tpu.memory_space<vmem_shared>>) target_semaphore(%run_scoped3A_44 : memref<!tpu.dma_semaphore, #tpu.memory_space<semaphore_mem>>)
      %dma_wait3A = arith.constant 0 : i32
      %dma_wait3A_46 = tpu.memref_slice %arg20[%mul3A_2, %dma_wait3A] : memref<10240x128xf32, #tpu.memory_space<vmem_shared>> -> memref<640x128xf32, #tpu.memory_space<vmem_shared>>
      tpu.wait_dma2 semaphore(%run_scoped3A_44 : memref<!tpu.dma_semaphore, #tpu.memory_space<semaphore_mem>>) src(%arg8 : memref<640x128xf32, #tpu.memory_space<hbm>>) dst(%dma_wait3A_46 : memref<640x128xf32, #tpu.memory_space<vmem_shared>>)
      tpu.yield
    }) : () -> ()
    "tpu.region"() ({
      %run_scoped3A_44 = tpu.sem_alloc : memref<!tpu.dma_semaphore, #tpu.memory_space<semaphore_mem>>
      %dma_start3A = arith.constant 0 : i32
      %dma_start3A_45 = tpu.memref_slice %arg21[%mul3A_2, %dma_start3A] : memref<10240x16xf32, #tpu.memory_space<vmem_shared>> -> memref<640x16xf32, #tpu.memory_space<vmem_shared>>
      tpu.enqueue_dma source(%arg9 : memref<640x16xf32, #tpu.memory_space<hbm>>) target(%dma_start3A_45 : memref<640x16xf32, #tpu.memory_space<vmem_shared>>) target_semaphore(%run_scoped3A_44 : memref<!tpu.dma_semaphore, #tpu.memory_space<semaphore_mem>>)
      %dma_wait3A = arith.constant 0 : i32
      %dma_wait3A_46 = tpu.memref_slice %arg21[%mul3A_2, %dma_wait3A] : memref<10240x16xf32, #tpu.memory_space<vmem_shared>> -> memref<640x16xf32, #tpu.memory_space<vmem_shared>>
      tpu.wait_dma2 semaphore(%run_scoped3A_44 : memref<!tpu.dma_semaphore, #tpu.memory_space<semaphore_mem>>) src(%arg9 : memref<640x16xf32, #tpu.memory_space<hbm>>) dst(%dma_wait3A_46 : memref<640x16xf32, #tpu.memory_space<vmem_shared>>)
      tpu.yield
    }) : () -> ()
    %run_scoped3A = arith.constant 0 : i32
    "tpu.region"() ({
      %run_scoped3A_44 = tpu.sem_alloc : memref<!tpu.dma_semaphore, #tpu.memory_space<semaphore_mem>>
      %dma_start3A = arith.constant 0 : i32
      %dma_start3A_45 = tpu.memref_slice %arg7[%run_scoped3A, %dma_start3A] : memref<8x128xf32, #tpu.memory_space<hbm>> -> memref<1x16xf32, #tpu.memory_space<hbm>>
      %dma_start3A_46 = tpu.memref_squeeze %dma_start3A_45 : memref<1x16xf32, #tpu.memory_space<hbm>> -> memref<16xf32, #tpu.memory_space<hbm>>
      %dma_start3A_47 = arith.constant 0 : i32
      %dma_start3A_48 = tpu.memref_slice %arg7[%run_scoped3A, %dma_start3A_47] : memref<8x128xf32, #tpu.memory_space<hbm>> -> memref<1x16xf32, #tpu.memory_space<hbm>>
      %dma_start3A_49 = tpu.memref_squeeze %dma_start3A_48 : memref<1x16xf32, #tpu.memory_space<hbm>> -> memref<16xf32, #tpu.memory_space<hbm>>
      tpu.enqueue_dma source(%dma_start3A_49 : memref<16xf32, #tpu.memory_space<hbm>>) target(%arg18 : memref<16xf32, #tpu.memory_space<vmem>>) target_semaphore(%run_scoped3A_44 : memref<!tpu.dma_semaphore, #tpu.memory_space<semaphore_mem>>)
      %dma_wait3A = arith.constant 0 : i32
      %dma_wait3A_50 = tpu.memref_slice %arg7[%run_scoped3A, %dma_wait3A] : memref<8x128xf32, #tpu.memory_space<hbm>> -> memref<1x16xf32, #tpu.memory_space<hbm>>
      %dma_wait3A_51 = tpu.memref_squeeze %dma_wait3A_50 : memref<1x16xf32, #tpu.memory_space<hbm>> -> memref<16xf32, #tpu.memory_space<hbm>>
      %dma_wait3A_52 = arith.constant 0 : i32
      %dma_wait3A_53 = tpu.memref_slice %arg7[%run_scoped3A, %dma_wait3A_52] : memref<8x128xf32, #tpu.memory_space<hbm>> -> memref<1x16xf32, #tpu.memory_space<hbm>>
      %dma_wait3A_54 = tpu.memref_squeeze %dma_wait3A_53 : memref<1x16xf32, #tpu.memory_space<hbm>> -> memref<16xf32, #tpu.memory_space<hbm>>
      tpu.wait_dma2 semaphore(%run_scoped3A_44 : memref<!tpu.dma_semaphore, #tpu.memory_space<semaphore_mem>>) src(%dma_wait3A_54 : memref<16xf32, #tpu.memory_space<hbm>>) dst(%arg18 : memref<16xf32, #tpu.memory_space<vmem>>)
      tpu.yield
    }) : () -> ()
    %run_scoped3A_3 = arith.constant 1 : i32
    "tpu.region"() ({
      %run_scoped3A_44 = tpu.sem_alloc : memref<!tpu.dma_semaphore, #tpu.memory_space<semaphore_mem>>
      %dma_start3A = arith.constant 0 : i32
      %dma_start3A_45 = tpu.memref_slice %arg7[%run_scoped3A_3, %dma_start3A] : memref<8x128xf32, #tpu.memory_space<hbm>> -> memref<1x16xf32, #tpu.memory_space<hbm>>
      %dma_start3A_46 = tpu.memref_squeeze %dma_start3A_45 : memref<1x16xf32, #tpu.memory_space<hbm>> -> memref<16xf32, #tpu.memory_space<hbm>>
      %dma_start3A_47 = arith.constant 0 : i32
      %dma_start3A_48 = tpu.memref_slice %arg7[%run_scoped3A_3, %dma_start3A_47] : memref<8x128xf32, #tpu.memory_space<hbm>> -> memref<1x16xf32, #tpu.memory_space<hbm>>
      %dma_start3A_49 = tpu.memref_squeeze %dma_start3A_48 : memref<1x16xf32, #tpu.memory_space<hbm>> -> memref<16xf32, #tpu.memory_space<hbm>>
      tpu.enqueue_dma source(%dma_start3A_49 : memref<16xf32, #tpu.memory_space<hbm>>) target(%arg19 : memref<16xf32, #tpu.memory_space<vmem>>) target_semaphore(%run_scoped3A_44 : memref<!tpu.dma_semaphore, #tpu.memory_space<semaphore_mem>>)
      %dma_wait3A = arith.constant 0 : i32
      %dma_wait3A_50 = tpu.memref_slice %arg7[%run_scoped3A_3, %dma_wait3A] : memref<8x128xf32, #tpu.memory_space<hbm>> -> memref<1x16xf32, #tpu.memory_space<hbm>>
      %dma_wait3A_51 = tpu.memref_squeeze %dma_wait3A_50 : memref<1x16xf32, #tpu.memory_space<hbm>> -> memref<16xf32, #tpu.memory_space<hbm>>
      %dma_wait3A_52 = arith.constant 0 : i32
      %dma_wait3A_53 = tpu.memref_slice %arg7[%run_scoped3A_3, %dma_wait3A_52] : memref<8x128xf32, #tpu.memory_space<hbm>> -> memref<1x16xf32, #tpu.memory_space<hbm>>
      %dma_wait3A_54 = tpu.memref_squeeze %dma_wait3A_53 : memref<1x16xf32, #tpu.memory_space<hbm>> -> memref<16xf32, #tpu.memory_space<hbm>>
      tpu.wait_dma2 semaphore(%run_scoped3A_44 : memref<!tpu.dma_semaphore, #tpu.memory_space<semaphore_mem>>) src(%dma_wait3A_54 : memref<16xf32, #tpu.memory_space<hbm>>) dst(%arg19 : memref<16xf32, #tpu.memory_space<vmem>>)
      tpu.yield
    }) : () -> ()
    %get3A = arith.constant 0 : index
    %get3A_4 = tpu.vector_load %arg18[%get3A] {strides = array<i32>} : memref<16xf32, #tpu.memory_space<vmem>>, vector<16xf32>,
    %get3A_5 = arith.constant 0 : index
    %get3A_6 = tpu.vector_load %arg19[%get3A_5] {strides = array<i32>} : memref<16xf32, #tpu.memory_space<vmem>>, vector<16xf32>,
    %add3A_7 = arith.addf %get3A_4, %get3A_6 : vector<16xf32>
    %gt3A = arith.constant 0.000000e+00 : f32
    %gt3A_8 = vector.broadcast %gt3A : f32 to vector<16xf32>
    %gt3A_9 = arith.cmpf ogt, %add3A_7, %gt3A_8 : vector<16xf32>
    %mul3A_10 = arith.constant 2.000000e-01 : f32
    %mul3A_11 = vector.broadcast %mul3A_10 : f32 to vector<16xf32>
    %mul3A_12 = arith.mulf %mul3A_11, %add3A_7 : vector<16xf32>
    %select_n3A = arith.select %gt3A_9, %add3A_7, %mul3A_12 : vector<16xi1>, vector<16xf32>
    %swap3A = arith.constant 0 : index
    %swap3A_13 = tpu.vector_load %arg18[%swap3A] {strides = array<i32>} : memref<16xf32, #tpu.memory_space<vmem>>, vector<16xf32>,
    tpu.vector_store %arg18[%swap3A], %select_n3A {strides = array<i32>} : memref<16xf32, #tpu.memory_space<vmem>>, vector<16xf32>,
    %scan3A = arith.constant 0 : i32
    %scan3A_14 = arith.constant 0 : i32
    %scan3A_15 = arith.constant 128 : i32
    %scan3A_16 = arith.addi %scan3A_14, %scan3A_15 : i32
    %scan3A_17 = arith.constant 1 : i32
    scf.for %scan3A_44 = %scan3A_14 to %scan3A_16 step %scan3A_17  : i32 {
      %broadcast_in_dim3A = arith.constant 0.000000e+00 : f32
      %broadcast_in_dim3A_45 = vector.broadcast %broadcast_in_dim3A : f32 to vector<16xf32>
      %swap3A_46 = arith.index_cast %scan3A_44 : i32 to index
      %swap3A_47 = arith.constant 0 : index
      %swap3A_48 = tpu.vector_load %arg17[%swap3A_46, %swap3A_47] {strides = array<i32>} : memref<128x16xf32, #tpu.memory_space<vmem>>, vector<16xf32>,
      tpu.vector_store %arg17[%swap3A_46, %swap3A_47], %broadcast_in_dim3A_45 {strides = array<i32>} : memref<128x16xf32, #tpu.memory_space<vmem>>, vector<16xf32>,
    }
    %scan3A_18 = arith.constant 128 : i32
    %barrier3A = arith.constant 0 : index
    tpu.barrier barrier_id(%barrier3A)
    %iota3A = tpu.iota {dimensions = array<i32: 0>} : vector<16xi32>
    %get3A_19 = arith.constant 0 : index
    %get3A_20 = tpu.vector_load %arg18[%get3A_19] {strides = array<i32>} : memref<16xf32, #tpu.memory_space<vmem>>, vector<16xf32>,
    %slice3A = vector.extract_strided_slice %get3A_20 {offsets = [0], sizes = [1], strides = [1]} : vector<16xf32> to vector<1xf32>
    %squeeze3A = vector.extract %slice3A[0] : f32 from vector<1xf32>
    %slice3A_21 = vector.extract_strided_slice %get3A_20 {offsets = [1], sizes = [1], strides = [1]} : vector<16xf32> to vector<1xf32>
    %squeeze3A_22 = vector.extract %slice3A_21[0] : f32 from vector<1xf32>
    %slice3A_23 = vector.extract_strided_slice %get3A_20 {offsets = [2], sizes = [1], strides = [1]} : vector<16xf32> to vector<1xf32>
    %squeeze3A_24 = vector.extract %slice3A_23[0] : f32 from vector<1xf32>
    %slice3A_25 = vector.extract_strided_slice %get3A_20 {offsets = [3], sizes = [1], strides = [1]} : vector<16xf32> to vector<1xf32>
    %squeeze3A_26 = vector.extract %slice3A_25[0] : f32 from vector<1xf32>
    %slice3A_27 = vector.extract_strided_slice %get3A_20 {offsets = [4], sizes = [1], strides = [1]} : vector<16xf32> to vector<1xf32>
    %squeeze3A_28 = vector.extract %slice3A_27[0] : f32 from vector<1xf32>
    %slice3A_29 = vector.extract_strided_slice %get3A_20 {offsets = [5], sizes = [1], strides = [1]} : vector<16xf32> to vector<1xf32>
    %squeeze3A_30 = vector.extract %slice3A_29[0] : f32 from vector<1xf32>
    %slice3A_31 = vector.extract_strided_slice %get3A_20 {offsets = [6], sizes = [1], strides = [1]} : vector<16xf32> to vector<1xf32>
    %squeeze3A_32 = vector.extract %slice3A_31[0] : f32 from vector<1xf32>
    %slice3A_33 = vector.extract_strided_slice %get3A_20 {offsets = [7], sizes = [1], strides = [1]} : vector<16xf32> to vector<1xf32>
    %squeeze3A_34 = vector.extract %slice3A_33[0] : f32 from vector<1xf32>
    %mul3A_35 = arith.constant 10368 : i32
    %mul3A_36 = arith.muli %add3A, %mul3A_35 : i32
    %scan3A_37 = arith.constant 0 : i32
    %scan3A_38 = arith.constant 0 : i32
    %scan3A_39 = arith.constant 81 : i32
    %scan3A_40 = arith.addi %scan3A_38, %scan3A_39 : i32
    %scan3A_41 = arith.constant 1 : i32
    scf.for %scan3A_44 = %scan3A_38 to %scan3A_40 step %scan3A_41  : i32 {
      %mul3A_45 = arith.constant 128 : i32
      %mul3A_46 = arith.muli %scan3A_44, %mul3A_45 : i32
      %add3A_47 = arith.addi %mul3A_36, %mul3A_46 : i32
      "tpu.region"() ({
        %run_scoped3A_1050 = tpu.sem_alloc : memref<!tpu.dma_semaphore, #tpu.memory_space<semaphore_mem>>
        %dma_start3A_1051 = tpu.memref_slice %arg5[%add3A_47] : memref<331776xi32, #tpu.memory_space<hbm>> -> memref<128xi32, #tpu.memory_space<hbm>>
        %dma_start3A_1052 = tpu.memref_slice %arg5[%add3A_47] : memref<331776xi32, #tpu.memory_space<hbm>> -> memref<128xi32, #tpu.memory_space<hbm>>
        tpu.enqueue_dma source(%dma_start3A_1052 : memref<128xi32, #tpu.memory_space<hbm>>) target(%arg12 : memref<128xi32, #tpu.memory_space<vmem>>) target_semaphore(%run_scoped3A_1050 : memref<!tpu.dma_semaphore, #tpu.memory_space<semaphore_mem>>)
        %dma_wait3A_1053 = tpu.memref_slice %arg5[%add3A_47] : memref<331776xi32, #tpu.memory_space<hbm>> -> memref<128xi32, #tpu.memory_space<hbm>>
        %dma_wait3A_1054 = tpu.memref_slice %arg5[%add3A_47] : memref<331776xi32, #tpu.memory_space<hbm>> -> memref<128xi32, #tpu.memory_space<hbm>>
        tpu.wait_dma2 semaphore(%run_scoped3A_1050 : memref<!tpu.dma_semaphore, #tpu.memory_space<semaphore_mem>>) src(%dma_wait3A_1054 : memref<128xi32, #tpu.memory_space<hbm>>) dst(%arg12 : memref<128xi32, #tpu.memory_space<vmem>>)
        tpu.yield
      }) : () -> ()
      "tpu.region"() ({
        %run_scoped3A_1050 = tpu.sem_alloc : memref<!tpu.dma_semaphore, #tpu.memory_space<semaphore_mem>>
        %dma_start3A_1051 = tpu.memref_slice %arg6[%add3A_47] : memref<331776xi32, #tpu.memory_space<hbm>> -> memref<128xi32, #tpu.memory_space<hbm>>
        %dma_start3A_1052 = tpu.memref_slice %arg6[%add3A_47] : memref<331776xi32, #tpu.memory_space<hbm>> -> memref<128xi32, #tpu.memory_space<hbm>>
        tpu.enqueue_dma source(%dma_start3A_1052 : memref<128xi32, #tpu.memory_space<hbm>>) target(%arg13 : memref<128xi32, #tpu.memory_space<vmem>>) target_semaphore(%run_scoped3A_1050 : memref<!tpu.dma_semaphore, #tpu.memory_space<semaphore_mem>>)
        %dma_wait3A_1053 = tpu.memref_slice %arg6[%add3A_47] : memref<331776xi32, #tpu.memory_space<hbm>> -> memref<128xi32, #tpu.memory_space<hbm>>
        %dma_wait3A_1054 = tpu.memref_slice %arg6[%add3A_47] : memref<331776xi32, #tpu.memory_space<hbm>> -> memref<128xi32, #tpu.memory_space<hbm>>
        tpu.wait_dma2 semaphore(%run_scoped3A_1050 : memref<!tpu.dma_semaphore, #tpu.memory_space<semaphore_mem>>) src(%dma_wait3A_1054 : memref<128xi32, #tpu.memory_space<hbm>>) dst(%arg13 : memref<128xi32, #tpu.memory_space<vmem>>)
        tpu.yield
      }) : () -> ()
      %dma_start3A = arith.constant 0 : i32
      %dma_start3A_48 = arith.constant 0 : i32
      %dma_start3A_49 = tpu.memref_slice %arg2[%dma_start3A, %dma_start3A_48] : memref<10000x128xf32, #tpu.memory_space<hbm>> -> memref<10000x128xf32, #tpu.memory_space<hbm>>
      tpu.enqueue_indirect_dma source(%dma_start3A_49 : memref<10000x128xf32, #tpu.memory_space<hbm>>) target(%arg14 : memref<128x128xf32, #tpu.memory_space<vmem>>) offsets(%arg12 : memref<128xi32, #tpu.memory_space<vmem>>) semaphore(%arg22 : memref<!tpu.dma_semaphore, #tpu.memory_space<semaphore_mem>>)
      %dma_start3A_50 = arith.constant 0 : i32
      %dma_start3A_51 = arith.constant 0 : i32
      %dma_start3A_52 = tpu.memref_slice %arg3[%dma_start3A_50, %dma_start3A_51] : memref<10000x16xf32, #tpu.memory_space<hbm>> -> memref<10000x16xf32, #tpu.memory_space<hbm>>
      tpu.enqueue_indirect_dma source(%dma_start3A_52 : memref<10000x16xf32, #tpu.memory_space<hbm>>) target(%arg15 : memref<128x16xf32, #tpu.memory_space<vmem>>) offsets(%arg12 : memref<128xi32, #tpu.memory_space<vmem>>) semaphore(%arg23 : memref<!tpu.dma_semaphore, #tpu.memory_space<semaphore_mem>>)
      %dma_start3A_53 = arith.constant 0 : i32
      %dma_start3A_54 = arith.constant 0 : i32
      %dma_start3A_55 = tpu.memref_slice %arg4[%dma_start3A_53, %dma_start3A_54] : memref<10240x16xf32, #tpu.memory_space<hbm>> -> memref<10240x16xf32, #tpu.memory_space<hbm>>
      tpu.enqueue_indirect_dma source(%dma_start3A_55 : memref<10240x16xf32, #tpu.memory_space<hbm>>) target(%arg16 : memref<128x16xf32, #tpu.memory_space<vmem>>) offsets(%arg13 : memref<128xi32, #tpu.memory_space<vmem>>) semaphore(%arg24 : memref<!tpu.dma_semaphore, #tpu.memory_space<semaphore_mem>>)
      %dma_wait3A = arith.constant 0 : i32
      %dma_wait3A_56 = arith.constant 0 : i32
      %dma_wait3A_57 = tpu.memref_slice %arg2[%dma_wait3A, %dma_wait3A_56] : memref<10000x128xf32, #tpu.memory_space<hbm>> -> memref<10000x128xf32, #tpu.memory_space<hbm>>
      tpu.wait_indirect_dma semaphore(%arg22 : memref<!tpu.dma_semaphore, #tpu.memory_space<semaphore_mem>>) src(%dma_wait3A_57 : memref<10000x128xf32, #tpu.memory_space<hbm>>) dst(%arg14 : memref<128x128xf32, #tpu.memory_space<vmem>>)
      %dma_wait3A_58 = arith.constant 0 : i32
      %dma_wait3A_59 = arith.constant 0 : i32
      %dma_wait3A_60 = tpu.memref_slice %arg3[%dma_wait3A_58, %dma_wait3A_59] : memref<10000x16xf32, #tpu.memory_space<hbm>> -> memref<10000x16xf32, #tpu.memory_space<hbm>>
      tpu.wait_indirect_dma semaphore(%arg23 : memref<!tpu.dma_semaphore, #tpu.memory_space<semaphore_mem>>) src(%dma_wait3A_60 : memref<10000x16xf32, #tpu.memory_space<hbm>>) dst(%arg15 : memref<128x16xf32, #tpu.memory_space<vmem>>)
      %dma_wait3A_61 = arith.constant 0 : i32
      %dma_wait3A_62 = arith.constant 0 : i32
      %dma_wait3A_63 = tpu.memref_slice %arg4[%dma_wait3A_61, %dma_wait3A_62] : memref<10240x16xf32, #tpu.memory_space<hbm>> -> memref<10240x16xf32, #tpu.memory_space<hbm>>
      tpu.wait_indirect_dma semaphore(%arg24 : memref<!tpu.dma_semaphore, #tpu.memory_space<semaphore_mem>>) src(%dma_wait3A_63 : memref<10240x16xf32, #tpu.memory_space<hbm>>) dst(%arg16 : memref<128x16xf32, #tpu.memory_space<vmem>>)
      %add3A_64 = arith.constant 0 : i32
      %add3A_65 = vector.broadcast %add3A_64 : i32 to vector<16xi32>
      %add3A_66 = arith.addi %iota3A, %add3A_65 : vector<16xi32>
      %broadcast_in_dim3A = arith.constant 0 : i32
      %broadcast_in_dim3A_67 = vector.broadcast %broadcast_in_dim3A : i32 to vector<16xi32>
      %gather3A = tpu.vector_load_idx %arg15[%add3A_66, %broadcast_in_dim3A_67] : memref<128x16xf32, #tpu.memory_space<vmem>>[vector<16xi32>, vector<16xi32>], vector<16xf32>,
      %gather3A_68 = tpu.vector_load_idx %arg16[%add3A_66, %broadcast_in_dim3A_67] : memref<128x16xf32, #tpu.memory_space<vmem>>[vector<16xi32>, vector<16xi32>], vector<16xf32>,
      %add3A_69 = arith.addf %gather3A, %gather3A_68 : vector<16xf32>
      %gt3A_70 = arith.constant 0.000000e+00 : f32
      %gt3A_71 = vector.broadcast %gt3A_70 : f32 to vector<16xf32>
      %gt3A_72 = arith.cmpf ogt, %add3A_69, %gt3A_71 : vector<16xf32>
      %mul3A_73 = arith.constant 2.000000e-01 : f32
      %mul3A_74 = vector.broadcast %mul3A_73 : f32 to vector<16xf32>
      %mul3A_75 = arith.mulf %mul3A_74, %add3A_69 : vector<16xf32>
      %select_n3A_76 = arith.select %gt3A_72, %add3A_69, %mul3A_75 : vector<16xi1>, vector<16xf32>
      %sub3A = vector.broadcast %squeeze3A : f32 to vector<16xf32>
      %sub3A_77 = arith.subf %select_n3A_76, %sub3A : vector<16xf32>
      %exp3A = math.exp %sub3A_77 : vector<16xf32>
      tpu.vector_store_idx %arg17[%add3A_66, %broadcast_in_dim3A_67], %exp3A : memref<128x16xf32, #tpu.memory_space<vmem>>[vector<16xi32>, vector<16xi32>], vector<16xf32>,
      %broadcast_in_dim3A_78 = arith.constant 1 : i32
      %broadcast_in_dim3A_79 = vector.broadcast %broadcast_in_dim3A_78 : i32 to vector<16xi32>
      %gather3A_80 = tpu.vector_load_idx %arg15[%add3A_66, %broadcast_in_dim3A_79] : memref<128x16xf32, #tpu.memory_space<vmem>>[vector<16xi32>, vector<16xi32>], vector<16xf32>,
      %gather3A_81 = tpu.vector_load_idx %arg16[%add3A_66, %broadcast_in_dim3A_79] : memref<128x16xf32, #tpu.memory_space<vmem>>[vector<16xi32>, vector<16xi32>], vector<16xf32>,
      %add3A_82 = arith.addf %gather3A_80, %gather3A_81 : vector<16xf32>
      %gt3A_83 = arith.constant 0.000000e+00 : f32
      %gt3A_84 = vector.broadcast %gt3A_83 : f32 to vector<16xf32>
      %gt3A_85 = arith.cmpf ogt, %add3A_82, %gt3A_84 : vector<16xf32>
      %mul3A_86 = arith.constant 2.000000e-01 : f32
      %mul3A_87 = vector.broadcast %mul3A_86 : f32 to vector<16xf32>
      %mul3A_88 = arith.mulf %mul3A_87, %add3A_82 : vector<16xf32>
      %select_n3A_89 = arith.select %gt3A_85, %add3A_82, %mul3A_88 : vector<16xi1>, vector<16xf32>
      %sub3A_90 = vector.broadcast %squeeze3A_22 : f32 to vector<16xf32>
      %sub3A_91 = arith.subf %select_n3A_89, %sub3A_90 : vector<16xf32>
      %exp3A_92 = math.exp %sub3A_91 : vector<16xf32>
      tpu.vector_store_idx %arg17[%add3A_66, %broadcast_in_dim3A_79], %exp3A_92 : memref<128x16xf32, #tpu.memory_space<vmem>>[vector<16xi32>, vector<16xi32>], vector<16xf32>,
      %broadcast_in_dim3A_93 = arith.constant 2 : i32
      %broadcast_in_dim3A_94 = vector.broadcast %broadcast_in_dim3A_93 : i32 to vector<16xi32>
      %gather3A_95 = tpu.vector_load_idx %arg15[%add3A_66, %broadcast_in_dim3A_94] : memref<128x16xf32, #tpu.memory_space<vmem>>[vector<16xi32>, vector<16xi32>], vector<16xf32>,
      %gather3A_96 = tpu.vector_load_idx %arg16[%add3A_66, %broadcast_in_dim3A_94] : memref<128x16xf32, #tpu.memory_space<vmem>>[vector<16xi32>, vector<16xi32>], vector<16xf32>,
      %add3A_97 = arith.addf %gather3A_95, %gather3A_96 : vector<16xf32>
      %gt3A_98 = arith.constant 0.000000e+00 : f32
      %gt3A_99 = vector.broadcast %gt3A_98 : f32 to vector<16xf32>
      %gt3A_100 = arith.cmpf ogt, %add3A_97, %gt3A_99 : vector<16xf32>
      %mul3A_101 = arith.constant 2.000000e-01 : f32
      %mul3A_102 = vector.broadcast %mul3A_101 : f32 to vector<16xf32>
      %mul3A_103 = arith.mulf %mul3A_102, %add3A_97 : vector<16xf32>
      %select_n3A_104 = arith.select %gt3A_100, %add3A_97, %mul3A_103 : vector<16xi1>, vector<16xf32>
      %sub3A_105 = vector.broadcast %squeeze3A_24 : f32 to vector<16xf32>
      %sub3A_106 = arith.subf %select_n3A_104, %sub3A_105 : vector<16xf32>
      %exp3A_107 = math.exp %sub3A_106 : vector<16xf32>
      tpu.vector_store_idx %arg17[%add3A_66, %broadcast_in_dim3A_94], %exp3A_107 : memref<128x16xf32, #tpu.memory_space<vmem>>[vector<16xi32>, vector<16xi32>], vector<16xf32>,
      %broadcast_in_dim3A_108 = arith.constant 3 : i32
      %broadcast_in_dim3A_109 = vector.broadcast %broadcast_in_dim3A_108 : i32 to vector<16xi32>
      %gather3A_110 = tpu.vector_load_idx %arg15[%add3A_66, %broadcast_in_dim3A_109] : memref<128x16xf32, #tpu.memory_space<vmem>>[vector<16xi32>, vector<16xi32>], vector<16xf32>,
      %gather3A_111 = tpu.vector_load_idx %arg16[%add3A_66, %broadcast_in_dim3A_109] : memref<128x16xf32, #tpu.memory_space<vmem>>[vector<16xi32>, vector<16xi32>], vector<16xf32>,
      %add3A_112 = arith.addf %gather3A_110, %gather3A_111 : vector<16xf32>
      %gt3A_113 = arith.constant 0.000000e+00 : f32
      %gt3A_114 = vector.broadcast %gt3A_113 : f32 to vector<16xf32>
      %gt3A_115 = arith.cmpf ogt, %add3A_112, %gt3A_114 : vector<16xf32>
      %mul3A_116 = arith.constant 2.000000e-01 : f32
      %mul3A_117 = vector.broadcast %mul3A_116 : f32 to vector<16xf32>
      %mul3A_118 = arith.mulf %mul3A_117, %add3A_112 : vector<16xf32>
      %select_n3A_119 = arith.select %gt3A_115, %add3A_112, %mul3A_118 : vector<16xi1>, vector<16xf32>
      %sub3A_120 = vector.broadcast %squeeze3A_26 : f32 to vector<16xf32>
      %sub3A_121 = arith.subf %select_n3A_119, %sub3A_120 : vector<16xf32>
      %exp3A_122 = math.exp %sub3A_121 : vector<16xf32>
      tpu.vector_store_idx %arg17[%add3A_66, %broadcast_in_dim3A_109], %exp3A_122 : memref<128x16xf32, #tpu.memory_space<vmem>>[vector<16xi32>, vector<16xi32>], vector<16xf32>,
      %broadcast_in_dim3A_123 = arith.constant 4 : i32
      %broadcast_in_dim3A_124 = vector.broadcast %broadcast_in_dim3A_123 : i32 to vector<16xi32>
      %gather3A_125 = tpu.vector_load_idx %arg15[%add3A_66, %broadcast_in_dim3A_124] : memref<128x16xf32, #tpu.memory_space<vmem>>[vector<16xi32>, vector<16xi32>], vector<16xf32>,
      %gather3A_126 = tpu.vector_load_idx %arg16[%add3A_66, %broadcast_in_dim3A_124] : memref<128x16xf32, #tpu.memory_space<vmem>>[vector<16xi32>, vector<16xi32>], vector<16xf32>,
      %add3A_127 = arith.addf %gather3A_125, %gather3A_126 : vector<16xf32>
      %gt3A_128 = arith.constant 0.000000e+00 : f32
      %gt3A_129 = vector.broadcast %gt3A_128 : f32 to vector<16xf32>
      %gt3A_130 = arith.cmpf ogt, %add3A_127, %gt3A_129 : vector<16xf32>
      %mul3A_131 = arith.constant 2.000000e-01 : f32
      %mul3A_132 = vector.broadcast %mul3A_131 : f32 to vector<16xf32>
      %mul3A_133 = arith.mulf %mul3A_132, %add3A_127 : vector<16xf32>
      %select_n3A_134 = arith.select %gt3A_130, %add3A_127, %mul3A_133 : vector<16xi1>, vector<16xf32>
      %sub3A_135 = vector.broadcast %squeeze3A_28 : f32 to vector<16xf32>
      %sub3A_136 = arith.subf %select_n3A_134, %sub3A_135 : vector<16xf32>
      %exp3A_137 = math.exp %sub3A_136 : vector<16xf32>
      tpu.vector_store_idx %arg17[%add3A_66, %broadcast_in_dim3A_124], %exp3A_137 : memref<128x16xf32, #tpu.memory_space<vmem>>[vector<16xi32>, vector<16xi32>], vector<16xf32>,
      %broadcast_in_dim3A_138 = arith.constant 5 : i32
      %broadcast_in_dim3A_139 = vector.broadcast %broadcast_in_dim3A_138 : i32 to vector<16xi32>
      %gather3A_140 = tpu.vector_load_idx %arg15[%add3A_66, %broadcast_in_dim3A_139] : memref<128x16xf32, #tpu.memory_space<vmem>>[vector<16xi32>, vector<16xi32>], vector<16xf32>,
      %gather3A_141 = tpu.vector_load_idx %arg16[%add3A_66, %broadcast_in_dim3A_139] : memref<128x16xf32, #tpu.memory_space<vmem>>[vector<16xi32>, vector<16xi32>], vector<16xf32>,
      %add3A_142 = arith.addf %gather3A_140, %gather3A_141 : vector<16xf32>
      %gt3A_143 = arith.constant 0.000000e+00 : f32
      %gt3A_144 = vector.broadcast %gt3A_143 : f32 to vector<16xf32>
      %gt3A_145 = arith.cmpf ogt, %add3A_142, %gt3A_144 : vector<16xf32>
      %mul3A_146 = arith.constant 2.000000e-01 : f32
      %mul3A_147 = vector.broadcast %mul3A_146 : f32 to vector<16xf32>
      %mul3A_148 = arith.mulf %mul3A_147, %add3A_142 : vector<16xf32>
      %select_n3A_149 = arith.select %gt3A_145, %add3A_142, %mul3A_148 : vector<16xi1>, vector<16xf32>
      %sub3A_150 = vector.broadcast %squeeze3A_30 : f32 to vector<16xf32>
      %sub3A_151 = arith.subf %select_n3A_149, %sub3A_150 : vector<16xf32>
      %exp3A_152 = math.exp %sub3A_151 : vector<16xf32>
      tpu.vector_store_idx %arg17[%add3A_66, %broadcast_in_dim3A_139], %exp3A_152 : memref<128x16xf32, #tpu.memory_space<vmem>>[vector<16xi32>, vector<16xi32>], vector<16xf32>,
      %broadcast_in_dim3A_153 = arith.constant 6 : i32
      %broadcast_in_dim3A_154 = vector.broadcast %broadcast_in_dim3A_153 : i32 to vector<16xi32>
      %gather3A_155 = tpu.vector_load_idx %arg15[%add3A_66, %broadcast_in_dim3A_154] : memref<128x16xf32, #tpu.memory_space<vmem>>[vector<16xi32>, vector<16xi32>], vector<16xf32>,
      %gather3A_156 = tpu.vector_load_idx %arg16[%add3A_66, %broadcast_in_dim3A_154] : memref<128x16xf32, #tpu.memory_space<vmem>>[vector<16xi32>, vector<16xi32>], vector<16xf32>,
      %add3A_157 = arith.addf %gather3A_155, %gather3A_156 : vector<16xf32>
      %gt3A_158 = arith.constant 0.000000e+00 : f32
      %gt3A_159 = vector.broadcast %gt3A_158 : f32 to vector<16xf32>
      %gt3A_160 = arith.cmpf ogt, %add3A_157, %gt3A_159 : vector<16xf32>
      %mul3A_161 = arith.constant 2.000000e-01 : f32
      %mul3A_162 = vector.broadcast %mul3A_161 : f32 to vector<16xf32>
      %mul3A_163 = arith.mulf %mul3A_162, %add3A_157 : vector<16xf32>
      %select_n3A_164 = arith.select %gt3A_160, %add3A_157, %mul3A_163 : vector<16xi1>, vector<16xf32>
      %sub3A_165 = vector.broadcast %squeeze3A_32 : f32 to vector<16xf32>
      %sub3A_166 = arith.subf %select_n3A_164, %sub3A_165 : vector<16xf32>
      %exp3A_167 = math.exp %sub3A_166 : vector<16xf32>
      tpu.vector_store_idx %arg17[%add3A_66, %broadcast_in_dim3A_154], %exp3A_167 : memref<128x16xf32, #tpu.memory_space<vmem>>[vector<16xi32>, vector<16xi32>], vector<16xf32>,
      %broadcast_in_dim3A_168 = arith.constant 7 : i32
      %broadcast_in_dim3A_169 = vector.broadcast %broadcast_in_dim3A_168 : i32 to vector<16xi32>
      %gather3A_170 = tpu.vector_load_idx %arg15[%add3A_66, %broadcast_in_dim3A_169] : memref<128x16xf32, #tpu.memory_space<vmem>>[vector<16xi32>, vector<16xi32>], vector<16xf32>,
      %gather3A_171 = tpu.vector_load_idx %arg16[%add3A_66, %broadcast_in_dim3A_169] : memref<128x16xf32, #tpu.memory_space<vmem>>[vector<16xi32>, vector<16xi32>], vector<16xf32>,
      %add3A_172 = arith.addf %gather3A_170, %gather3A_171 : vector<16xf32>
      %gt3A_173 = arith.constant 0.000000e+00 : f32
      %gt3A_174 = vector.broadcast %gt3A_173 : f32 to vector<16xf32>
      %gt3A_175 = arith.cmpf ogt, %add3A_172, %gt3A_174 : vector<16xf32>
      %mul3A_176 = arith.constant 2.000000e-01 : f32
      %mul3A_177 = vector.broadcast %mul3A_176 : f32 to vector<16xf32>
      %mul3A_178 = arith.mulf %mul3A_177, %add3A_172 : vector<16xf32>
      %select_n3A_179 = arith.select %gt3A_175, %add3A_172, %mul3A_178 : vector<16xi1>, vector<16xf32>
      %sub3A_180 = vector.broadcast %squeeze3A_34 : f32 to vector<16xf32>
      %sub3A_181 = arith.subf %select_n3A_179, %sub3A_180 : vector<16xf32>
      %exp3A_182 = math.exp %sub3A_181 : vector<16xf32>
      tpu.vector_store_idx %arg17[%add3A_66, %broadcast_in_dim3A_169], %exp3A_182 : memref<128x16xf32, #tpu.memory_space<vmem>>[vector<16xi32>, vector<16xi32>], vector<16xf32>,
      %add3A_183 = arith.constant 16 : i32
      %add3A_184 = vector.broadcast %add3A_183 : i32 to vector<16xi32>
      %add3A_185 = arith.addi %iota3A, %add3A_184 : vector<16xi32>
      %broadcast_in_dim3A_186 = arith.constant 0 : i32
      %broadcast_in_dim3A_187 = vector.broadcast %broadcast_in_dim3A_186 : i32 to vector<16xi32>
      %gather3A_188 = tpu.vector_load_idx %arg15[%add3A_185, %broadcast_in_dim3A_187] : memref<128x16xf32, #tpu.memory_space<vmem>>[vector<16xi32>, vector<16xi32>], vector<16xf32>,
      %gather3A_189 = tpu.vector_load_idx %arg16[%add3A_185, %broadcast_in_dim3A_187] : memref<128x16xf32, #tpu.memory_space<vmem>>[vector<16xi32>, vector<16xi32>], vector<16xf32>,
      %add3A_190 = arith.addf %gather3A_188, %gather3A_189 : vector<16xf32>
      %gt3A_191 = arith.constant 0.000000e+00 : f32
      %gt3A_192 = vector.broadcast %gt3A_191 : f32 to vector<16xf32>
      %gt3A_193 = arith.cmpf ogt, %add3A_190, %gt3A_192 : vector<16xf32>
      %mul3A_194 = arith.constant 2.000000e-01 : f32
      %mul3A_195 = vector.broadcast %mul3A_194 : f32 to vector<16xf32>
      %mul3A_196 = arith.mulf %mul3A_195, %add3A_190 : vector<16xf32>
      %select_n3A_197 = arith.select %gt3A_193, %add3A_190, %mul3A_196 : vector<16xi1>, vector<16xf32>
      %sub3A_198 = vector.broadcast %squeeze3A : f32 to vector<16xf32>
      %sub3A_199 = arith.subf %select_n3A_197, %sub3A_198 : vector<16xf32>
      %exp3A_200 = math.exp %sub3A_199 : vector<16xf32>
      tpu.vector_store_idx %arg17[%add3A_185, %broadcast_in_dim3A_187], %exp3A_200 : memref<128x16xf32, #tpu.memory_space<vmem>>[vector<16xi32>, vector<16xi32>], vector<16xf32>,
      %broadcast_in_dim3A_201 = arith.constant 1 : i32
      %broadcast_in_dim3A_202 = vector.broadcast %broadcast_in_dim3A_201 : i32 to vector<16xi32>
      %gather3A_203 = tpu.vector_load_idx %arg15[%add3A_185, %broadcast_in_dim3A_202] : memref<128x16xf32, #tpu.memory_space<vmem>>[vector<16xi32>, vector<16xi32>], vector<16xf32>,
      %gather3A_204 = tpu.vector_load_idx %arg16[%add3A_185, %broadcast_in_dim3A_202] : memref<128x16xf32, #tpu.memory_space<vmem>>[vector<16xi32>, vector<16xi32>], vector<16xf32>,
      %add3A_205 = arith.addf %gather3A_203, %gather3A_204 : vector<16xf32>
      %gt3A_206 = arith.constant 0.000000e+00 : f32
      %gt3A_207 = vector.broadcast %gt3A_206 : f32 to vector<16xf32>
      %gt3A_208 = arith.cmpf ogt, %add3A_205, %gt3A_207 : vector<16xf32>
      %mul3A_209 = arith.constant 2.000000e-01 : f32
      %mul3A_210 = vector.broadcast %mul3A_209 : f32 to vector<16xf32>
      %mul3A_211 = arith.mulf %mul3A_210, %add3A_205 : vector<16xf32>
      %select_n3A_212 = arith.select %gt3A_208, %add3A_205, %mul3A_211 : vector<16xi1>, vector<16xf32>
      %sub3A_213 = vector.broadcast %squeeze3A_22 : f32 to vector<16xf32>
      %sub3A_214 = arith.subf %select_n3A_212, %sub3A_213 : vector<16xf32>
      %exp3A_215 = math.exp %sub3A_214 : vector<16xf32>
      tpu.vector_store_idx %arg17[%add3A_185, %broadcast_in_dim3A_202], %exp3A_215 : memref<128x16xf32, #tpu.memory_space<vmem>>[vector<16xi32>, vector<16xi32>], vector<16xf32>,
      %broadcast_in_dim3A_216 = arith.constant 2 : i32
      %broadcast_in_dim3A_217 = vector.broadcast %broadcast_in_dim3A_216 : i32 to vector<16xi32>
      %gather3A_218 = tpu.vector_load_idx %arg15[%add3A_185, %broadcast_in_dim3A_217] : memref<128x16xf32, #tpu.memory_space<vmem>>[vector<16xi32>, vector<16xi32>], vector<16xf32>,
      %gather3A_219 = tpu.vector_load_idx %arg16[%add3A_185, %broadcast_in_dim3A_217] : memref<128x16xf32, #tpu.memory_space<vmem>>[vector<16xi32>, vector<16xi32>], vector<16xf32>,
      %add3A_220 = arith.addf %gather3A_218, %gather3A_219 : vector<16xf32>
      %gt3A_221 = arith.constant 0.000000e+00 : f32
      %gt3A_222 = vector.broadcast %gt3A_221 : f32 to vector<16xf32>
      %gt3A_223 = arith.cmpf ogt, %add3A_220, %gt3A_222 : vector<16xf32>
      %mul3A_224 = arith.constant 2.000000e-01 : f32
      %mul3A_225 = vector.broadcast %mul3A_224 : f32 to vector<16xf32>
      %mul3A_226 = arith.mulf %mul3A_225, %add3A_220 : vector<16xf32>
      %select_n3A_227 = arith.select %gt3A_223, %add3A_220, %mul3A_226 : vector<16xi1>, vector<16xf32>
      %sub3A_228 = vector.broadcast %squeeze3A_24 : f32 to vector<16xf32>
      %sub3A_229 = arith.subf %select_n3A_227, %sub3A_228 : vector<16xf32>
      %exp3A_230 = math.exp %sub3A_229 : vector<16xf32>
      tpu.vector_store_idx %arg17[%add3A_185, %broadcast_in_dim3A_217], %exp3A_230 : memref<128x16xf32, #tpu.memory_space<vmem>>[vector<16xi32>, vector<16xi32>], vector<16xf32>,
      %broadcast_in_dim3A_231 = arith.constant 3 : i32
      %broadcast_in_dim3A_232 = vector.broadcast %broadcast_in_dim3A_231 : i32 to vector<16xi32>
      %gather3A_233 = tpu.vector_load_idx %arg15[%add3A_185, %broadcast_in_dim3A_232] : memref<128x16xf32, #tpu.memory_space<vmem>>[vector<16xi32>, vector<16xi32>], vector<16xf32>,
      %gather3A_234 = tpu.vector_load_idx %arg16[%add3A_185, %broadcast_in_dim3A_232] : memref<128x16xf32, #tpu.memory_space<vmem>>[vector<16xi32>, vector<16xi32>], vector<16xf32>,
      %add3A_235 = arith.addf %gather3A_233, %gather3A_234 : vector<16xf32>
      %gt3A_236 = arith.constant 0.000000e+00 : f32
      %gt3A_237 = vector.broadcast %gt3A_236 : f32 to vector<16xf32>
      %gt3A_238 = arith.cmpf ogt, %add3A_235, %gt3A_237 : vector<16xf32>
      %mul3A_239 = arith.constant 2.000000e-01 : f32
      %mul3A_240 = vector.broadcast %mul3A_239 : f32 to vector<16xf32>
      %mul3A_241 = arith.mulf %mul3A_240, %add3A_235 : vector<16xf32>
      %select_n3A_242 = arith.select %gt3A_238, %add3A_235, %mul3A_241 : vector<16xi1>, vector<16xf32>
      %sub3A_243 = vector.broadcast %squeeze3A_26 : f32 to vector<16xf32>
      %sub3A_244 = arith.subf %select_n3A_242, %sub3A_243 : vector<16xf32>
      %exp3A_245 = math.exp %sub3A_244 : vector<16xf32>
      tpu.vector_store_idx %arg17[%add3A_185, %broadcast_in_dim3A_232], %exp3A_245 : memref<128x16xf32, #tpu.memory_space<vmem>>[vector<16xi32>, vector<16xi32>], vector<16xf32>,
      %broadcast_in_dim3A_246 = arith.constant 4 : i32
      %broadcast_in_dim3A_247 = vector.broadcast %broadcast_in_dim3A_246 : i32 to vector<16xi32>
      %gather3A_248 = tpu.vector_load_idx %arg15[%add3A_185, %broadcast_in_dim3A_247] : memref<128x16xf32, #tpu.memory_space<vmem>>[vector<16xi32>, vector<16xi32>], vector<16xf32>,
      %gather3A_249 = tpu.vector_load_idx %arg16[%add3A_185, %broadcast_in_dim3A_247] : memref<128x16xf32, #tpu.memory_space<vmem>>[vector<16xi32>, vector<16xi32>], vector<16xf32>,
      %add3A_250 = arith.addf %gather3A_248, %gather3A_249 : vector<16xf32>
      %gt3A_251 = arith.constant 0.000000e+00 : f32
      %gt3A_252 = vector.broadcast %gt3A_251 : f32 to vector<16xf32>
      %gt3A_253 = arith.cmpf ogt, %add3A_250, %gt3A_252 : vector<16xf32>
      %mul3A_254 = arith.constant 2.000000e-01 : f32
      %mul3A_255 = vector.broadcast %mul3A_254 : f32 to vector<16xf32>
      %mul3A_256 = arith.mulf %mul3A_255, %add3A_250 : vector<16xf32>
      %select_n3A_257 = arith.select %gt3A_253, %add3A_250, %mul3A_256 : vector<16xi1>, vector<16xf32>
      %sub3A_258 = vector.broadcast %squeeze3A_28 : f32 to vector<16xf32>
      %sub3A_259 = arith.subf %select_n3A_257, %sub3A_258 : vector<16xf32>
      %exp3A_260 = math.exp %sub3A_259 : vector<16xf32>
      tpu.vector_store_idx %arg17[%add3A_185, %broadcast_in_dim3A_247], %exp3A_260 : memref<128x16xf32, #tpu.memory_space<vmem>>[vector<16xi32>, vector<16xi32>], vector<16xf32>,
      %broadcast_in_dim3A_261 = arith.constant 5 : i32
      %broadcast_in_dim3A_262 = vector.broadcast %broadcast_in_dim3A_261 : i32 to vector<16xi32>
      %gather3A_263 = tpu.vector_load_idx %arg15[%add3A_185, %broadcast_in_dim3A_262] : memref<128x16xf32, #tpu.memory_space<vmem>>[vector<16xi32>, vector<16xi32>], vector<16xf32>,
      %gather3A_264 = tpu.vector_load_idx %arg16[%add3A_185, %broadcast_in_dim3A_262] : memref<128x16xf32, #tpu.memory_space<vmem>>[vector<16xi32>, vector<16xi32>], vector<16xf32>,
      %add3A_265 = arith.addf %gather3A_263, %gather3A_264 : vector<16xf32>
      %gt3A_266 = arith.constant 0.000000e+00 : f32
      %gt3A_267 = vector.broadcast %gt3A_266 : f32 to vector<16xf32>
      %gt3A_268 = arith.cmpf ogt, %add3A_265, %gt3A_267 : vector<16xf32>
      %mul3A_269 = arith.constant 2.000000e-01 : f32
      %mul3A_270 = vector.broadcast %mul3A_269 : f32 to vector<16xf32>
      %mul3A_271 = arith.mulf %mul3A_270, %add3A_265 : vector<16xf32>
      %select_n3A_272 = arith.select %gt3A_268, %add3A_265, %mul3A_271 : vector<16xi1>, vector<16xf32>
      %sub3A_273 = vector.broadcast %squeeze3A_30 : f32 to vector<16xf32>
      %sub3A_274 = arith.subf %select_n3A_272, %sub3A_273 : vector<16xf32>
      %exp3A_275 = math.exp %sub3A_274 : vector<16xf32>
      tpu.vector_store_idx %arg17[%add3A_185, %broadcast_in_dim3A_262], %exp3A_275 : memref<128x16xf32, #tpu.memory_space<vmem>>[vector<16xi32>, vector<16xi32>], vector<16xf32>,
      %broadcast_in_dim3A_276 = arith.constant 6 : i32
      %broadcast_in_dim3A_277 = vector.broadcast %broadcast_in_dim3A_276 : i32 to vector<16xi32>
      %gather3A_278 = tpu.vector_load_idx %arg15[%add3A_185, %broadcast_in_dim3A_277] : memref<128x16xf32, #tpu.memory_space<vmem>>[vector<16xi32>, vector<16xi32>], vector<16xf32>,
      %gather3A_279 = tpu.vector_load_idx %arg16[%add3A_185, %broadcast_in_dim3A_277] : memref<128x16xf32, #tpu.memory_space<vmem>>[vector<16xi32>, vector<16xi32>], vector<16xf32>,
      %add3A_280 = arith.addf %gather3A_278, %gather3A_279 : vector<16xf32>
      %gt3A_281 = arith.constant 0.000000e+00 : f32
      %gt3A_282 = vector.broadcast %gt3A_281 : f32 to vector<16xf32>
      %gt3A_283 = arith.cmpf ogt, %add3A_280, %gt3A_282 : vector<16xf32>
      %mul3A_284 = arith.constant 2.000000e-01 : f32
      %mul3A_285 = vector.broadcast %mul3A_284 : f32 to vector<16xf32>
      %mul3A_286 = arith.mulf %mul3A_285, %add3A_280 : vector<16xf32>
      %select_n3A_287 = arith.select %gt3A_283, %add3A_280, %mul3A_286 : vector<16xi1>, vector<16xf32>
      %sub3A_288 = vector.broadcast %squeeze3A_32 : f32 to vector<16xf32>
      %sub3A_289 = arith.subf %select_n3A_287, %sub3A_288 : vector<16xf32>
      %exp3A_290 = math.exp %sub3A_289 : vector<16xf32>
      tpu.vector_store_idx %arg17[%add3A_185, %broadcast_in_dim3A_277], %exp3A_290 : memref<128x16xf32, #tpu.memory_space<vmem>>[vector<16xi32>, vector<16xi32>], vector<16xf32>,
      %broadcast_in_dim3A_291 = arith.constant 7 : i32
      %broadcast_in_dim3A_292 = vector.broadcast %broadcast_in_dim3A_291 : i32 to vector<16xi32>
      %gather3A_293 = tpu.vector_load_idx %arg15[%add3A_185, %broadcast_in_dim3A_292] : memref<128x16xf32, #tpu.memory_space<vmem>>[vector<16xi32>, vector<16xi32>], vector<16xf32>,
      %gather3A_294 = tpu.vector_load_idx %arg16[%add3A_185, %broadcast_in_dim3A_292] : memref<128x16xf32, #tpu.memory_space<vmem>>[vector<16xi32>, vector<16xi32>], vector<16xf32>,
      %add3A_295 = arith.addf %gather3A_293, %gather3A_294 : vector<16xf32>
      %gt3A_296 = arith.constant 0.000000e+00 : f32
      %gt3A_297 = vector.broadcast %gt3A_296 : f32 to vector<16xf32>
      %gt3A_298 = arith.cmpf ogt, %add3A_295, %gt3A_297 : vector<16xf32>
      %mul3A_299 = arith.constant 2.000000e-01 : f32
      %mul3A_300 = vector.broadcast %mul3A_299 : f32 to vector<16xf32>
      %mul3A_301 = arith.mulf %mul3A_300, %add3A_295 : vector<16xf32>
      %select_n3A_302 = arith.select %gt3A_298, %add3A_295, %mul3A_301 : vector<16xi1>, vector<16xf32>
      %sub3A_303 = vector.broadcast %squeeze3A_34 : f32 to vector<16xf32>
      %sub3A_304 = arith.subf %select_n3A_302, %sub3A_303 : vector<16xf32>
      %exp3A_305 = math.exp %sub3A_304 : vector<16xf32>
      tpu.vector_store_idx %arg17[%add3A_185, %broadcast_in_dim3A_292], %exp3A_305 : memref<128x16xf32, #tpu.memory_space<vmem>>[vector<16xi32>, vector<16xi32>], vector<16xf32>,
      %add3A_306 = arith.constant 32 : i32
      %add3A_307 = vector.broadcast %add3A_306 : i32 to vector<16xi32>
      %add3A_308 = arith.addi %iota3A, %add3A_307 : vector<16xi32>
      %broadcast_in_dim3A_309 = arith.constant 0 : i32
      %broadcast_in_dim3A_310 = vector.broadcast %broadcast_in_dim3A_309 : i32 to vector<16xi32>
      %gather3A_311 = tpu.vector_load_idx %arg15[%add3A_308, %broadcast_in_dim3A_310] : memref<128x16xf32, #tpu.memory_space<vmem>>[vector<16xi32>, vector<16xi32>], vector<16xf32>,
      %gather3A_312 = tpu.vector_load_idx %arg16[%add3A_308, %broadcast_in_dim3A_310] : memref<128x16xf32, #tpu.memory_space<vmem>>[vector<16xi32>, vector<16xi32>], vector<16xf32>,
      %add3A_313 = arith.addf %gather3A_311, %gather3A_312 : vector<16xf32>
      %gt3A_314 = arith.constant 0.000000e+00 : f32
      %gt3A_315 = vector.broadcast %gt3A_314 : f32 to vector<16xf32>
      %gt3A_316 = arith.cmpf ogt, %add3A_313, %gt3A_315 : vector<16xf32>
      %mul3A_317 = arith.constant 2.000000e-01 : f32
      %mul3A_318 = vector.broadcast %mul3A_317 : f32 to vector<16xf32>
      %mul3A_319 = arith.mulf %mul3A_318, %add3A_313 : vector<16xf32>
      %select_n3A_320 = arith.select %gt3A_316, %add3A_313, %mul3A_319 : vector<16xi1>, vector<16xf32>
      %sub3A_321 = vector.broadcast %squeeze3A : f32 to vector<16xf32>
      %sub3A_322 = arith.subf %select_n3A_320, %sub3A_321 : vector<16xf32>
      %exp3A_323 = math.exp %sub3A_322 : vector<16xf32>
      tpu.vector_store_idx %arg17[%add3A_308, %broadcast_in_dim3A_310], %exp3A_323 : memref<128x16xf32, #tpu.memory_space<vmem>>[vector<16xi32>, vector<16xi32>], vector<16xf32>,
      %broadcast_in_dim3A_324 = arith.constant 1 : i32
      %broadcast_in_dim3A_325 = vector.broadcast %broadcast_in_dim3A_324 : i32 to vector<16xi32>
      %gather3A_326 = tpu.vector_load_idx %arg15[%add3A_308, %broadcast_in_dim3A_325] : memref<128x16xf32, #tpu.memory_space<vmem>>[vector<16xi32>, vector<16xi32>], vector<16xf32>,
      %gather3A_327 = tpu.vector_load_idx %arg16[%add3A_308, %broadcast_in_dim3A_325] : memref<128x16xf32, #tpu.memory_space<vmem>>[vector<16xi32>, vector<16xi32>], vector<16xf32>,
      %add3A_328 = arith.addf %gather3A_326, %gather3A_327 : vector<16xf32>
      %gt3A_329 = arith.constant 0.000000e+00 : f32
      %gt3A_330 = vector.broadcast %gt3A_329 : f32 to vector<16xf32>
      %gt3A_331 = arith.cmpf ogt, %add3A_328, %gt3A_330 : vector<16xf32>
      %mul3A_332 = arith.constant 2.000000e-01 : f32
      %mul3A_333 = vector.broadcast %mul3A_332 : f32 to vector<16xf32>
      %mul3A_334 = arith.mulf %mul3A_333, %add3A_328 : vector<16xf32>
      %select_n3A_335 = arith.select %gt3A_331, %add3A_328, %mul3A_334 : vector<16xi1>, vector<16xf32>
      %sub3A_336 = vector.broadcast %squeeze3A_22 : f32 to vector<16xf32>
      %sub3A_337 = arith.subf %select_n3A_335, %sub3A_336 : vector<16xf32>
      %exp3A_338 = math.exp %sub3A_337 : vector<16xf32>
      tpu.vector_store_idx %arg17[%add3A_308, %broadcast_in_dim3A_325], %exp3A_338 : memref<128x16xf32, #tpu.memory_space<vmem>>[vector<16xi32>, vector<16xi32>], vector<16xf32>,
      %broadcast_in_dim3A_339 = arith.constant 2 : i32
      %broadcast_in_dim3A_340 = vector.broadcast %broadcast_in_dim3A_339 : i32 to vector<16xi32>
      %gather3A_341 = tpu.vector_load_idx %arg15[%add3A_308, %broadcast_in_dim3A_340] : memref<128x16xf32, #tpu.memory_space<vmem>>[vector<16xi32>, vector<16xi32>], vector<16xf32>,
      %gather3A_342 = tpu.vector_load_idx %arg16[%add3A_308, %broadcast_in_dim3A_340] : memref<128x16xf32, #tpu.memory_space<vmem>>[vector<16xi32>, vector<16xi32>], vector<16xf32>,
      %add3A_343 = arith.addf %gather3A_341, %gather3A_342 : vector<16xf32>
      %gt3A_344 = arith.constant 0.000000e+00 : f32
      %gt3A_345 = vector.broadcast %gt3A_344 : f32 to vector<16xf32>
      %gt3A_346 = arith.cmpf ogt, %add3A_343, %gt3A_345 : vector<16xf32>
      %mul3A_347 = arith.constant 2.000000e-01 : f32
      %mul3A_348 = vector.broadcast %mul3A_347 : f32 to vector<16xf32>
      %mul3A_349 = arith.mulf %mul3A_348, %add3A_343 : vector<16xf32>
      %select_n3A_350 = arith.select %gt3A_346, %add3A_343, %mul3A_349 : vector<16xi1>, vector<16xf32>
      %sub3A_351 = vector.broadcast %squeeze3A_24 : f32 to vector<16xf32>
      %sub3A_352 = arith.subf %select_n3A_350, %sub3A_351 : vector<16xf32>
      %exp3A_353 = math.exp %sub3A_352 : vector<16xf32>
      tpu.vector_store_idx %arg17[%add3A_308, %broadcast_in_dim3A_340], %exp3A_353 : memref<128x16xf32, #tpu.memory_space<vmem>>[vector<16xi32>, vector<16xi32>], vector<16xf32>,
      %broadcast_in_dim3A_354 = arith.constant 3 : i32
      %broadcast_in_dim3A_355 = vector.broadcast %broadcast_in_dim3A_354 : i32 to vector<16xi32>
      %gather3A_356 = tpu.vector_load_idx %arg15[%add3A_308, %broadcast_in_dim3A_355] : memref<128x16xf32, #tpu.memory_space<vmem>>[vector<16xi32>, vector<16xi32>], vector<16xf32>,
      %gather3A_357 = tpu.vector_load_idx %arg16[%add3A_308, %broadcast_in_dim3A_355] : memref<128x16xf32, #tpu.memory_space<vmem>>[vector<16xi32>, vector<16xi32>], vector<16xf32>,
      %add3A_358 = arith.addf %gather3A_356, %gather3A_357 : vector<16xf32>
      %gt3A_359 = arith.constant 0.000000e+00 : f32
      %gt3A_360 = vector.broadcast %gt3A_359 : f32 to vector<16xf32>
      %gt3A_361 = arith.cmpf ogt, %add3A_358, %gt3A_360 : vector<16xf32>
      %mul3A_362 = arith.constant 2.000000e-01 : f32
      %mul3A_363 = vector.broadcast %mul3A_362 : f32 to vector<16xf32>
      %mul3A_364 = arith.mulf %mul3A_363, %add3A_358 : vector<16xf32>
      %select_n3A_365 = arith.select %gt3A_361, %add3A_358, %mul3A_364 : vector<16xi1>, vector<16xf32>
      %sub3A_366 = vector.broadcast %squeeze3A_26 : f32 to vector<16xf32>
      %sub3A_367 = arith.subf %select_n3A_365, %sub3A_366 : vector<16xf32>
      %exp3A_368 = math.exp %sub3A_367 : vector<16xf32>
      tpu.vector_store_idx %arg17[%add3A_308, %broadcast_in_dim3A_355], %exp3A_368 : memref<128x16xf32, #tpu.memory_space<vmem>>[vector<16xi32>, vector<16xi32>], vector<16xf32>,
      %broadcast_in_dim3A_369 = arith.constant 4 : i32
      %broadcast_in_dim3A_370 = vector.broadcast %broadcast_in_dim3A_369 : i32 to vector<16xi32>
      %gather3A_371 = tpu.vector_load_idx %arg15[%add3A_308, %broadcast_in_dim3A_370] : memref<128x16xf32, #tpu.memory_space<vmem>>[vector<16xi32>, vector<16xi32>], vector<16xf32>,
      %gather3A_372 = tpu.vector_load_idx %arg16[%add3A_308, %broadcast_in_dim3A_370] : memref<128x16xf32, #tpu.memory_space<vmem>>[vector<16xi32>, vector<16xi32>], vector<16xf32>,
      %add3A_373 = arith.addf %gather3A_371, %gather3A_372 : vector<16xf32>
      %gt3A_374 = arith.constant 0.000000e+00 : f32
      %gt3A_375 = vector.broadcast %gt3A_374 : f32 to vector<16xf32>
      %gt3A_376 = arith.cmpf ogt, %add3A_373, %gt3A_375 : vector<16xf32>
      %mul3A_377 = arith.constant 2.000000e-01 : f32
      %mul3A_378 = vector.broadcast %mul3A_377 : f32 to vector<16xf32>
      %mul3A_379 = arith.mulf %mul3A_378, %add3A_373 : vector<16xf32>
      %select_n3A_380 = arith.select %gt3A_376, %add3A_373, %mul3A_379 : vector<16xi1>, vector<16xf32>
      %sub3A_381 = vector.broadcast %squeeze3A_28 : f32 to vector<16xf32>
      %sub3A_382 = arith.subf %select_n3A_380, %sub3A_381 : vector<16xf32>
      %exp3A_383 = math.exp %sub3A_382 : vector<16xf32>
      tpu.vector_store_idx %arg17[%add3A_308, %broadcast_in_dim3A_370], %exp3A_383 : memref<128x16xf32, #tpu.memory_space<vmem>>[vector<16xi32>, vector<16xi32>], vector<16xf32>,
      %broadcast_in_dim3A_384 = arith.constant 5 : i32
      %broadcast_in_dim3A_385 = vector.broadcast %broadcast_in_dim3A_384 : i32 to vector<16xi32>
      %gather3A_386 = tpu.vector_load_idx %arg15[%add3A_308, %broadcast_in_dim3A_385] : memref<128x16xf32, #tpu.memory_space<vmem>>[vector<16xi32>, vector<16xi32>], vector<16xf32>,
      %gather3A_387 = tpu.vector_load_idx %arg16[%add3A_308, %broadcast_in_dim3A_385] : memref<128x16xf32, #tpu.memory_space<vmem>>[vector<16xi32>, vector<16xi32>], vector<16xf32>,
      %add3A_388 = arith.addf %gather3A_386, %gather3A_387 : vector<16xf32>
      %gt3A_389 = arith.constant 0.000000e+00 : f32
      %gt3A_390 = vector.broadcast %gt3A_389 : f32 to vector<16xf32>
      %gt3A_391 = arith.cmpf ogt, %add3A_388, %gt3A_390 : vector<16xf32>
      %mul3A_392 = arith.constant 2.000000e-01 : f32
      %mul3A_393 = vector.broadcast %mul3A_392 : f32 to vector<16xf32>
      %mul3A_394 = arith.mulf %mul3A_393, %add3A_388 : vector<16xf32>
      %select_n3A_395 = arith.select %gt3A_391, %add3A_388, %mul3A_394 : vector<16xi1>, vector<16xf32>
      %sub3A_396 = vector.broadcast %squeeze3A_30 : f32 to vector<16xf32>
      %sub3A_397 = arith.subf %select_n3A_395, %sub3A_396 : vector<16xf32>
      %exp3A_398 = math.exp %sub3A_397 : vector<16xf32>
      tpu.vector_store_idx %arg17[%add3A_308, %broadcast_in_dim3A_385], %exp3A_398 : memref<128x16xf32, #tpu.memory_space<vmem>>[vector<16xi32>, vector<16xi32>], vector<16xf32>,
      %broadcast_in_dim3A_399 = arith.constant 6 : i32
      %broadcast_in_dim3A_400 = vector.broadcast %broadcast_in_dim3A_399 : i32 to vector<16xi32>
      %gather3A_401 = tpu.vector_load_idx %arg15[%add3A_308, %broadcast_in_dim3A_400] : memref<128x16xf32, #tpu.memory_space<vmem>>[vector<16xi32>, vector<16xi32>], vector<16xf32>,
      %gather3A_402 = tpu.vector_load_idx %arg16[%add3A_308, %broadcast_in_dim3A_400] : memref<128x16xf32, #tpu.memory_space<vmem>>[vector<16xi32>, vector<16xi32>], vector<16xf32>,
      %add3A_403 = arith.addf %gather3A_401, %gather3A_402 : vector<16xf32>
      %gt3A_404 = arith.constant 0.000000e+00 : f32
      %gt3A_405 = vector.broadcast %gt3A_404 : f32 to vector<16xf32>
      %gt3A_406 = arith.cmpf ogt, %add3A_403, %gt3A_405 : vector<16xf32>
      %mul3A_407 = arith.constant 2.000000e-01 : f32
      %mul3A_408 = vector.broadcast %mul3A_407 : f32 to vector<16xf32>
      %mul3A_409 = arith.mulf %mul3A_408, %add3A_403 : vector<16xf32>
      %select_n3A_410 = arith.select %gt3A_406, %add3A_403, %mul3A_409 : vector<16xi1>, vector<16xf32>
      %sub3A_411 = vector.broadcast %squeeze3A_32 : f32 to vector<16xf32>
      %sub3A_412 = arith.subf %select_n3A_410, %sub3A_411 : vector<16xf32>
      %exp3A_413 = math.exp %sub3A_412 : vector<16xf32>
      tpu.vector_store_idx %arg17[%add3A_308, %broadcast_in_dim3A_400], %exp3A_413 : memref<128x16xf32, #tpu.memory_space<vmem>>[vector<16xi32>, vector<16xi32>], vector<16xf32>,
      %broadcast_in_dim3A_414 = arith.constant 7 : i32
      %broadcast_in_dim3A_415 = vector.broadcast %broadcast_in_dim3A_414 : i32 to vector<16xi32>
      %gather3A_416 = tpu.vector_load_idx %arg15[%add3A_308, %broadcast_in_dim3A_415] : memref<128x16xf32, #tpu.memory_space<vmem>>[vector<16xi32>, vector<16xi32>], vector<16xf32>,
      %gather3A_417 = tpu.vector_load_idx %arg16[%add3A_308, %broadcast_in_dim3A_415] : memref<128x16xf32, #tpu.memory_space<vmem>>[vector<16xi32>, vector<16xi32>], vector<16xf32>,
      %add3A_418 = arith.addf %gather3A_416, %gather3A_417 : vector<16xf32>
      %gt3A_419 = arith.constant 0.000000e+00 : f32
      %gt3A_420 = vector.broadcast %gt3A_419 : f32 to vector<16xf32>
      %gt3A_421 = arith.cmpf ogt, %add3A_418, %gt3A_420 : vector<16xf32>
      %mul3A_422 = arith.constant 2.000000e-01 : f32
      %mul3A_423 = vector.broadcast %mul3A_422 : f32 to vector<16xf32>
      %mul3A_424 = arith.mulf %mul3A_423, %add3A_418 : vector<16xf32>
      %select_n3A_425 = arith.select %gt3A_421, %add3A_418, %mul3A_424 : vector<16xi1>, vector<16xf32>
      %sub3A_426 = vector.broadcast %squeeze3A_34 : f32 to vector<16xf32>
      %sub3A_427 = arith.subf %select_n3A_425, %sub3A_426 : vector<16xf32>
      %exp3A_428 = math.exp %sub3A_427 : vector<16xf32>
      tpu.vector_store_idx %arg17[%add3A_308, %broadcast_in_dim3A_415], %exp3A_428 : memref<128x16xf32, #tpu.memory_space<vmem>>[vector<16xi32>, vector<16xi32>], vector<16xf32>,
      %add3A_429 = arith.constant 48 : i32
      %add3A_430 = vector.broadcast %add3A_429 : i32 to vector<16xi32>
      %add3A_431 = arith.addi %iota3A, %add3A_430 : vector<16xi32>
      %broadcast_in_dim3A_432 = arith.constant 0 : i32
      %broadcast_in_dim3A_433 = vector.broadcast %broadcast_in_dim3A_432 : i32 to vector<16xi32>
      %gather3A_434 = tpu.vector_load_idx %arg15[%add3A_431, %broadcast_in_dim3A_433] : memref<128x16xf32, #tpu.memory_space<vmem>>[vector<16xi32>, vector<16xi32>], vector<16xf32>,
      %gather3A_435 = tpu.vector_load_idx %arg16[%add3A_431, %broadcast_in_dim3A_433] : memref<128x16xf32, #tpu.memory_space<vmem>>[vector<16xi32>, vector<16xi32>], vector<16xf32>,
      %add3A_436 = arith.addf %gather3A_434, %gather3A_435 : vector<16xf32>
      %gt3A_437 = arith.constant 0.000000e+00 : f32
      %gt3A_438 = vector.broadcast %gt3A_437 : f32 to vector<16xf32>
      %gt3A_439 = arith.cmpf ogt, %add3A_436, %gt3A_438 : vector<16xf32>
      %mul3A_440 = arith.constant 2.000000e-01 : f32
      %mul3A_441 = vector.broadcast %mul3A_440 : f32 to vector<16xf32>
      %mul3A_442 = arith.mulf %mul3A_441, %add3A_436 : vector<16xf32>
      %select_n3A_443 = arith.select %gt3A_439, %add3A_436, %mul3A_442 : vector<16xi1>, vector<16xf32>
      %sub3A_444 = vector.broadcast %squeeze3A : f32 to vector<16xf32>
      %sub3A_445 = arith.subf %select_n3A_443, %sub3A_444 : vector<16xf32>
      %exp3A_446 = math.exp %sub3A_445 : vector<16xf32>
      tpu.vector_store_idx %arg17[%add3A_431, %broadcast_in_dim3A_433], %exp3A_446 : memref<128x16xf32, #tpu.memory_space<vmem>>[vector<16xi32>, vector<16xi32>], vector<16xf32>,
      %broadcast_in_dim3A_447 = arith.constant 1 : i32
      %broadcast_in_dim3A_448 = vector.broadcast %broadcast_in_dim3A_447 : i32 to vector<16xi32>
      %gather3A_449 = tpu.vector_load_idx %arg15[%add3A_431, %broadcast_in_dim3A_448] : memref<128x16xf32, #tpu.memory_space<vmem>>[vector<16xi32>, vector<16xi32>], vector<16xf32>,
      %gather3A_450 = tpu.vector_load_idx %arg16[%add3A_431, %broadcast_in_dim3A_448] : memref<128x16xf32, #tpu.memory_space<vmem>>[vector<16xi32>, vector<16xi32>], vector<16xf32>,
      %add3A_451 = arith.addf %gather3A_449, %gather3A_450 : vector<16xf32>
      %gt3A_452 = arith.constant 0.000000e+00 : f32
      %gt3A_453 = vector.broadcast %gt3A_452 : f32 to vector<16xf32>
      %gt3A_454 = arith.cmpf ogt, %add3A_451, %gt3A_453 : vector<16xf32>
      %mul3A_455 = arith.constant 2.000000e-01 : f32
      %mul3A_456 = vector.broadcast %mul3A_455 : f32 to vector<16xf32>
      %mul3A_457 = arith.mulf %mul3A_456, %add3A_451 : vector<16xf32>
      %select_n3A_458 = arith.select %gt3A_454, %add3A_451, %mul3A_457 : vector<16xi1>, vector<16xf32>
      %sub3A_459 = vector.broadcast %squeeze3A_22 : f32 to vector<16xf32>
      %sub3A_460 = arith.subf %select_n3A_458, %sub3A_459 : vector<16xf32>
      %exp3A_461 = math.exp %sub3A_460 : vector<16xf32>
      tpu.vector_store_idx %arg17[%add3A_431, %broadcast_in_dim3A_448], %exp3A_461 : memref<128x16xf32, #tpu.memory_space<vmem>>[vector<16xi32>, vector<16xi32>], vector<16xf32>,
      %broadcast_in_dim3A_462 = arith.constant 2 : i32
      %broadcast_in_dim3A_463 = vector.broadcast %broadcast_in_dim3A_462 : i32 to vector<16xi32>
      %gather3A_464 = tpu.vector_load_idx %arg15[%add3A_431, %broadcast_in_dim3A_463] : memref<128x16xf32, #tpu.memory_space<vmem>>[vector<16xi32>, vector<16xi32>], vector<16xf32>,
      %gather3A_465 = tpu.vector_load_idx %arg16[%add3A_431, %broadcast_in_dim3A_463] : memref<128x16xf32, #tpu.memory_space<vmem>>[vector<16xi32>, vector<16xi32>], vector<16xf32>,
      %add3A_466 = arith.addf %gather3A_464, %gather3A_465 : vector<16xf32>
      %gt3A_467 = arith.constant 0.000000e+00 : f32
      %gt3A_468 = vector.broadcast %gt3A_467 : f32 to vector<16xf32>
      %gt3A_469 = arith.cmpf ogt, %add3A_466, %gt3A_468 : vector<16xf32>
      %mul3A_470 = arith.constant 2.000000e-01 : f32
      %mul3A_471 = vector.broadcast %mul3A_470 : f32 to vector<16xf32>
      %mul3A_472 = arith.mulf %mul3A_471, %add3A_466 : vector<16xf32>
      %select_n3A_473 = arith.select %gt3A_469, %add3A_466, %mul3A_472 : vector<16xi1>, vector<16xf32>
      %sub3A_474 = vector.broadcast %squeeze3A_24 : f32 to vector<16xf32>
      %sub3A_475 = arith.subf %select_n3A_473, %sub3A_474 : vector<16xf32>
      %exp3A_476 = math.exp %sub3A_475 : vector<16xf32>
      tpu.vector_store_idx %arg17[%add3A_431, %broadcast_in_dim3A_463], %exp3A_476 : memref<128x16xf32, #tpu.memory_space<vmem>>[vector<16xi32>, vector<16xi32>], vector<16xf32>,
      %broadcast_in_dim3A_477 = arith.constant 3 : i32
      %broadcast_in_dim3A_478 = vector.broadcast %broadcast_in_dim3A_477 : i32 to vector<16xi32>
      %gather3A_479 = tpu.vector_load_idx %arg15[%add3A_431, %broadcast_in_dim3A_478] : memref<128x16xf32, #tpu.memory_space<vmem>>[vector<16xi32>, vector<16xi32>], vector<16xf32>,
      %gather3A_480 = tpu.vector_load_idx %arg16[%add3A_431, %broadcast_in_dim3A_478] : memref<128x16xf32, #tpu.memory_space<vmem>>[vector<16xi32>, vector<16xi32>], vector<16xf32>,
      %add3A_481 = arith.addf %gather3A_479, %gather3A_480 : vector<16xf32>
      %gt3A_482 = arith.constant 0.000000e+00 : f32
      %gt3A_483 = vector.broadcast %gt3A_482 : f32 to vector<16xf32>
      %gt3A_484 = arith.cmpf ogt, %add3A_481, %gt3A_483 : vector<16xf32>
      %mul3A_485 = arith.constant 2.000000e-01 : f32
      %mul3A_486 = vector.broadcast %mul3A_485 : f32 to vector<16xf32>
      %mul3A_487 = arith.mulf %mul3A_486, %add3A_481 : vector<16xf32>
      %select_n3A_488 = arith.select %gt3A_484, %add3A_481, %mul3A_487 : vector<16xi1>, vector<16xf32>
      %sub3A_489 = vector.broadcast %squeeze3A_26 : f32 to vector<16xf32>
      %sub3A_490 = arith.subf %select_n3A_488, %sub3A_489 : vector<16xf32>
      %exp3A_491 = math.exp %sub3A_490 : vector<16xf32>
      tpu.vector_store_idx %arg17[%add3A_431, %broadcast_in_dim3A_478], %exp3A_491 : memref<128x16xf32, #tpu.memory_space<vmem>>[vector<16xi32>, vector<16xi32>], vector<16xf32>,
      %broadcast_in_dim3A_492 = arith.constant 4 : i32
      %broadcast_in_dim3A_493 = vector.broadcast %broadcast_in_dim3A_492 : i32 to vector<16xi32>
      %gather3A_494 = tpu.vector_load_idx %arg15[%add3A_431, %broadcast_in_dim3A_493] : memref<128x16xf32, #tpu.memory_space<vmem>>[vector<16xi32>, vector<16xi32>], vector<16xf32>,
      %gather3A_495 = tpu.vector_load_idx %arg16[%add3A_431, %broadcast_in_dim3A_493] : memref<128x16xf32, #tpu.memory_space<vmem>>[vector<16xi32>, vector<16xi32>], vector<16xf32>,
      %add3A_496 = arith.addf %gather3A_494, %gather3A_495 : vector<16xf32>
      %gt3A_497 = arith.constant 0.000000e+00 : f32
      %gt3A_498 = vector.broadcast %gt3A_497 : f32 to vector<16xf32>
      %gt3A_499 = arith.cmpf ogt, %add3A_496, %gt3A_498 : vector<16xf32>
      %mul3A_500 = arith.constant 2.000000e-01 : f32
      %mul3A_501 = vector.broadcast %mul3A_500 : f32 to vector<16xf32>
      %mul3A_502 = arith.mulf %mul3A_501, %add3A_496 : vector<16xf32>
      %select_n3A_503 = arith.select %gt3A_499, %add3A_496, %mul3A_502 : vector<16xi1>, vector<16xf32>
      %sub3A_504 = vector.broadcast %squeeze3A_28 : f32 to vector<16xf32>
      %sub3A_505 = arith.subf %select_n3A_503, %sub3A_504 : vector<16xf32>
      %exp3A_506 = math.exp %sub3A_505 : vector<16xf32>
      tpu.vector_store_idx %arg17[%add3A_431, %broadcast_in_dim3A_493], %exp3A_506 : memref<128x16xf32, #tpu.memory_space<vmem>>[vector<16xi32>, vector<16xi32>], vector<16xf32>,
      %broadcast_in_dim3A_507 = arith.constant 5 : i32
      %broadcast_in_dim3A_508 = vector.broadcast %broadcast_in_dim3A_507 : i32 to vector<16xi32>
      %gather3A_509 = tpu.vector_load_idx %arg15[%add3A_431, %broadcast_in_dim3A_508] : memref<128x16xf32, #tpu.memory_space<vmem>>[vector<16xi32>, vector<16xi32>], vector<16xf32>,
      %gather3A_510 = tpu.vector_load_idx %arg16[%add3A_431, %broadcast_in_dim3A_508] : memref<128x16xf32, #tpu.memory_space<vmem>>[vector<16xi32>, vector<16xi32>], vector<16xf32>,
      %add3A_511 = arith.addf %gather3A_509, %gather3A_510 : vector<16xf32>
      %gt3A_512 = arith.constant 0.000000e+00 : f32
      %gt3A_513 = vector.broadcast %gt3A_512 : f32 to vector<16xf32>
      %gt3A_514 = arith.cmpf ogt, %add3A_511, %gt3A_513 : vector<16xf32>
      %mul3A_515 = arith.constant 2.000000e-01 : f32
      %mul3A_516 = vector.broadcast %mul3A_515 : f32 to vector<16xf32>
      %mul3A_517 = arith.mulf %mul3A_516, %add3A_511 : vector<16xf32>
      %select_n3A_518 = arith.select %gt3A_514, %add3A_511, %mul3A_517 : vector<16xi1>, vector<16xf32>
      %sub3A_519 = vector.broadcast %squeeze3A_30 : f32 to vector<16xf32>
      %sub3A_520 = arith.subf %select_n3A_518, %sub3A_519 : vector<16xf32>
      %exp3A_521 = math.exp %sub3A_520 : vector<16xf32>
      tpu.vector_store_idx %arg17[%add3A_431, %broadcast_in_dim3A_508], %exp3A_521 : memref<128x16xf32, #tpu.memory_space<vmem>>[vector<16xi32>, vector<16xi32>], vector<16xf32>,
      %broadcast_in_dim3A_522 = arith.constant 6 : i32
      %broadcast_in_dim3A_523 = vector.broadcast %broadcast_in_dim3A_522 : i32 to vector<16xi32>
      %gather3A_524 = tpu.vector_load_idx %arg15[%add3A_431, %broadcast_in_dim3A_523] : memref<128x16xf32, #tpu.memory_space<vmem>>[vector<16xi32>, vector<16xi32>], vector<16xf32>,
      %gather3A_525 = tpu.vector_load_idx %arg16[%add3A_431, %broadcast_in_dim3A_523] : memref<128x16xf32, #tpu.memory_space<vmem>>[vector<16xi32>, vector<16xi32>], vector<16xf32>,
      %add3A_526 = arith.addf %gather3A_524, %gather3A_525 : vector<16xf32>
      %gt3A_527 = arith.constant 0.000000e+00 : f32
      %gt3A_528 = vector.broadcast %gt3A_527 : f32 to vector<16xf32>
      %gt3A_529 = arith.cmpf ogt, %add3A_526, %gt3A_528 : vector<16xf32>
      %mul3A_530 = arith.constant 2.000000e-01 : f32
      %mul3A_531 = vector.broadcast %mul3A_530 : f32 to vector<16xf32>
      %mul3A_532 = arith.mulf %mul3A_531, %add3A_526 : vector<16xf32>
      %select_n3A_533 = arith.select %gt3A_529, %add3A_526, %mul3A_532 : vector<16xi1>, vector<16xf32>
      %sub3A_534 = vector.broadcast %squeeze3A_32 : f32 to vector<16xf32>
      %sub3A_535 = arith.subf %select_n3A_533, %sub3A_534 : vector<16xf32>
      %exp3A_536 = math.exp %sub3A_535 : vector<16xf32>
      tpu.vector_store_idx %arg17[%add3A_431, %broadcast_in_dim3A_523], %exp3A_536 : memref<128x16xf32, #tpu.memory_space<vmem>>[vector<16xi32>, vector<16xi32>], vector<16xf32>,
      %broadcast_in_dim3A_537 = arith.constant 7 : i32
      %broadcast_in_dim3A_538 = vector.broadcast %broadcast_in_dim3A_537 : i32 to vector<16xi32>
      %gather3A_539 = tpu.vector_load_idx %arg15[%add3A_431, %broadcast_in_dim3A_538] : memref<128x16xf32, #tpu.memory_space<vmem>>[vector<16xi32>, vector<16xi32>], vector<16xf32>,
      %gather3A_540 = tpu.vector_load_idx %arg16[%add3A_431, %broadcast_in_dim3A_538] : memref<128x16xf32, #tpu.memory_space<vmem>>[vector<16xi32>, vector<16xi32>], vector<16xf32>,
      %add3A_541 = arith.addf %gather3A_539, %gather3A_540 : vector<16xf32>
      %gt3A_542 = arith.constant 0.000000e+00 : f32
      %gt3A_543 = vector.broadcast %gt3A_542 : f32 to vector<16xf32>
      %gt3A_544 = arith.cmpf ogt, %add3A_541, %gt3A_543 : vector<16xf32>
      %mul3A_545 = arith.constant 2.000000e-01 : f32
      %mul3A_546 = vector.broadcast %mul3A_545 : f32 to vector<16xf32>
      %mul3A_547 = arith.mulf %mul3A_546, %add3A_541 : vector<16xf32>
      %select_n3A_548 = arith.select %gt3A_544, %add3A_541, %mul3A_547 : vector<16xi1>, vector<16xf32>
      %sub3A_549 = vector.broadcast %squeeze3A_34 : f32 to vector<16xf32>
      %sub3A_550 = arith.subf %select_n3A_548, %sub3A_549 : vector<16xf32>
      %exp3A_551 = math.exp %sub3A_550 : vector<16xf32>
      tpu.vector_store_idx %arg17[%add3A_431, %broadcast_in_dim3A_538], %exp3A_551 : memref<128x16xf32, #tpu.memory_space<vmem>>[vector<16xi32>, vector<16xi32>], vector<16xf32>,
      %add3A_552 = arith.constant 64 : i32
      %add3A_553 = vector.broadcast %add3A_552 : i32 to vector<16xi32>
      %add3A_554 = arith.addi %iota3A, %add3A_553 : vector<16xi32>
      %broadcast_in_dim3A_555 = arith.constant 0 : i32
      %broadcast_in_dim3A_556 = vector.broadcast %broadcast_in_dim3A_555 : i32 to vector<16xi32>
      %gather3A_557 = tpu.vector_load_idx %arg15[%add3A_554, %broadcast_in_dim3A_556] : memref<128x16xf32, #tpu.memory_space<vmem>>[vector<16xi32>, vector<16xi32>], vector<16xf32>,
      %gather3A_558 = tpu.vector_load_idx %arg16[%add3A_554, %broadcast_in_dim3A_556] : memref<128x16xf32, #tpu.memory_space<vmem>>[vector<16xi32>, vector<16xi32>], vector<16xf32>,
      %add3A_559 = arith.addf %gather3A_557, %gather3A_558 : vector<16xf32>
      %gt3A_560 = arith.constant 0.000000e+00 : f32
      %gt3A_561 = vector.broadcast %gt3A_560 : f32 to vector<16xf32>
      %gt3A_562 = arith.cmpf ogt, %add3A_559, %gt3A_561 : vector<16xf32>
      %mul3A_563 = arith.constant 2.000000e-01 : f32
      %mul3A_564 = vector.broadcast %mul3A_563 : f32 to vector<16xf32>
      %mul3A_565 = arith.mulf %mul3A_564, %add3A_559 : vector<16xf32>
      %select_n3A_566 = arith.select %gt3A_562, %add3A_559, %mul3A_565 : vector<16xi1>, vector<16xf32>
      %sub3A_567 = vector.broadcast %squeeze3A : f32 to vector<16xf32>
      %sub3A_568 = arith.subf %select_n3A_566, %sub3A_567 : vector<16xf32>
      %exp3A_569 = math.exp %sub3A_568 : vector<16xf32>
      tpu.vector_store_idx %arg17[%add3A_554, %broadcast_in_dim3A_556], %exp3A_569 : memref<128x16xf32, #tpu.memory_space<vmem>>[vector<16xi32>, vector<16xi32>], vector<16xf32>,
      %broadcast_in_dim3A_570 = arith.constant 1 : i32
      %broadcast_in_dim3A_571 = vector.broadcast %broadcast_in_dim3A_570 : i32 to vector<16xi32>
      %gather3A_572 = tpu.vector_load_idx %arg15[%add3A_554, %broadcast_in_dim3A_571] : memref<128x16xf32, #tpu.memory_space<vmem>>[vector<16xi32>, vector<16xi32>], vector<16xf32>,
      %gather3A_573 = tpu.vector_load_idx %arg16[%add3A_554, %broadcast_in_dim3A_571] : memref<128x16xf32, #tpu.memory_space<vmem>>[vector<16xi32>, vector<16xi32>], vector<16xf32>,
      %add3A_574 = arith.addf %gather3A_572, %gather3A_573 : vector<16xf32>
      %gt3A_575 = arith.constant 0.000000e+00 : f32
      %gt3A_576 = vector.broadcast %gt3A_575 : f32 to vector<16xf32>
      %gt3A_577 = arith.cmpf ogt, %add3A_574, %gt3A_576 : vector<16xf32>
      %mul3A_578 = arith.constant 2.000000e-01 : f32
      %mul3A_579 = vector.broadcast %mul3A_578 : f32 to vector<16xf32>
      %mul3A_580 = arith.mulf %mul3A_579, %add3A_574 : vector<16xf32>
      %select_n3A_581 = arith.select %gt3A_577, %add3A_574, %mul3A_580 : vector<16xi1>, vector<16xf32>
      %sub3A_582 = vector.broadcast %squeeze3A_22 : f32 to vector<16xf32>
      %sub3A_583 = arith.subf %select_n3A_581, %sub3A_582 : vector<16xf32>
      %exp3A_584 = math.exp %sub3A_583 : vector<16xf32>
      tpu.vector_store_idx %arg17[%add3A_554, %broadcast_in_dim3A_571], %exp3A_584 : memref<128x16xf32, #tpu.memory_space<vmem>>[vector<16xi32>, vector<16xi32>], vector<16xf32>,
      %broadcast_in_dim3A_585 = arith.constant 2 : i32
      %broadcast_in_dim3A_586 = vector.broadcast %broadcast_in_dim3A_585 : i32 to vector<16xi32>
      %gather3A_587 = tpu.vector_load_idx %arg15[%add3A_554, %broadcast_in_dim3A_586] : memref<128x16xf32, #tpu.memory_space<vmem>>[vector<16xi32>, vector<16xi32>], vector<16xf32>,
      %gather3A_588 = tpu.vector_load_idx %arg16[%add3A_554, %broadcast_in_dim3A_586] : memref<128x16xf32, #tpu.memory_space<vmem>>[vector<16xi32>, vector<16xi32>], vector<16xf32>,
      %add3A_589 = arith.addf %gather3A_587, %gather3A_588 : vector<16xf32>
      %gt3A_590 = arith.constant 0.000000e+00 : f32
      %gt3A_591 = vector.broadcast %gt3A_590 : f32 to vector<16xf32>
      %gt3A_592 = arith.cmpf ogt, %add3A_589, %gt3A_591 : vector<16xf32>
      %mul3A_593 = arith.constant 2.000000e-01 : f32
      %mul3A_594 = vector.broadcast %mul3A_593 : f32 to vector<16xf32>
      %mul3A_595 = arith.mulf %mul3A_594, %add3A_589 : vector<16xf32>
      %select_n3A_596 = arith.select %gt3A_592, %add3A_589, %mul3A_595 : vector<16xi1>, vector<16xf32>
      %sub3A_597 = vector.broadcast %squeeze3A_24 : f32 to vector<16xf32>
      %sub3A_598 = arith.subf %select_n3A_596, %sub3A_597 : vector<16xf32>
      %exp3A_599 = math.exp %sub3A_598 : vector<16xf32>
      tpu.vector_store_idx %arg17[%add3A_554, %broadcast_in_dim3A_586], %exp3A_599 : memref<128x16xf32, #tpu.memory_space<vmem>>[vector<16xi32>, vector<16xi32>], vector<16xf32>,
      %broadcast_in_dim3A_600 = arith.constant 3 : i32
      %broadcast_in_dim3A_601 = vector.broadcast %broadcast_in_dim3A_600 : i32 to vector<16xi32>
      %gather3A_602 = tpu.vector_load_idx %arg15[%add3A_554, %broadcast_in_dim3A_601] : memref<128x16xf32, #tpu.memory_space<vmem>>[vector<16xi32>, vector<16xi32>], vector<16xf32>,
      %gather3A_603 = tpu.vector_load_idx %arg16[%add3A_554, %broadcast_in_dim3A_601] : memref<128x16xf32, #tpu.memory_space<vmem>>[vector<16xi32>, vector<16xi32>], vector<16xf32>,
      %add3A_604 = arith.addf %gather3A_602, %gather3A_603 : vector<16xf32>
      %gt3A_605 = arith.constant 0.000000e+00 : f32
      %gt3A_606 = vector.broadcast %gt3A_605 : f32 to vector<16xf32>
      %gt3A_607 = arith.cmpf ogt, %add3A_604, %gt3A_606 : vector<16xf32>
      %mul3A_608 = arith.constant 2.000000e-01 : f32
      %mul3A_609 = vector.broadcast %mul3A_608 : f32 to vector<16xf32>
      %mul3A_610 = arith.mulf %mul3A_609, %add3A_604 : vector<16xf32>
      %select_n3A_611 = arith.select %gt3A_607, %add3A_604, %mul3A_610 : vector<16xi1>, vector<16xf32>
      %sub3A_612 = vector.broadcast %squeeze3A_26 : f32 to vector<16xf32>
      %sub3A_613 = arith.subf %select_n3A_611, %sub3A_612 : vector<16xf32>
      %exp3A_614 = math.exp %sub3A_613 : vector<16xf32>
      tpu.vector_store_idx %arg17[%add3A_554, %broadcast_in_dim3A_601], %exp3A_614 : memref<128x16xf32, #tpu.memory_space<vmem>>[vector<16xi32>, vector<16xi32>], vector<16xf32>,
      %broadcast_in_dim3A_615 = arith.constant 4 : i32
      %broadcast_in_dim3A_616 = vector.broadcast %broadcast_in_dim3A_615 : i32 to vector<16xi32>
      %gather3A_617 = tpu.vector_load_idx %arg15[%add3A_554, %broadcast_in_dim3A_616] : memref<128x16xf32, #tpu.memory_space<vmem>>[vector<16xi32>, vector<16xi32>], vector<16xf32>,
      %gather3A_618 = tpu.vector_load_idx %arg16[%add3A_554, %broadcast_in_dim3A_616] : memref<128x16xf32, #tpu.memory_space<vmem>>[vector<16xi32>, vector<16xi32>], vector<16xf32>,
      %add3A_619 = arith.addf %gather3A_617, %gather3A_618 : vector<16xf32>
      %gt3A_620 = arith.constant 0.000000e+00 : f32
      %gt3A_621 = vector.broadcast %gt3A_620 : f32 to vector<16xf32>
      %gt3A_622 = arith.cmpf ogt, %add3A_619, %gt3A_621 : vector<16xf32>
      %mul3A_623 = arith.constant 2.000000e-01 : f32
      %mul3A_624 = vector.broadcast %mul3A_623 : f32 to vector<16xf32>
      %mul3A_625 = arith.mulf %mul3A_624, %add3A_619 : vector<16xf32>
      %select_n3A_626 = arith.select %gt3A_622, %add3A_619, %mul3A_625 : vector<16xi1>, vector<16xf32>
      %sub3A_627 = vector.broadcast %squeeze3A_28 : f32 to vector<16xf32>
      %sub3A_628 = arith.subf %select_n3A_626, %sub3A_627 : vector<16xf32>
      %exp3A_629 = math.exp %sub3A_628 : vector<16xf32>
      tpu.vector_store_idx %arg17[%add3A_554, %broadcast_in_dim3A_616], %exp3A_629 : memref<128x16xf32, #tpu.memory_space<vmem>>[vector<16xi32>, vector<16xi32>], vector<16xf32>,
      %broadcast_in_dim3A_630 = arith.constant 5 : i32
      %broadcast_in_dim3A_631 = vector.broadcast %broadcast_in_dim3A_630 : i32 to vector<16xi32>
      %gather3A_632 = tpu.vector_load_idx %arg15[%add3A_554, %broadcast_in_dim3A_631] : memref<128x16xf32, #tpu.memory_space<vmem>>[vector<16xi32>, vector<16xi32>], vector<16xf32>,
      %gather3A_633 = tpu.vector_load_idx %arg16[%add3A_554, %broadcast_in_dim3A_631] : memref<128x16xf32, #tpu.memory_space<vmem>>[vector<16xi32>, vector<16xi32>], vector<16xf32>,
      %add3A_634 = arith.addf %gather3A_632, %gather3A_633 : vector<16xf32>
      %gt3A_635 = arith.constant 0.000000e+00 : f32
      %gt3A_636 = vector.broadcast %gt3A_635 : f32 to vector<16xf32>
      %gt3A_637 = arith.cmpf ogt, %add3A_634, %gt3A_636 : vector<16xf32>
      %mul3A_638 = arith.constant 2.000000e-01 : f32
      %mul3A_639 = vector.broadcast %mul3A_638 : f32 to vector<16xf32>
      %mul3A_640 = arith.mulf %mul3A_639, %add3A_634 : vector<16xf32>
      %select_n3A_641 = arith.select %gt3A_637, %add3A_634, %mul3A_640 : vector<16xi1>, vector<16xf32>
      %sub3A_642 = vector.broadcast %squeeze3A_30 : f32 to vector<16xf32>
      %sub3A_643 = arith.subf %select_n3A_641, %sub3A_642 : vector<16xf32>
      %exp3A_644 = math.exp %sub3A_643 : vector<16xf32>
      tpu.vector_store_idx %arg17[%add3A_554, %broadcast_in_dim3A_631], %exp3A_644 : memref<128x16xf32, #tpu.memory_space<vmem>>[vector<16xi32>, vector<16xi32>], vector<16xf32>,
      %broadcast_in_dim3A_645 = arith.constant 6 : i32
      %broadcast_in_dim3A_646 = vector.broadcast %broadcast_in_dim3A_645 : i32 to vector<16xi32>
      %gather3A_647 = tpu.vector_load_idx %arg15[%add3A_554, %broadcast_in_dim3A_646] : memref<128x16xf32, #tpu.memory_space<vmem>>[vector<16xi32>, vector<16xi32>], vector<16xf32>,
      %gather3A_648 = tpu.vector_load_idx %arg16[%add3A_554, %broadcast_in_dim3A_646] : memref<128x16xf32, #tpu.memory_space<vmem>>[vector<16xi32>, vector<16xi32>], vector<16xf32>,
      %add3A_649 = arith.addf %gather3A_647, %gather3A_648 : vector<16xf32>
      %gt3A_650 = arith.constant 0.000000e+00 : f32
      %gt3A_651 = vector.broadcast %gt3A_650 : f32 to vector<16xf32>
      %gt3A_652 = arith.cmpf ogt, %add3A_649, %gt3A_651 : vector<16xf32>
      %mul3A_653 = arith.constant 2.000000e-01 : f32
      %mul3A_654 = vector.broadcast %mul3A_653 : f32 to vector<16xf32>
      %mul3A_655 = arith.mulf %mul3A_654, %add3A_649 : vector<16xf32>
      %select_n3A_656 = arith.select %gt3A_652, %add3A_649, %mul3A_655 : vector<16xi1>, vector<16xf32>
      %sub3A_657 = vector.broadcast %squeeze3A_32 : f32 to vector<16xf32>
      %sub3A_658 = arith.subf %select_n3A_656, %sub3A_657 : vector<16xf32>
      %exp3A_659 = math.exp %sub3A_658 : vector<16xf32>
      tpu.vector_store_idx %arg17[%add3A_554, %broadcast_in_dim3A_646], %exp3A_659 : memref<128x16xf32, #tpu.memory_space<vmem>>[vector<16xi32>, vector<16xi32>], vector<16xf32>,
      %broadcast_in_dim3A_660 = arith.constant 7 : i32
      %broadcast_in_dim3A_661 = vector.broadcast %broadcast_in_dim3A_660 : i32 to vector<16xi32>
      %gather3A_662 = tpu.vector_load_idx %arg15[%add3A_554, %broadcast_in_dim3A_661] : memref<128x16xf32, #tpu.memory_space<vmem>>[vector<16xi32>, vector<16xi32>], vector<16xf32>,
      %gather3A_663 = tpu.vector_load_idx %arg16[%add3A_554, %broadcast_in_dim3A_661] : memref<128x16xf32, #tpu.memory_space<vmem>>[vector<16xi32>, vector<16xi32>], vector<16xf32>,
      %add3A_664 = arith.addf %gather3A_662, %gather3A_663 : vector<16xf32>
      %gt3A_665 = arith.constant 0.000000e+00 : f32
      %gt3A_666 = vector.broadcast %gt3A_665 : f32 to vector<16xf32>
      %gt3A_667 = arith.cmpf ogt, %add3A_664, %gt3A_666 : vector<16xf32>
      %mul3A_668 = arith.constant 2.000000e-01 : f32
      %mul3A_669 = vector.broadcast %mul3A_668 : f32 to vector<16xf32>
      %mul3A_670 = arith.mulf %mul3A_669, %add3A_664 : vector<16xf32>
      %select_n3A_671 = arith.select %gt3A_667, %add3A_664, %mul3A_670 : vector<16xi1>, vector<16xf32>
      %sub3A_672 = vector.broadcast %squeeze3A_34 : f32 to vector<16xf32>
      %sub3A_673 = arith.subf %select_n3A_671, %sub3A_672 : vector<16xf32>
      %exp3A_674 = math.exp %sub3A_673 : vector<16xf32>
      tpu.vector_store_idx %arg17[%add3A_554, %broadcast_in_dim3A_661], %exp3A_674 : memref<128x16xf32, #tpu.memory_space<vmem>>[vector<16xi32>, vector<16xi32>], vector<16xf32>,
      %add3A_675 = arith.constant 80 : i32
      %add3A_676 = vector.broadcast %add3A_675 : i32 to vector<16xi32>
      %add3A_677 = arith.addi %iota3A, %add3A_676 : vector<16xi32>
      %broadcast_in_dim3A_678 = arith.constant 0 : i32
      %broadcast_in_dim3A_679 = vector.broadcast %broadcast_in_dim3A_678 : i32 to vector<16xi32>
      %gather3A_680 = tpu.vector_load_idx %arg15[%add3A_677, %broadcast_in_dim3A_679] : memref<128x16xf32, #tpu.memory_space<vmem>>[vector<16xi32>, vector<16xi32>], vector<16xf32>,
      %gather3A_681 = tpu.vector_load_idx %arg16[%add3A_677, %broadcast_in_dim3A_679] : memref<128x16xf32, #tpu.memory_space<vmem>>[vector<16xi32>, vector<16xi32>], vector<16xf32>,
      %add3A_682 = arith.addf %gather3A_680, %gather3A_681 : vector<16xf32>
      %gt3A_683 = arith.constant 0.000000e+00 : f32
      %gt3A_684 = vector.broadcast %gt3A_683 : f32 to vector<16xf32>
      %gt3A_685 = arith.cmpf ogt, %add3A_682, %gt3A_684 : vector<16xf32>
      %mul3A_686 = arith.constant 2.000000e-01 : f32
      %mul3A_687 = vector.broadcast %mul3A_686 : f32 to vector<16xf32>
      %mul3A_688 = arith.mulf %mul3A_687, %add3A_682 : vector<16xf32>
      %select_n3A_689 = arith.select %gt3A_685, %add3A_682, %mul3A_688 : vector<16xi1>, vector<16xf32>
      %sub3A_690 = vector.broadcast %squeeze3A : f32 to vector<16xf32>
      %sub3A_691 = arith.subf %select_n3A_689, %sub3A_690 : vector<16xf32>
      %exp3A_692 = math.exp %sub3A_691 : vector<16xf32>
      tpu.vector_store_idx %arg17[%add3A_677, %broadcast_in_dim3A_679], %exp3A_692 : memref<128x16xf32, #tpu.memory_space<vmem>>[vector<16xi32>, vector<16xi32>], vector<16xf32>,
      %broadcast_in_dim3A_693 = arith.constant 1 : i32
      %broadcast_in_dim3A_694 = vector.broadcast %broadcast_in_dim3A_693 : i32 to vector<16xi32>
      %gather3A_695 = tpu.vector_load_idx %arg15[%add3A_677, %broadcast_in_dim3A_694] : memref<128x16xf32, #tpu.memory_space<vmem>>[vector<16xi32>, vector<16xi32>], vector<16xf32>,
      %gather3A_696 = tpu.vector_load_idx %arg16[%add3A_677, %broadcast_in_dim3A_694] : memref<128x16xf32, #tpu.memory_space<vmem>>[vector<16xi32>, vector<16xi32>], vector<16xf32>,
      %add3A_697 = arith.addf %gather3A_695, %gather3A_696 : vector<16xf32>
      %gt3A_698 = arith.constant 0.000000e+00 : f32
      %gt3A_699 = vector.broadcast %gt3A_698 : f32 to vector<16xf32>
      %gt3A_700 = arith.cmpf ogt, %add3A_697, %gt3A_699 : vector<16xf32>
      %mul3A_701 = arith.constant 2.000000e-01 : f32
      %mul3A_702 = vector.broadcast %mul3A_701 : f32 to vector<16xf32>
      %mul3A_703 = arith.mulf %mul3A_702, %add3A_697 : vector<16xf32>
      %select_n3A_704 = arith.select %gt3A_700, %add3A_697, %mul3A_703 : vector<16xi1>, vector<16xf32>
      %sub3A_705 = vector.broadcast %squeeze3A_22 : f32 to vector<16xf32>
      %sub3A_706 = arith.subf %select_n3A_704, %sub3A_705 : vector<16xf32>
      %exp3A_707 = math.exp %sub3A_706 : vector<16xf32>
      tpu.vector_store_idx %arg17[%add3A_677, %broadcast_in_dim3A_694], %exp3A_707 : memref<128x16xf32, #tpu.memory_space<vmem>>[vector<16xi32>, vector<16xi32>], vector<16xf32>,
      %broadcast_in_dim3A_708 = arith.constant 2 : i32
      %broadcast_in_dim3A_709 = vector.broadcast %broadcast_in_dim3A_708 : i32 to vector<16xi32>
      %gather3A_710 = tpu.vector_load_idx %arg15[%add3A_677, %broadcast_in_dim3A_709] : memref<128x16xf32, #tpu.memory_space<vmem>>[vector<16xi32>, vector<16xi32>], vector<16xf32>,
      %gather3A_711 = tpu.vector_load_idx %arg16[%add3A_677, %broadcast_in_dim3A_709] : memref<128x16xf32, #tpu.memory_space<vmem>>[vector<16xi32>, vector<16xi32>], vector<16xf32>,
      %add3A_712 = arith.addf %gather3A_710, %gather3A_711 : vector<16xf32>
      %gt3A_713 = arith.constant 0.000000e+00 : f32
      %gt3A_714 = vector.broadcast %gt3A_713 : f32 to vector<16xf32>
      %gt3A_715 = arith.cmpf ogt, %add3A_712, %gt3A_714 : vector<16xf32>
      %mul3A_716 = arith.constant 2.000000e-01 : f32
      %mul3A_717 = vector.broadcast %mul3A_716 : f32 to vector<16xf32>
      %mul3A_718 = arith.mulf %mul3A_717, %add3A_712 : vector<16xf32>
      %select_n3A_719 = arith.select %gt3A_715, %add3A_712, %mul3A_718 : vector<16xi1>, vector<16xf32>
      %sub3A_720 = vector.broadcast %squeeze3A_24 : f32 to vector<16xf32>
      %sub3A_721 = arith.subf %select_n3A_719, %sub3A_720 : vector<16xf32>
      %exp3A_722 = math.exp %sub3A_721 : vector<16xf32>
      tpu.vector_store_idx %arg17[%add3A_677, %broadcast_in_dim3A_709], %exp3A_722 : memref<128x16xf32, #tpu.memory_space<vmem>>[vector<16xi32>, vector<16xi32>], vector<16xf32>,
      %broadcast_in_dim3A_723 = arith.constant 3 : i32
      %broadcast_in_dim3A_724 = vector.broadcast %broadcast_in_dim3A_723 : i32 to vector<16xi32>
      %gather3A_725 = tpu.vector_load_idx %arg15[%add3A_677, %broadcast_in_dim3A_724] : memref<128x16xf32, #tpu.memory_space<vmem>>[vector<16xi32>, vector<16xi32>], vector<16xf32>,
      %gather3A_726 = tpu.vector_load_idx %arg16[%add3A_677, %broadcast_in_dim3A_724] : memref<128x16xf32, #tpu.memory_space<vmem>>[vector<16xi32>, vector<16xi32>], vector<16xf32>,
      %add3A_727 = arith.addf %gather3A_725, %gather3A_726 : vector<16xf32>
      %gt3A_728 = arith.constant 0.000000e+00 : f32
      %gt3A_729 = vector.broadcast %gt3A_728 : f32 to vector<16xf32>
      %gt3A_730 = arith.cmpf ogt, %add3A_727, %gt3A_729 : vector<16xf32>
      %mul3A_731 = arith.constant 2.000000e-01 : f32
      %mul3A_732 = vector.broadcast %mul3A_731 : f32 to vector<16xf32>
      %mul3A_733 = arith.mulf %mul3A_732, %add3A_727 : vector<16xf32>
      %select_n3A_734 = arith.select %gt3A_730, %add3A_727, %mul3A_733 : vector<16xi1>, vector<16xf32>
      %sub3A_735 = vector.broadcast %squeeze3A_26 : f32 to vector<16xf32>
      %sub3A_736 = arith.subf %select_n3A_734, %sub3A_735 : vector<16xf32>
      %exp3A_737 = math.exp %sub3A_736 : vector<16xf32>
      tpu.vector_store_idx %arg17[%add3A_677, %broadcast_in_dim3A_724], %exp3A_737 : memref<128x16xf32, #tpu.memory_space<vmem>>[vector<16xi32>, vector<16xi32>], vector<16xf32>,
      %broadcast_in_dim3A_738 = arith.constant 4 : i32
      %broadcast_in_dim3A_739 = vector.broadcast %broadcast_in_dim3A_738 : i32 to vector<16xi32>
      %gather3A_740 = tpu.vector_load_idx %arg15[%add3A_677, %broadcast_in_dim3A_739] : memref<128x16xf32, #tpu.memory_space<vmem>>[vector<16xi32>, vector<16xi32>], vector<16xf32>,
      %gather3A_741 = tpu.vector_load_idx %arg16[%add3A_677, %broadcast_in_dim3A_739] : memref<128x16xf32, #tpu.memory_space<vmem>>[vector<16xi32>, vector<16xi32>], vector<16xf32>,
      %add3A_742 = arith.addf %gather3A_740, %gather3A_741 : vector<16xf32>
      %gt3A_743 = arith.constant 0.000000e+00 : f32
      %gt3A_744 = vector.broadcast %gt3A_743 : f32 to vector<16xf32>
      %gt3A_745 = arith.cmpf ogt, %add3A_742, %gt3A_744 : vector<16xf32>
      %mul3A_746 = arith.constant 2.000000e-01 : f32
      %mul3A_747 = vector.broadcast %mul3A_746 : f32 to vector<16xf32>
      %mul3A_748 = arith.mulf %mul3A_747, %add3A_742 : vector<16xf32>
      %select_n3A_749 = arith.select %gt3A_745, %add3A_742, %mul3A_748 : vector<16xi1>, vector<16xf32>
      %sub3A_750 = vector.broadcast %squeeze3A_28 : f32 to vector<16xf32>
      %sub3A_751 = arith.subf %select_n3A_749, %sub3A_750 : vector<16xf32>
      %exp3A_752 = math.exp %sub3A_751 : vector<16xf32>
      tpu.vector_store_idx %arg17[%add3A_677, %broadcast_in_dim3A_739], %exp3A_752 : memref<128x16xf32, #tpu.memory_space<vmem>>[vector<16xi32>, vector<16xi32>], vector<16xf32>,
      %broadcast_in_dim3A_753 = arith.constant 5 : i32
      %broadcast_in_dim3A_754 = vector.broadcast %broadcast_in_dim3A_753 : i32 to vector<16xi32>
      %gather3A_755 = tpu.vector_load_idx %arg15[%add3A_677, %broadcast_in_dim3A_754] : memref<128x16xf32, #tpu.memory_space<vmem>>[vector<16xi32>, vector<16xi32>], vector<16xf32>,
      %gather3A_756 = tpu.vector_load_idx %arg16[%add3A_677, %broadcast_in_dim3A_754] : memref<128x16xf32, #tpu.memory_space<vmem>>[vector<16xi32>, vector<16xi32>], vector<16xf32>,
      %add3A_757 = arith.addf %gather3A_755, %gather3A_756 : vector<16xf32>
      %gt3A_758 = arith.constant 0.000000e+00 : f32
      %gt3A_759 = vector.broadcast %gt3A_758 : f32 to vector<16xf32>
      %gt3A_760 = arith.cmpf ogt, %add3A_757, %gt3A_759 : vector<16xf32>
      %mul3A_761 = arith.constant 2.000000e-01 : f32
      %mul3A_762 = vector.broadcast %mul3A_761 : f32 to vector<16xf32>
      %mul3A_763 = arith.mulf %mul3A_762, %add3A_757 : vector<16xf32>
      %select_n3A_764 = arith.select %gt3A_760, %add3A_757, %mul3A_763 : vector<16xi1>, vector<16xf32>
      %sub3A_765 = vector.broadcast %squeeze3A_30 : f32 to vector<16xf32>
      %sub3A_766 = arith.subf %select_n3A_764, %sub3A_765 : vector<16xf32>
      %exp3A_767 = math.exp %sub3A_766 : vector<16xf32>
      tpu.vector_store_idx %arg17[%add3A_677, %broadcast_in_dim3A_754], %exp3A_767 : memref<128x16xf32, #tpu.memory_space<vmem>>[vector<16xi32>, vector<16xi32>], vector<16xf32>,
      %broadcast_in_dim3A_768 = arith.constant 6 : i32
      %broadcast_in_dim3A_769 = vector.broadcast %broadcast_in_dim3A_768 : i32 to vector<16xi32>
      %gather3A_770 = tpu.vector_load_idx %arg15[%add3A_677, %broadcast_in_dim3A_769] : memref<128x16xf32, #tpu.memory_space<vmem>>[vector<16xi32>, vector<16xi32>], vector<16xf32>,
      %gather3A_771 = tpu.vector_load_idx %arg16[%add3A_677, %broadcast_in_dim3A_769] : memref<128x16xf32, #tpu.memory_space<vmem>>[vector<16xi32>, vector<16xi32>], vector<16xf32>,
      %add3A_772 = arith.addf %gather3A_770, %gather3A_771 : vector<16xf32>
      %gt3A_773 = arith.constant 0.000000e+00 : f32
      %gt3A_774 = vector.broadcast %gt3A_773 : f32 to vector<16xf32>
      %gt3A_775 = arith.cmpf ogt, %add3A_772, %gt3A_774 : vector<16xf32>
      %mul3A_776 = arith.constant 2.000000e-01 : f32
      %mul3A_777 = vector.broadcast %mul3A_776 : f32 to vector<16xf32>
      %mul3A_778 = arith.mulf %mul3A_777, %add3A_772 : vector<16xf32>
      %select_n3A_779 = arith.select %gt3A_775, %add3A_772, %mul3A_778 : vector<16xi1>, vector<16xf32>
      %sub3A_780 = vector.broadcast %squeeze3A_32 : f32 to vector<16xf32>
      %sub3A_781 = arith.subf %select_n3A_779, %sub3A_780 : vector<16xf32>
      %exp3A_782 = math.exp %sub3A_781 : vector<16xf32>
      tpu.vector_store_idx %arg17[%add3A_677, %broadcast_in_dim3A_769], %exp3A_782 : memref<128x16xf32, #tpu.memory_space<vmem>>[vector<16xi32>, vector<16xi32>], vector<16xf32>,
      %broadcast_in_dim3A_783 = arith.constant 7 : i32
      %broadcast_in_dim3A_784 = vector.broadcast %broadcast_in_dim3A_783 : i32 to vector<16xi32>
      %gather3A_785 = tpu.vector_load_idx %arg15[%add3A_677, %broadcast_in_dim3A_784] : memref<128x16xf32, #tpu.memory_space<vmem>>[vector<16xi32>, vector<16xi32>], vector<16xf32>,
      %gather3A_786 = tpu.vector_load_idx %arg16[%add3A_677, %broadcast_in_dim3A_784] : memref<128x16xf32, #tpu.memory_space<vmem>>[vector<16xi32>, vector<16xi32>], vector<16xf32>,
      %add3A_787 = arith.addf %gather3A_785, %gather3A_786 : vector<16xf32>
      %gt3A_788 = arith.constant 0.000000e+00 : f32
      %gt3A_789 = vector.broadcast %gt3A_788 : f32 to vector<16xf32>
      %gt3A_790 = arith.cmpf ogt, %add3A_787, %gt3A_789 : vector<16xf32>
      %mul3A_791 = arith.constant 2.000000e-01 : f32
      %mul3A_792 = vector.broadcast %mul3A_791 : f32 to vector<16xf32>
      %mul3A_793 = arith.mulf %mul3A_792, %add3A_787 : vector<16xf32>
      %select_n3A_794 = arith.select %gt3A_790, %add3A_787, %mul3A_793 : vector<16xi1>, vector<16xf32>
      %sub3A_795 = vector.broadcast %squeeze3A_34 : f32 to vector<16xf32>
      %sub3A_796 = arith.subf %select_n3A_794, %sub3A_795 : vector<16xf32>
      %exp3A_797 = math.exp %sub3A_796 : vector<16xf32>
      tpu.vector_store_idx %arg17[%add3A_677, %broadcast_in_dim3A_784], %exp3A_797 : memref<128x16xf32, #tpu.memory_space<vmem>>[vector<16xi32>, vector<16xi32>], vector<16xf32>,
      %add3A_798 = arith.constant 96 : i32
      %add3A_799 = vector.broadcast %add3A_798 : i32 to vector<16xi32>
      %add3A_800 = arith.addi %iota3A, %add3A_799 : vector<16xi32>
      %broadcast_in_dim3A_801 = arith.constant 0 : i32
      %broadcast_in_dim3A_802 = vector.broadcast %broadcast_in_dim3A_801 : i32 to vector<16xi32>
      %gather3A_803 = tpu.vector_load_idx %arg15[%add3A_800, %broadcast_in_dim3A_802] : memref<128x16xf32, #tpu.memory_space<vmem>>[vector<16xi32>, vector<16xi32>], vector<16xf32>,
      %gather3A_804 = tpu.vector_load_idx %arg16[%add3A_800, %broadcast_in_dim3A_802] : memref<128x16xf32, #tpu.memory_space<vmem>>[vector<16xi32>, vector<16xi32>], vector<16xf32>,
      %add3A_805 = arith.addf %gather3A_803, %gather3A_804 : vector<16xf32>
      %gt3A_806 = arith.constant 0.000000e+00 : f32
      %gt3A_807 = vector.broadcast %gt3A_806 : f32 to vector<16xf32>
      %gt3A_808 = arith.cmpf ogt, %add3A_805, %gt3A_807 : vector<16xf32>
      %mul3A_809 = arith.constant 2.000000e-01 : f32
      %mul3A_810 = vector.broadcast %mul3A_809 : f32 to vector<16xf32>
      %mul3A_811 = arith.mulf %mul3A_810, %add3A_805 : vector<16xf32>
      %select_n3A_812 = arith.select %gt3A_808, %add3A_805, %mul3A_811 : vector<16xi1>, vector<16xf32>
      %sub3A_813 = vector.broadcast %squeeze3A : f32 to vector<16xf32>
      %sub3A_814 = arith.subf %select_n3A_812, %sub3A_813 : vector<16xf32>
      %exp3A_815 = math.exp %sub3A_814 : vector<16xf32>
      tpu.vector_store_idx %arg17[%add3A_800, %broadcast_in_dim3A_802], %exp3A_815 : memref<128x16xf32, #tpu.memory_space<vmem>>[vector<16xi32>, vector<16xi32>], vector<16xf32>,
      %broadcast_in_dim3A_816 = arith.constant 1 : i32
      %broadcast_in_dim3A_817 = vector.broadcast %broadcast_in_dim3A_816 : i32 to vector<16xi32>
      %gather3A_818 = tpu.vector_load_idx %arg15[%add3A_800, %broadcast_in_dim3A_817] : memref<128x16xf32, #tpu.memory_space<vmem>>[vector<16xi32>, vector<16xi32>], vector<16xf32>,
      %gather3A_819 = tpu.vector_load_idx %arg16[%add3A_800, %broadcast_in_dim3A_817] : memref<128x16xf32, #tpu.memory_space<vmem>>[vector<16xi32>, vector<16xi32>], vector<16xf32>,
      %add3A_820 = arith.addf %gather3A_818, %gather3A_819 : vector<16xf32>
      %gt3A_821 = arith.constant 0.000000e+00 : f32
      %gt3A_822 = vector.broadcast %gt3A_821 : f32 to vector<16xf32>
      %gt3A_823 = arith.cmpf ogt, %add3A_820, %gt3A_822 : vector<16xf32>
      %mul3A_824 = arith.constant 2.000000e-01 : f32
      %mul3A_825 = vector.broadcast %mul3A_824 : f32 to vector<16xf32>
      %mul3A_826 = arith.mulf %mul3A_825, %add3A_820 : vector<16xf32>
      %select_n3A_827 = arith.select %gt3A_823, %add3A_820, %mul3A_826 : vector<16xi1>, vector<16xf32>
      %sub3A_828 = vector.broadcast %squeeze3A_22 : f32 to vector<16xf32>
      %sub3A_829 = arith.subf %select_n3A_827, %sub3A_828 : vector<16xf32>
      %exp3A_830 = math.exp %sub3A_829 : vector<16xf32>
      tpu.vector_store_idx %arg17[%add3A_800, %broadcast_in_dim3A_817], %exp3A_830 : memref<128x16xf32, #tpu.memory_space<vmem>>[vector<16xi32>, vector<16xi32>], vector<16xf32>,
      %broadcast_in_dim3A_831 = arith.constant 2 : i32
      %broadcast_in_dim3A_832 = vector.broadcast %broadcast_in_dim3A_831 : i32 to vector<16xi32>
      %gather3A_833 = tpu.vector_load_idx %arg15[%add3A_800, %broadcast_in_dim3A_832] : memref<128x16xf32, #tpu.memory_space<vmem>>[vector<16xi32>, vector<16xi32>], vector<16xf32>,
      %gather3A_834 = tpu.vector_load_idx %arg16[%add3A_800, %broadcast_in_dim3A_832] : memref<128x16xf32, #tpu.memory_space<vmem>>[vector<16xi32>, vector<16xi32>], vector<16xf32>,
      %add3A_835 = arith.addf %gather3A_833, %gather3A_834 : vector<16xf32>
      %gt3A_836 = arith.constant 0.000000e+00 : f32
      %gt3A_837 = vector.broadcast %gt3A_836 : f32 to vector<16xf32>
      %gt3A_838 = arith.cmpf ogt, %add3A_835, %gt3A_837 : vector<16xf32>
      %mul3A_839 = arith.constant 2.000000e-01 : f32
      %mul3A_840 = vector.broadcast %mul3A_839 : f32 to vector<16xf32>
      %mul3A_841 = arith.mulf %mul3A_840, %add3A_835 : vector<16xf32>
      %select_n3A_842 = arith.select %gt3A_838, %add3A_835, %mul3A_841 : vector<16xi1>, vector<16xf32>
      %sub3A_843 = vector.broadcast %squeeze3A_24 : f32 to vector<16xf32>
      %sub3A_844 = arith.subf %select_n3A_842, %sub3A_843 : vector<16xf32>
      %exp3A_845 = math.exp %sub3A_844 : vector<16xf32>
      tpu.vector_store_idx %arg17[%add3A_800, %broadcast_in_dim3A_832], %exp3A_845 : memref<128x16xf32, #tpu.memory_space<vmem>>[vector<16xi32>, vector<16xi32>], vector<16xf32>,
      %broadcast_in_dim3A_846 = arith.constant 3 : i32
      %broadcast_in_dim3A_847 = vector.broadcast %broadcast_in_dim3A_846 : i32 to vector<16xi32>
      %gather3A_848 = tpu.vector_load_idx %arg15[%add3A_800, %broadcast_in_dim3A_847] : memref<128x16xf32, #tpu.memory_space<vmem>>[vector<16xi32>, vector<16xi32>], vector<16xf32>,
      %gather3A_849 = tpu.vector_load_idx %arg16[%add3A_800, %broadcast_in_dim3A_847] : memref<128x16xf32, #tpu.memory_space<vmem>>[vector<16xi32>, vector<16xi32>], vector<16xf32>,
      %add3A_850 = arith.addf %gather3A_848, %gather3A_849 : vector<16xf32>
      %gt3A_851 = arith.constant 0.000000e+00 : f32
      %gt3A_852 = vector.broadcast %gt3A_851 : f32 to vector<16xf32>
      %gt3A_853 = arith.cmpf ogt, %add3A_850, %gt3A_852 : vector<16xf32>
      %mul3A_854 = arith.constant 2.000000e-01 : f32
      %mul3A_855 = vector.broadcast %mul3A_854 : f32 to vector<16xf32>
      %mul3A_856 = arith.mulf %mul3A_855, %add3A_850 : vector<16xf32>
      %select_n3A_857 = arith.select %gt3A_853, %add3A_850, %mul3A_856 : vector<16xi1>, vector<16xf32>
      %sub3A_858 = vector.broadcast %squeeze3A_26 : f32 to vector<16xf32>
      %sub3A_859 = arith.subf %select_n3A_857, %sub3A_858 : vector<16xf32>
      %exp3A_860 = math.exp %sub3A_859 : vector<16xf32>
      tpu.vector_store_idx %arg17[%add3A_800, %broadcast_in_dim3A_847], %exp3A_860 : memref<128x16xf32, #tpu.memory_space<vmem>>[vector<16xi32>, vector<16xi32>], vector<16xf32>,
      %broadcast_in_dim3A_861 = arith.constant 4 : i32
      %broadcast_in_dim3A_862 = vector.broadcast %broadcast_in_dim3A_861 : i32 to vector<16xi32>
      %gather3A_863 = tpu.vector_load_idx %arg15[%add3A_800, %broadcast_in_dim3A_862] : memref<128x16xf32, #tpu.memory_space<vmem>>[vector<16xi32>, vector<16xi32>], vector<16xf32>,
      %gather3A_864 = tpu.vector_load_idx %arg16[%add3A_800, %broadcast_in_dim3A_862] : memref<128x16xf32, #tpu.memory_space<vmem>>[vector<16xi32>, vector<16xi32>], vector<16xf32>,
      %add3A_865 = arith.addf %gather3A_863, %gather3A_864 : vector<16xf32>
      %gt3A_866 = arith.constant 0.000000e+00 : f32
      %gt3A_867 = vector.broadcast %gt3A_866 : f32 to vector<16xf32>
      %gt3A_868 = arith.cmpf ogt, %add3A_865, %gt3A_867 : vector<16xf32>
      %mul3A_869 = arith.constant 2.000000e-01 : f32
      %mul3A_870 = vector.broadcast %mul3A_869 : f32 to vector<16xf32>
      %mul3A_871 = arith.mulf %mul3A_870, %add3A_865 : vector<16xf32>
      %select_n3A_872 = arith.select %gt3A_868, %add3A_865, %mul3A_871 : vector<16xi1>, vector<16xf32>
      %sub3A_873 = vector.broadcast %squeeze3A_28 : f32 to vector<16xf32>
      %sub3A_874 = arith.subf %select_n3A_872, %sub3A_873 : vector<16xf32>
      %exp3A_875 = math.exp %sub3A_874 : vector<16xf32>
      tpu.vector_store_idx %arg17[%add3A_800, %broadcast_in_dim3A_862], %exp3A_875 : memref<128x16xf32, #tpu.memory_space<vmem>>[vector<16xi32>, vector<16xi32>], vector<16xf32>,
      %broadcast_in_dim3A_876 = arith.constant 5 : i32
      %broadcast_in_dim3A_877 = vector.broadcast %broadcast_in_dim3A_876 : i32 to vector<16xi32>
      %gather3A_878 = tpu.vector_load_idx %arg15[%add3A_800, %broadcast_in_dim3A_877] : memref<128x16xf32, #tpu.memory_space<vmem>>[vector<16xi32>, vector<16xi32>], vector<16xf32>,
      %gather3A_879 = tpu.vector_load_idx %arg16[%add3A_800, %broadcast_in_dim3A_877] : memref<128x16xf32, #tpu.memory_space<vmem>>[vector<16xi32>, vector<16xi32>], vector<16xf32>,
      %add3A_880 = arith.addf %gather3A_878, %gather3A_879 : vector<16xf32>
      %gt3A_881 = arith.constant 0.000000e+00 : f32
      %gt3A_882 = vector.broadcast %gt3A_881 : f32 to vector<16xf32>
      %gt3A_883 = arith.cmpf ogt, %add3A_880, %gt3A_882 : vector<16xf32>
      %mul3A_884 = arith.constant 2.000000e-01 : f32
      %mul3A_885 = vector.broadcast %mul3A_884 : f32 to vector<16xf32>
      %mul3A_886 = arith.mulf %mul3A_885, %add3A_880 : vector<16xf32>
      %select_n3A_887 = arith.select %gt3A_883, %add3A_880, %mul3A_886 : vector<16xi1>, vector<16xf32>
      %sub3A_888 = vector.broadcast %squeeze3A_30 : f32 to vector<16xf32>
      %sub3A_889 = arith.subf %select_n3A_887, %sub3A_888 : vector<16xf32>
      %exp3A_890 = math.exp %sub3A_889 : vector<16xf32>
      tpu.vector_store_idx %arg17[%add3A_800, %broadcast_in_dim3A_877], %exp3A_890 : memref<128x16xf32, #tpu.memory_space<vmem>>[vector<16xi32>, vector<16xi32>], vector<16xf32>,
      %broadcast_in_dim3A_891 = arith.constant 6 : i32
      %broadcast_in_dim3A_892 = vector.broadcast %broadcast_in_dim3A_891 : i32 to vector<16xi32>
      %gather3A_893 = tpu.vector_load_idx %arg15[%add3A_800, %broadcast_in_dim3A_892] : memref<128x16xf32, #tpu.memory_space<vmem>>[vector<16xi32>, vector<16xi32>], vector<16xf32>,
      %gather3A_894 = tpu.vector_load_idx %arg16[%add3A_800, %broadcast_in_dim3A_892] : memref<128x16xf32, #tpu.memory_space<vmem>>[vector<16xi32>, vector<16xi32>], vector<16xf32>,
      %add3A_895 = arith.addf %gather3A_893, %gather3A_894 : vector<16xf32>
      %gt3A_896 = arith.constant 0.000000e+00 : f32
      %gt3A_897 = vector.broadcast %gt3A_896 : f32 to vector<16xf32>
      %gt3A_898 = arith.cmpf ogt, %add3A_895, %gt3A_897 : vector<16xf32>
      %mul3A_899 = arith.constant 2.000000e-01 : f32
      %mul3A_900 = vector.broadcast %mul3A_899 : f32 to vector<16xf32>
      %mul3A_901 = arith.mulf %mul3A_900, %add3A_895 : vector<16xf32>
      %select_n3A_902 = arith.select %gt3A_898, %add3A_895, %mul3A_901 : vector<16xi1>, vector<16xf32>
      %sub3A_903 = vector.broadcast %squeeze3A_32 : f32 to vector<16xf32>
      %sub3A_904 = arith.subf %select_n3A_902, %sub3A_903 : vector<16xf32>
      %exp3A_905 = math.exp %sub3A_904 : vector<16xf32>
      tpu.vector_store_idx %arg17[%add3A_800, %broadcast_in_dim3A_892], %exp3A_905 : memref<128x16xf32, #tpu.memory_space<vmem>>[vector<16xi32>, vector<16xi32>], vector<16xf32>,
      %broadcast_in_dim3A_906 = arith.constant 7 : i32
      %broadcast_in_dim3A_907 = vector.broadcast %broadcast_in_dim3A_906 : i32 to vector<16xi32>
      %gather3A_908 = tpu.vector_load_idx %arg15[%add3A_800, %broadcast_in_dim3A_907] : memref<128x16xf32, #tpu.memory_space<vmem>>[vector<16xi32>, vector<16xi32>], vector<16xf32>,
      %gather3A_909 = tpu.vector_load_idx %arg16[%add3A_800, %broadcast_in_dim3A_907] : memref<128x16xf32, #tpu.memory_space<vmem>>[vector<16xi32>, vector<16xi32>], vector<16xf32>,
      %add3A_910 = arith.addf %gather3A_908, %gather3A_909 : vector<16xf32>
      %gt3A_911 = arith.constant 0.000000e+00 : f32
      %gt3A_912 = vector.broadcast %gt3A_911 : f32 to vector<16xf32>
      %gt3A_913 = arith.cmpf ogt, %add3A_910, %gt3A_912 : vector<16xf32>
      %mul3A_914 = arith.constant 2.000000e-01 : f32
      %mul3A_915 = vector.broadcast %mul3A_914 : f32 to vector<16xf32>
      %mul3A_916 = arith.mulf %mul3A_915, %add3A_910 : vector<16xf32>
      %select_n3A_917 = arith.select %gt3A_913, %add3A_910, %mul3A_916 : vector<16xi1>, vector<16xf32>
      %sub3A_918 = vector.broadcast %squeeze3A_34 : f32 to vector<16xf32>
      %sub3A_919 = arith.subf %select_n3A_917, %sub3A_918 : vector<16xf32>
      %exp3A_920 = math.exp %sub3A_919 : vector<16xf32>
      tpu.vector_store_idx %arg17[%add3A_800, %broadcast_in_dim3A_907], %exp3A_920 : memref<128x16xf32, #tpu.memory_space<vmem>>[vector<16xi32>, vector<16xi32>], vector<16xf32>,
      %add3A_921 = arith.constant 112 : i32
      %add3A_922 = vector.broadcast %add3A_921 : i32 to vector<16xi32>
      %add3A_923 = arith.addi %iota3A, %add3A_922 : vector<16xi32>
      %broadcast_in_dim3A_924 = arith.constant 0 : i32
      %broadcast_in_dim3A_925 = vector.broadcast %broadcast_in_dim3A_924 : i32 to vector<16xi32>
      %gather3A_926 = tpu.vector_load_idx %arg15[%add3A_923, %broadcast_in_dim3A_925] : memref<128x16xf32, #tpu.memory_space<vmem>>[vector<16xi32>, vector<16xi32>], vector<16xf32>,
      %gather3A_927 = tpu.vector_load_idx %arg16[%add3A_923, %broadcast_in_dim3A_925] : memref<128x16xf32, #tpu.memory_space<vmem>>[vector<16xi32>, vector<16xi32>], vector<16xf32>,
      %add3A_928 = arith.addf %gather3A_926, %gather3A_927 : vector<16xf32>
      %gt3A_929 = arith.constant 0.000000e+00 : f32
      %gt3A_930 = vector.broadcast %gt3A_929 : f32 to vector<16xf32>
      %gt3A_931 = arith.cmpf ogt, %add3A_928, %gt3A_930 : vector<16xf32>
      %mul3A_932 = arith.constant 2.000000e-01 : f32
      %mul3A_933 = vector.broadcast %mul3A_932 : f32 to vector<16xf32>
      %mul3A_934 = arith.mulf %mul3A_933, %add3A_928 : vector<16xf32>
      %select_n3A_935 = arith.select %gt3A_931, %add3A_928, %mul3A_934 : vector<16xi1>, vector<16xf32>
      %sub3A_936 = vector.broadcast %squeeze3A : f32 to vector<16xf32>
      %sub3A_937 = arith.subf %select_n3A_935, %sub3A_936 : vector<16xf32>
      %exp3A_938 = math.exp %sub3A_937 : vector<16xf32>
      tpu.vector_store_idx %arg17[%add3A_923, %broadcast_in_dim3A_925], %exp3A_938 : memref<128x16xf32, #tpu.memory_space<vmem>>[vector<16xi32>, vector<16xi32>], vector<16xf32>,
      %broadcast_in_dim3A_939 = arith.constant 1 : i32
      %broadcast_in_dim3A_940 = vector.broadcast %broadcast_in_dim3A_939 : i32 to vector<16xi32>
      %gather3A_941 = tpu.vector_load_idx %arg15[%add3A_923, %broadcast_in_dim3A_940] : memref<128x16xf32, #tpu.memory_space<vmem>>[vector<16xi32>, vector<16xi32>], vector<16xf32>,
      %gather3A_942 = tpu.vector_load_idx %arg16[%add3A_923, %broadcast_in_dim3A_940] : memref<128x16xf32, #tpu.memory_space<vmem>>[vector<16xi32>, vector<16xi32>], vector<16xf32>,
      %add3A_943 = arith.addf %gather3A_941, %gather3A_942 : vector<16xf32>
      %gt3A_944 = arith.constant 0.000000e+00 : f32
      %gt3A_945 = vector.broadcast %gt3A_944 : f32 to vector<16xf32>
      %gt3A_946 = arith.cmpf ogt, %add3A_943, %gt3A_945 : vector<16xf32>
      %mul3A_947 = arith.constant 2.000000e-01 : f32
      %mul3A_948 = vector.broadcast %mul3A_947 : f32 to vector<16xf32>
      %mul3A_949 = arith.mulf %mul3A_948, %add3A_943 : vector<16xf32>
      %select_n3A_950 = arith.select %gt3A_946, %add3A_943, %mul3A_949 : vector<16xi1>, vector<16xf32>
      %sub3A_951 = vector.broadcast %squeeze3A_22 : f32 to vector<16xf32>
      %sub3A_952 = arith.subf %select_n3A_950, %sub3A_951 : vector<16xf32>
      %exp3A_953 = math.exp %sub3A_952 : vector<16xf32>
      tpu.vector_store_idx %arg17[%add3A_923, %broadcast_in_dim3A_940], %exp3A_953 : memref<128x16xf32, #tpu.memory_space<vmem>>[vector<16xi32>, vector<16xi32>], vector<16xf32>,
      %broadcast_in_dim3A_954 = arith.constant 2 : i32
      %broadcast_in_dim3A_955 = vector.broadcast %broadcast_in_dim3A_954 : i32 to vector<16xi32>
      %gather3A_956 = tpu.vector_load_idx %arg15[%add3A_923, %broadcast_in_dim3A_955] : memref<128x16xf32, #tpu.memory_space<vmem>>[vector<16xi32>, vector<16xi32>], vector<16xf32>,
      %gather3A_957 = tpu.vector_load_idx %arg16[%add3A_923, %broadcast_in_dim3A_955] : memref<128x16xf32, #tpu.memory_space<vmem>>[vector<16xi32>, vector<16xi32>], vector<16xf32>,
      %add3A_958 = arith.addf %gather3A_956, %gather3A_957 : vector<16xf32>
      %gt3A_959 = arith.constant 0.000000e+00 : f32
      %gt3A_960 = vector.broadcast %gt3A_959 : f32 to vector<16xf32>
      %gt3A_961 = arith.cmpf ogt, %add3A_958, %gt3A_960 : vector<16xf32>
      %mul3A_962 = arith.constant 2.000000e-01 : f32
      %mul3A_963 = vector.broadcast %mul3A_962 : f32 to vector<16xf32>
      %mul3A_964 = arith.mulf %mul3A_963, %add3A_958 : vector<16xf32>
      %select_n3A_965 = arith.select %gt3A_961, %add3A_958, %mul3A_964 : vector<16xi1>, vector<16xf32>
      %sub3A_966 = vector.broadcast %squeeze3A_24 : f32 to vector<16xf32>
      %sub3A_967 = arith.subf %select_n3A_965, %sub3A_966 : vector<16xf32>
      %exp3A_968 = math.exp %sub3A_967 : vector<16xf32>
      tpu.vector_store_idx %arg17[%add3A_923, %broadcast_in_dim3A_955], %exp3A_968 : memref<128x16xf32, #tpu.memory_space<vmem>>[vector<16xi32>, vector<16xi32>], vector<16xf32>,
      %broadcast_in_dim3A_969 = arith.constant 3 : i32
      %broadcast_in_dim3A_970 = vector.broadcast %broadcast_in_dim3A_969 : i32 to vector<16xi32>
      %gather3A_971 = tpu.vector_load_idx %arg15[%add3A_923, %broadcast_in_dim3A_970] : memref<128x16xf32, #tpu.memory_space<vmem>>[vector<16xi32>, vector<16xi32>], vector<16xf32>,
      %gather3A_972 = tpu.vector_load_idx %arg16[%add3A_923, %broadcast_in_dim3A_970] : memref<128x16xf32, #tpu.memory_space<vmem>>[vector<16xi32>, vector<16xi32>], vector<16xf32>,
      %add3A_973 = arith.addf %gather3A_971, %gather3A_972 : vector<16xf32>
      %gt3A_974 = arith.constant 0.000000e+00 : f32
      %gt3A_975 = vector.broadcast %gt3A_974 : f32 to vector<16xf32>
      %gt3A_976 = arith.cmpf ogt, %add3A_973, %gt3A_975 : vector<16xf32>
      %mul3A_977 = arith.constant 2.000000e-01 : f32
      %mul3A_978 = vector.broadcast %mul3A_977 : f32 to vector<16xf32>
      %mul3A_979 = arith.mulf %mul3A_978, %add3A_973 : vector<16xf32>
      %select_n3A_980 = arith.select %gt3A_976, %add3A_973, %mul3A_979 : vector<16xi1>, vector<16xf32>
      %sub3A_981 = vector.broadcast %squeeze3A_26 : f32 to vector<16xf32>
      %sub3A_982 = arith.subf %select_n3A_980, %sub3A_981 : vector<16xf32>
      %exp3A_983 = math.exp %sub3A_982 : vector<16xf32>
      tpu.vector_store_idx %arg17[%add3A_923, %broadcast_in_dim3A_970], %exp3A_983 : memref<128x16xf32, #tpu.memory_space<vmem>>[vector<16xi32>, vector<16xi32>], vector<16xf32>,
      %broadcast_in_dim3A_984 = arith.constant 4 : i32
      %broadcast_in_dim3A_985 = vector.broadcast %broadcast_in_dim3A_984 : i32 to vector<16xi32>
      %gather3A_986 = tpu.vector_load_idx %arg15[%add3A_923, %broadcast_in_dim3A_985] : memref<128x16xf32, #tpu.memory_space<vmem>>[vector<16xi32>, vector<16xi32>], vector<16xf32>,
      %gather3A_987 = tpu.vector_load_idx %arg16[%add3A_923, %broadcast_in_dim3A_985] : memref<128x16xf32, #tpu.memory_space<vmem>>[vector<16xi32>, vector<16xi32>], vector<16xf32>,
      %add3A_988 = arith.addf %gather3A_986, %gather3A_987 : vector<16xf32>
      %gt3A_989 = arith.constant 0.000000e+00 : f32
      %gt3A_990 = vector.broadcast %gt3A_989 : f32 to vector<16xf32>
      %gt3A_991 = arith.cmpf ogt, %add3A_988, %gt3A_990 : vector<16xf32>
      %mul3A_992 = arith.constant 2.000000e-01 : f32
      %mul3A_993 = vector.broadcast %mul3A_992 : f32 to vector<16xf32>
      %mul3A_994 = arith.mulf %mul3A_993, %add3A_988 : vector<16xf32>
      %select_n3A_995 = arith.select %gt3A_991, %add3A_988, %mul3A_994 : vector<16xi1>, vector<16xf32>
      %sub3A_996 = vector.broadcast %squeeze3A_28 : f32 to vector<16xf32>
      %sub3A_997 = arith.subf %select_n3A_995, %sub3A_996 : vector<16xf32>
      %exp3A_998 = math.exp %sub3A_997 : vector<16xf32>
      tpu.vector_store_idx %arg17[%add3A_923, %broadcast_in_dim3A_985], %exp3A_998 : memref<128x16xf32, #tpu.memory_space<vmem>>[vector<16xi32>, vector<16xi32>], vector<16xf32>,
      %broadcast_in_dim3A_999 = arith.constant 5 : i32
      %broadcast_in_dim3A_1000 = vector.broadcast %broadcast_in_dim3A_999 : i32 to vector<16xi32>
      %gather3A_1001 = tpu.vector_load_idx %arg15[%add3A_923, %broadcast_in_dim3A_1000] : memref<128x16xf32, #tpu.memory_space<vmem>>[vector<16xi32>, vector<16xi32>], vector<16xf32>,
      %gather3A_1002 = tpu.vector_load_idx %arg16[%add3A_923, %broadcast_in_dim3A_1000] : memref<128x16xf32, #tpu.memory_space<vmem>>[vector<16xi32>, vector<16xi32>], vector<16xf32>,
      %add3A_1003 = arith.addf %gather3A_1001, %gather3A_1002 : vector<16xf32>
      %gt3A_1004 = arith.constant 0.000000e+00 : f32
      %gt3A_1005 = vector.broadcast %gt3A_1004 : f32 to vector<16xf32>
      %gt3A_1006 = arith.cmpf ogt, %add3A_1003, %gt3A_1005 : vector<16xf32>
      %mul3A_1007 = arith.constant 2.000000e-01 : f32
      %mul3A_1008 = vector.broadcast %mul3A_1007 : f32 to vector<16xf32>
      %mul3A_1009 = arith.mulf %mul3A_1008, %add3A_1003 : vector<16xf32>
      %select_n3A_1010 = arith.select %gt3A_1006, %add3A_1003, %mul3A_1009 : vector<16xi1>, vector<16xf32>
      %sub3A_1011 = vector.broadcast %squeeze3A_30 : f32 to vector<16xf32>
      %sub3A_1012 = arith.subf %select_n3A_1010, %sub3A_1011 : vector<16xf32>
      %exp3A_1013 = math.exp %sub3A_1012 : vector<16xf32>
      tpu.vector_store_idx %arg17[%add3A_923, %broadcast_in_dim3A_1000], %exp3A_1013 : memref<128x16xf32, #tpu.memory_space<vmem>>[vector<16xi32>, vector<16xi32>], vector<16xf32>,
      %broadcast_in_dim3A_1014 = arith.constant 6 : i32
      %broadcast_in_dim3A_1015 = vector.broadcast %broadcast_in_dim3A_1014 : i32 to vector<16xi32>
      %gather3A_1016 = tpu.vector_load_idx %arg15[%add3A_923, %broadcast_in_dim3A_1015] : memref<128x16xf32, #tpu.memory_space<vmem>>[vector<16xi32>, vector<16xi32>], vector<16xf32>,
      %gather3A_1017 = tpu.vector_load_idx %arg16[%add3A_923, %broadcast_in_dim3A_1015] : memref<128x16xf32, #tpu.memory_space<vmem>>[vector<16xi32>, vector<16xi32>], vector<16xf32>,
      %add3A_1018 = arith.addf %gather3A_1016, %gather3A_1017 : vector<16xf32>
      %gt3A_1019 = arith.constant 0.000000e+00 : f32
      %gt3A_1020 = vector.broadcast %gt3A_1019 : f32 to vector<16xf32>
      %gt3A_1021 = arith.cmpf ogt, %add3A_1018, %gt3A_1020 : vector<16xf32>
      %mul3A_1022 = arith.constant 2.000000e-01 : f32
      %mul3A_1023 = vector.broadcast %mul3A_1022 : f32 to vector<16xf32>
      %mul3A_1024 = arith.mulf %mul3A_1023, %add3A_1018 : vector<16xf32>
      %select_n3A_1025 = arith.select %gt3A_1021, %add3A_1018, %mul3A_1024 : vector<16xi1>, vector<16xf32>
      %sub3A_1026 = vector.broadcast %squeeze3A_32 : f32 to vector<16xf32>
      %sub3A_1027 = arith.subf %select_n3A_1025, %sub3A_1026 : vector<16xf32>
      %exp3A_1028 = math.exp %sub3A_1027 : vector<16xf32>
      tpu.vector_store_idx %arg17[%add3A_923, %broadcast_in_dim3A_1015], %exp3A_1028 : memref<128x16xf32, #tpu.memory_space<vmem>>[vector<16xi32>, vector<16xi32>], vector<16xf32>,
      %broadcast_in_dim3A_1029 = arith.constant 7 : i32
      %broadcast_in_dim3A_1030 = vector.broadcast %broadcast_in_dim3A_1029 : i32 to vector<16xi32>
      %gather3A_1031 = tpu.vector_load_idx %arg15[%add3A_923, %broadcast_in_dim3A_1030] : memref<128x16xf32, #tpu.memory_space<vmem>>[vector<16xi32>, vector<16xi32>], vector<16xf32>,
      %gather3A_1032 = tpu.vector_load_idx %arg16[%add3A_923, %broadcast_in_dim3A_1030] : memref<128x16xf32, #tpu.memory_space<vmem>>[vector<16xi32>, vector<16xi32>], vector<16xf32>,
      %add3A_1033 = arith.addf %gather3A_1031, %gather3A_1032 : vector<16xf32>
      %gt3A_1034 = arith.constant 0.000000e+00 : f32
      %gt3A_1035 = vector.broadcast %gt3A_1034 : f32 to vector<16xf32>
      %gt3A_1036 = arith.cmpf ogt, %add3A_1033, %gt3A_1035 : vector<16xf32>
      %mul3A_1037 = arith.constant 2.000000e-01 : f32
      %mul3A_1038 = vector.broadcast %mul3A_1037 : f32 to vector<16xf32>
      %mul3A_1039 = arith.mulf %mul3A_1038, %add3A_1033 : vector<16xf32>
      %select_n3A_1040 = arith.select %gt3A_1036, %add3A_1033, %mul3A_1039 : vector<16xi1>, vector<16xf32>
      %sub3A_1041 = vector.broadcast %squeeze3A_34 : f32 to vector<16xf32>
      %sub3A_1042 = arith.subf %select_n3A_1040, %sub3A_1041 : vector<16xf32>
      %exp3A_1043 = math.exp %sub3A_1042 : vector<16xf32>
      tpu.vector_store_idx %arg17[%add3A_923, %broadcast_in_dim3A_1030], %exp3A_1043 : memref<128x16xf32, #tpu.memory_space<vmem>>[vector<16xi32>, vector<16xi32>], vector<16xf32>,
      %scan3A_1044 = arith.constant 0 : i32
      %scan3A_1045 = arith.constant 0 : i32
      %scan3A_1046 = arith.constant 128 : i32
      %scan3A_1047 = arith.addi %scan3A_1045, %scan3A_1046 : i32
      %scan3A_1048 = arith.constant 1 : i32
      scf.for %scan3A_1050 = %scan3A_1045 to %scan3A_1047 step %scan3A_1048  : i32 {
        %mul3A_1051 = arith.constant 0 : i32
        %mul3A_1052 = vector.broadcast %mul3A_1051 : i32 to vector<16xi32>
        %mul3A_1053 = arith.muli %iota3A, %mul3A_1052 : vector<16xi32>
        %add3A_1054 = vector.broadcast %scan3A_1050 : i32 to vector<16xi32>
        %add3A_1055 = arith.addi %mul3A_1053, %add3A_1054 : vector<16xi32>
        %broadcast_in_dim3A_1056 = arith.constant 0 : i32
        %broadcast_in_dim3A_1057 = vector.broadcast %broadcast_in_dim3A_1056 : i32 to vector<16xi32>
        %gather3A_1058 = tpu.vector_load_idx %arg17[%add3A_1055, %broadcast_in_dim3A_1057] : memref<128x16xf32, #tpu.memory_space<vmem>>[vector<16xi32>, vector<16xi32>], vector<16xf32>,
        %get3A_1059 = arith.index_cast %scan3A_1050 : i32 to index
        %get3A_1060 = arith.constant 0 : index
        %get3A_1061 = tpu.vector_load %arg14[%get3A_1059, %get3A_1060] {strides = array<i32>} : memref<128x128xf32, #tpu.memory_space<vmem>>, vector<16xf32>,
        %mul3A_1062 = arith.mulf %get3A_1061, %gather3A_1058 : vector<16xf32>
        %swap3A_1063 = arith.index_cast %scan3A_1050 : i32 to index
        %swap3A_1064 = arith.constant 0 : index
        %swap3A_1065 = tpu.vector_load %arg14[%swap3A_1063, %swap3A_1064] {strides = array<i32>} : memref<128x128xf32, #tpu.memory_space<vmem>>, vector<16xf32>,
        tpu.vector_store %arg14[%swap3A_1063, %swap3A_1064], %mul3A_1062 {strides = array<i32>} : memref<128x128xf32, #tpu.memory_space<vmem>>, vector<16xf32>,
        %broadcast_in_dim3A_1066 = arith.constant 1 : i32
        %broadcast_in_dim3A_1067 = vector.broadcast %broadcast_in_dim3A_1066 : i32 to vector<16xi32>
        %gather3A_1068 = tpu.vector_load_idx %arg17[%add3A_1055, %broadcast_in_dim3A_1067] : memref<128x16xf32, #tpu.memory_space<vmem>>[vector<16xi32>, vector<16xi32>], vector<16xf32>,
        %get3A_1069 = arith.index_cast %scan3A_1050 : i32 to index
        %get3A_1070 = arith.constant 16 : index
        %get3A_1071 = tpu.vector_load %arg14[%get3A_1069, %get3A_1070] {strides = array<i32>} : memref<128x128xf32, #tpu.memory_space<vmem>>, vector<16xf32>,
        %mul3A_1072 = arith.mulf %get3A_1071, %gather3A_1068 : vector<16xf32>
        %swap3A_1073 = arith.index_cast %scan3A_1050 : i32 to index
        %swap3A_1074 = arith.constant 16 : index
        %swap3A_1075 = tpu.vector_load %arg14[%swap3A_1073, %swap3A_1074] {strides = array<i32>} : memref<128x128xf32, #tpu.memory_space<vmem>>, vector<16xf32>,
        tpu.vector_store %arg14[%swap3A_1073, %swap3A_1074], %mul3A_1072 {strides = array<i32>} : memref<128x128xf32, #tpu.memory_space<vmem>>, vector<16xf32>,
        %broadcast_in_dim3A_1076 = arith.constant 2 : i32
        %broadcast_in_dim3A_1077 = vector.broadcast %broadcast_in_dim3A_1076 : i32 to vector<16xi32>
        %gather3A_1078 = tpu.vector_load_idx %arg17[%add3A_1055, %broadcast_in_dim3A_1077] : memref<128x16xf32, #tpu.memory_space<vmem>>[vector<16xi32>, vector<16xi32>], vector<16xf32>,
        %get3A_1079 = arith.index_cast %scan3A_1050 : i32 to index
        %get3A_1080 = arith.constant 32 : index
        %get3A_1081 = tpu.vector_load %arg14[%get3A_1079, %get3A_1080] {strides = array<i32>} : memref<128x128xf32, #tpu.memory_space<vmem>>, vector<16xf32>,
        %mul3A_1082 = arith.mulf %get3A_1081, %gather3A_1078 : vector<16xf32>
        %swap3A_1083 = arith.index_cast %scan3A_1050 : i32 to index
        %swap3A_1084 = arith.constant 32 : index
        %swap3A_1085 = tpu.vector_load %arg14[%swap3A_1083, %swap3A_1084] {strides = array<i32>} : memref<128x128xf32, #tpu.memory_space<vmem>>, vector<16xf32>,
        tpu.vector_store %arg14[%swap3A_1083, %swap3A_1084], %mul3A_1082 {strides = array<i32>} : memref<128x128xf32, #tpu.memory_space<vmem>>, vector<16xf32>,
        %broadcast_in_dim3A_1086 = arith.constant 3 : i32
        %broadcast_in_dim3A_1087 = vector.broadcast %broadcast_in_dim3A_1086 : i32 to vector<16xi32>
        %gather3A_1088 = tpu.vector_load_idx %arg17[%add3A_1055, %broadcast_in_dim3A_1087] : memref<128x16xf32, #tpu.memory_space<vmem>>[vector<16xi32>, vector<16xi32>], vector<16xf32>,
        %get3A_1089 = arith.index_cast %scan3A_1050 : i32 to index
        %get3A_1090 = arith.constant 48 : index
        %get3A_1091 = tpu.vector_load %arg14[%get3A_1089, %get3A_1090] {strides = array<i32>} : memref<128x128xf32, #tpu.memory_space<vmem>>, vector<16xf32>,
        %mul3A_1092 = arith.mulf %get3A_1091, %gather3A_1088 : vector<16xf32>
        %swap3A_1093 = arith.index_cast %scan3A_1050 : i32 to index
        %swap3A_1094 = arith.constant 48 : index
        %swap3A_1095 = tpu.vector_load %arg14[%swap3A_1093, %swap3A_1094] {strides = array<i32>} : memref<128x128xf32, #tpu.memory_space<vmem>>, vector<16xf32>,
        tpu.vector_store %arg14[%swap3A_1093, %swap3A_1094], %mul3A_1092 {strides = array<i32>} : memref<128x128xf32, #tpu.memory_space<vmem>>, vector<16xf32>,
        %broadcast_in_dim3A_1096 = arith.constant 4 : i32
        %broadcast_in_dim3A_1097 = vector.broadcast %broadcast_in_dim3A_1096 : i32 to vector<16xi32>
        %gather3A_1098 = tpu.vector_load_idx %arg17[%add3A_1055, %broadcast_in_dim3A_1097] : memref<128x16xf32, #tpu.memory_space<vmem>>[vector<16xi32>, vector<16xi32>], vector<16xf32>,
        %get3A_1099 = arith.index_cast %scan3A_1050 : i32 to index
        %get3A_1100 = arith.constant 64 : index
        %get3A_1101 = tpu.vector_load %arg14[%get3A_1099, %get3A_1100] {strides = array<i32>} : memref<128x128xf32, #tpu.memory_space<vmem>>, vector<16xf32>,
        %mul3A_1102 = arith.mulf %get3A_1101, %gather3A_1098 : vector<16xf32>
        %swap3A_1103 = arith.index_cast %scan3A_1050 : i32 to index
        %swap3A_1104 = arith.constant 64 : index
        %swap3A_1105 = tpu.vector_load %arg14[%swap3A_1103, %swap3A_1104] {strides = array<i32>} : memref<128x128xf32, #tpu.memory_space<vmem>>, vector<16xf32>,
        tpu.vector_store %arg14[%swap3A_1103, %swap3A_1104], %mul3A_1102 {strides = array<i32>} : memref<128x128xf32, #tpu.memory_space<vmem>>, vector<16xf32>,
        %broadcast_in_dim3A_1106 = arith.constant 5 : i32
        %broadcast_in_dim3A_1107 = vector.broadcast %broadcast_in_dim3A_1106 : i32 to vector<16xi32>
        %gather3A_1108 = tpu.vector_load_idx %arg17[%add3A_1055, %broadcast_in_dim3A_1107] : memref<128x16xf32, #tpu.memory_space<vmem>>[vector<16xi32>, vector<16xi32>], vector<16xf32>,
        %get3A_1109 = arith.index_cast %scan3A_1050 : i32 to index
        %get3A_1110 = arith.constant 80 : index
        %get3A_1111 = tpu.vector_load %arg14[%get3A_1109, %get3A_1110] {strides = array<i32>} : memref<128x128xf32, #tpu.memory_space<vmem>>, vector<16xf32>,
        %mul3A_1112 = arith.mulf %get3A_1111, %gather3A_1108 : vector<16xf32>
        %swap3A_1113 = arith.index_cast %scan3A_1050 : i32 to index
        %swap3A_1114 = arith.constant 80 : index
        %swap3A_1115 = tpu.vector_load %arg14[%swap3A_1113, %swap3A_1114] {strides = array<i32>} : memref<128x128xf32, #tpu.memory_space<vmem>>, vector<16xf32>,
        tpu.vector_store %arg14[%swap3A_1113, %swap3A_1114], %mul3A_1112 {strides = array<i32>} : memref<128x128xf32, #tpu.memory_space<vmem>>, vector<16xf32>,
        %broadcast_in_dim3A_1116 = arith.constant 6 : i32
        %broadcast_in_dim3A_1117 = vector.broadcast %broadcast_in_dim3A_1116 : i32 to vector<16xi32>
        %gather3A_1118 = tpu.vector_load_idx %arg17[%add3A_1055, %broadcast_in_dim3A_1117] : memref<128x16xf32, #tpu.memory_space<vmem>>[vector<16xi32>, vector<16xi32>], vector<16xf32>,
        %get3A_1119 = arith.index_cast %scan3A_1050 : i32 to index
        %get3A_1120 = arith.constant 96 : index
        %get3A_1121 = tpu.vector_load %arg14[%get3A_1119, %get3A_1120] {strides = array<i32>} : memref<128x128xf32, #tpu.memory_space<vmem>>, vector<16xf32>,
        %mul3A_1122 = arith.mulf %get3A_1121, %gather3A_1118 : vector<16xf32>
        %swap3A_1123 = arith.index_cast %scan3A_1050 : i32 to index
        %swap3A_1124 = arith.constant 96 : index
        %swap3A_1125 = tpu.vector_load %arg14[%swap3A_1123, %swap3A_1124] {strides = array<i32>} : memref<128x128xf32, #tpu.memory_space<vmem>>, vector<16xf32>,
        tpu.vector_store %arg14[%swap3A_1123, %swap3A_1124], %mul3A_1122 {strides = array<i32>} : memref<128x128xf32, #tpu.memory_space<vmem>>, vector<16xf32>,
        %broadcast_in_dim3A_1126 = arith.constant 7 : i32
        %broadcast_in_dim3A_1127 = vector.broadcast %broadcast_in_dim3A_1126 : i32 to vector<16xi32>
        %gather3A_1128 = tpu.vector_load_idx %arg17[%add3A_1055, %broadcast_in_dim3A_1127] : memref<128x16xf32, #tpu.memory_space<vmem>>[vector<16xi32>, vector<16xi32>], vector<16xf32>,
        %get3A_1129 = arith.index_cast %scan3A_1050 : i32 to index
        %get3A_1130 = arith.constant 112 : index
        %get3A_1131 = tpu.vector_load %arg14[%get3A_1129, %get3A_1130] {strides = array<i32>} : memref<128x128xf32, #tpu.memory_space<vmem>>, vector<16xf32>,
        %mul3A_1132 = arith.mulf %get3A_1131, %gather3A_1128 : vector<16xf32>
        %swap3A_1133 = arith.index_cast %scan3A_1050 : i32 to index
        %swap3A_1134 = arith.constant 112 : index
        %swap3A_1135 = tpu.vector_load %arg14[%swap3A_1133, %swap3A_1134] {strides = array<i32>} : memref<128x128xf32, #tpu.memory_space<vmem>>, vector<16xf32>,
        tpu.vector_store %arg14[%swap3A_1133, %swap3A_1134], %mul3A_1132 {strides = array<i32>} : memref<128x128xf32, #tpu.memory_space<vmem>>, vector<16xf32>,
      }
      %scan3A_1049 = arith.constant 128 : i32
      "tpu.region"() ({
        %run_scoped3A_1050 = tpu.sem_alloc : memref<!tpu.dma_semaphore, #tpu.memory_space<semaphore_mem>>
        %dma_start3A_1051 = arith.constant 0 : i32
        %dma_start3A_1052 = arith.constant 0 : i32
        %dma_start3A_1053 = tpu.memref_slice %arg20[%dma_start3A_1051, %dma_start3A_1052] : memref<10240x128xf32, #tpu.memory_space<vmem_shared>> -> memref<10240x128xf32, #tpu.memory_space<vmem_shared>>
        tpu.enqueue_indirect_dma source(%arg14 : memref<128x128xf32, #tpu.memory_space<vmem>>) target(%dma_start3A_1053 : memref<10240x128xf32, #tpu.memory_space<vmem_shared>>) offsets(%arg13 : memref<128xi32, #tpu.memory_space<vmem>>) semaphore(%run_scoped3A_1050 : memref<!tpu.dma_semaphore, #tpu.memory_space<semaphore_mem>>) {add = true}
        %dma_wait3A_1054 = arith.constant 0 : i32
        %dma_wait3A_1055 = arith.constant 0 : i32
        %dma_wait3A_1056 = tpu.memref_slice %arg20[%dma_wait3A_1054, %dma_wait3A_1055] : memref<10240x128xf32, #tpu.memory_space<vmem_shared>> -> memref<10240x128xf32, #tpu.memory_space<vmem_shared>>
        tpu.wait_indirect_dma semaphore(%run_scoped3A_1050 : memref<!tpu.dma_semaphore, #tpu.memory_space<semaphore_mem>>) src(%arg14 : memref<128x128xf32, #tpu.memory_space<vmem>>) dst(%dma_wait3A_1056 : memref<10240x128xf32, #tpu.memory_space<vmem_shared>>)
        tpu.yield
      }) : () -> ()
      "tpu.region"() ({
        %run_scoped3A_1050 = tpu.sem_alloc : memref<!tpu.dma_semaphore, #tpu.memory_space<semaphore_mem>>
        %dma_start3A_1051 = arith.constant 0 : i32
        %dma_start3A_1052 = arith.constant 0 : i32
        %dma_start3A_1053 = tpu.memref_slice %arg21[%dma_start3A_1051, %dma_start3A_1052] : memref<10240x16xf32, #tpu.memory_space<vmem_shared>> -> memref<10240x16xf32, #tpu.memory_space<vmem_shared>>
        tpu.enqueue_indirect_dma source(%arg17 : memref<128x16xf32, #tpu.memory_space<vmem>>) target(%dma_start3A_1053 : memref<10240x16xf32, #tpu.memory_space<vmem_shared>>) offsets(%arg13 : memref<128xi32, #tpu.memory_space<vmem>>) semaphore(%run_scoped3A_1050 : memref<!tpu.dma_semaphore, #tpu.memory_space<semaphore_mem>>) {add = true}
        %dma_wait3A_1054 = arith.constant 0 : i32
        %dma_wait3A_1055 = arith.constant 0 : i32
        %dma_wait3A_1056 = tpu.memref_slice %arg21[%dma_wait3A_1054, %dma_wait3A_1055] : memref<10240x16xf32, #tpu.memory_space<vmem_shared>> -> memref<10240x16xf32, #tpu.memory_space<vmem_shared>>
        tpu.wait_indirect_dma semaphore(%run_scoped3A_1050 : memref<!tpu.dma_semaphore, #tpu.memory_space<semaphore_mem>>) src(%arg17 : memref<128x16xf32, #tpu.memory_space<vmem>>) dst(%dma_wait3A_1056 : memref<10240x16xf32, #tpu.memory_space<vmem_shared>>)
        tpu.yield
      }) : () -> ()
    }
    %scan3A_42 = arith.constant 81 : i32
    %barrier3A_43 = arith.constant 0 : index
    tpu.barrier barrier_id(%barrier3A_43)
    "tpu.region"() ({
      %run_scoped3A_44 = tpu.sem_alloc : memref<!tpu.dma_semaphore, #tpu.memory_space<semaphore_mem>>
      %dma_start3A = arith.constant 0 : i32
      %dma_start3A_45 = tpu.memref_slice %arg10[%arg0, %mul3A_2, %dma_start3A] : memref<2x10240x128xf32, #tpu.memory_space<hbm>> -> memref<1x640x128xf32, #tpu.memory_space<hbm>>
      %dma_start3A_46 = tpu.memref_squeeze %dma_start3A_45 : memref<1x640x128xf32, #tpu.memory_space<hbm>> -> memref<640x128xf32, #tpu.memory_space<hbm>>
      %dma_start3A_47 = arith.constant 0 : i32
      %dma_start3A_48 = tpu.memref_slice %arg20[%mul3A_2, %dma_start3A_47] : memref<10240x128xf32, #tpu.memory_space<vmem_shared>> -> memref<640x128xf32, #tpu.memory_space<vmem_shared>>
      tpu.enqueue_dma source(%dma_start3A_48 : memref<640x128xf32, #tpu.memory_space<vmem_shared>>) target(%dma_start3A_46 : memref<640x128xf32, #tpu.memory_space<hbm>>) target_semaphore(%run_scoped3A_44 : memref<!tpu.dma_semaphore, #tpu.memory_space<semaphore_mem>>)
      %dma_wait3A = arith.constant 0 : i32
      %dma_wait3A_49 = tpu.memref_slice %arg10[%arg0, %mul3A_2, %dma_wait3A] : memref<2x10240x128xf32, #tpu.memory_space<hbm>> -> memref<1x640x128xf32, #tpu.memory_space<hbm>>
      %dma_wait3A_50 = tpu.memref_squeeze %dma_wait3A_49 : memref<1x640x128xf32, #tpu.memory_space<hbm>> -> memref<640x128xf32, #tpu.memory_space<hbm>>
      %dma_wait3A_51 = arith.constant 0 : i32
      %dma_wait3A_52 = tpu.memref_slice %arg20[%mul3A_2, %dma_wait3A_51] : memref<10240x128xf32, #tpu.memory_space<vmem_shared>> -> memref<640x128xf32, #tpu.memory_space<vmem_shared>>
      tpu.wait_dma2 semaphore(%run_scoped3A_44 : memref<!tpu.dma_semaphore, #tpu.memory_space<semaphore_mem>>) src(%dma_wait3A_52 : memref<640x128xf32, #tpu.memory_space<vmem_shared>>) dst(%dma_wait3A_50 : memref<640x128xf32, #tpu.memory_space<hbm>>)
      tpu.yield
    }) : () -> ()
    "tpu.region"() ({
      %run_scoped3A_44 = tpu.sem_alloc : memref<!tpu.dma_semaphore, #tpu.memory_space<semaphore_mem>>
      %dma_start3A = arith.constant 0 : i32
      %dma_start3A_45 = tpu.memref_slice %arg11[%arg0, %mul3A_2, %dma_start3A] : memref<2x10240x16xf32, #tpu.memory_space<hbm>> -> memref<1x640x16xf32, #tpu.memory_space<hbm>>
      %dma_start3A_46 = tpu.memref_squeeze %dma_start3A_45 : memref<1x640x16xf32, #tpu.memory_space<hbm>> -> memref<640x16xf32, #tpu.memory_space<hbm>>
      %dma_start3A_47 = arith.constant 0 : i32
      %dma_start3A_48 = tpu.memref_slice %arg21[%mul3A_2, %dma_start3A_47] : memref<10240x16xf32, #tpu.memory_space<vmem_shared>> -> memref<640x16xf32, #tpu.memory_space<vmem_shared>>
      tpu.enqueue_dma source(%dma_start3A_48 : memref<640x16xf32, #tpu.memory_space<vmem_shared>>) target(%dma_start3A_46 : memref<640x16xf32, #tpu.memory_space<hbm>>) target_semaphore(%run_scoped3A_44 : memref<!tpu.dma_semaphore, #tpu.memory_space<semaphore_mem>>)
      %dma_wait3A = arith.constant 0 : i32
      %dma_wait3A_49 = tpu.memref_slice %arg11[%arg0, %mul3A_2, %dma_wait3A] : memref<2x10240x16xf32, #tpu.memory_space<hbm>> -> memref<1x640x16xf32, #tpu.memory_space<hbm>>
      %dma_wait3A_50 = tpu.memref_squeeze %dma_wait3A_49 : memref<1x640x16xf32, #tpu.memory_space<hbm>> -> memref<640x16xf32, #tpu.memory_space<hbm>>
      %dma_wait3A_51 = arith.constant 0 : i32
      %dma_wait3A_52 = tpu.memref_slice %arg21[%mul3A_2, %dma_wait3A_51] : memref<10240x16xf32, #tpu.memory_space<vmem_shared>> -> memref<640x16xf32, #tpu.memory_space<vmem_shared>>
      tpu.wait_dma2 semaphore(%run_scoped3A_44 : memref<!tpu.dma_semaphore, #tpu.memory_space<semaphore_mem>>) src(%dma_wait3A_52 : memref<640x16xf32, #tpu.memory_space<vmem_shared>>) dst(%dma_wait3A_50 : memref<640x16xf32, #tpu.memory_space<hbm>>)
      tpu.yield
    }) : () -> ()
    return
  }
}

#map = affine_map<(d0, d1) -> (0, 0)>
#map1 = affine_map<(d0, d1) -> (0)>
#map2 = affine_map<(d0, d1) -> (0, 0, 0)>
module attributes {stable_mosaic.version = 14 : i64} {
  func.func @sc2(%arg0: i32, %arg1: i32, %arg2: memref<10000x16xf32, #tpu.memory_space<hbm>>, %arg3: memref<10000x16xf32, #tpu.memory_space<hbm>>, %arg4: memref<10240x16xf32, #tpu.memory_space<hbm>>, %arg5: memref<331776xi32, #tpu.memory_space<hbm>>, %arg6: memref<331776xi32, #tpu.memory_space<hbm>>, %arg7: memref<8x128xf32, #tpu.memory_space<hbm>>, %arg8: memref<640x16xf32, #tpu.memory_space<hbm>>, %arg9: memref<2x10240x16xf32, #tpu.memory_space<hbm>>, %arg10: memref<2x10240x16xf32, #tpu.memory_space<hbm>>, %arg11: memref<128xi32, #tpu.memory_space<vmem>>, %arg12: memref<128xi32, #tpu.memory_space<vmem>>, %arg13: memref<128x16xf32, #tpu.memory_space<vmem>>, %arg14: memref<128x16xf32, #tpu.memory_space<vmem>>, %arg15: memref<128x16xf32, #tpu.memory_space<vmem>>, %arg16: memref<128x16xf32, #tpu.memory_space<vmem>>, %arg17: memref<16xf32, #tpu.memory_space<vmem>>, %arg18: memref<16xf32, #tpu.memory_space<vmem>>, %arg19: memref<10240x16xf32, #tpu.memory_space<vmem_shared>>, %arg20: memref<10240x16xf32, #tpu.memory_space<vmem_shared>>, %arg21: memref<!tpu.dma_semaphore, #tpu.memory_space<semaphore_mem>>, %arg22: memref<!tpu.dma_semaphore, #tpu.memory_space<semaphore_mem>>, %arg23: memref<!tpu.dma_semaphore, #tpu.memory_space<semaphore_mem>>) attributes {dimension_semantics = [#tpu.dimension_semantics<core_parallel>, #tpu.dimension_semantics<subcore_parallel>], iteration_bounds = array<i64: 2, 16>, scalar_prefetch = 0 : i64, scratch_operands = 13 : i64, tpu.core_type = #tpu.core_type<sc_vector_subcore>, window_params = [{transform_indices = #map}, {transform_indices = #map}, {transform_indices = #map}, {transform_indices = #map1}, {transform_indices = #map1}, {transform_indices = #map}, {transform_indices = #map}, {transform_indices = #map2}, {transform_indices = #map2}]} {
    %mul3A = arith.constant 16 : i32
    %mul3A_0 = arith.muli %arg0, %mul3A : i32
    %add3A = arith.addi %mul3A_0, %arg1 : i32
    %mul3A_1 = arith.constant 640 : i32
    %mul3A_2 = arith.muli %arg1, %mul3A_1 : i32
    "tpu.region"() ({
      %run_scoped3A_23 = tpu.sem_alloc : memref<!tpu.dma_semaphore, #tpu.memory_space<semaphore_mem>>
      %dma_start3A = arith.constant 0 : i32
      %dma_start3A_24 = tpu.memref_slice %arg19[%mul3A_2, %dma_start3A] : memref<10240x16xf32, #tpu.memory_space<vmem_shared>> -> memref<640x16xf32, #tpu.memory_space<vmem_shared>>
      tpu.enqueue_dma source(%arg8 : memref<640x16xf32, #tpu.memory_space<hbm>>) target(%dma_start3A_24 : memref<640x16xf32, #tpu.memory_space<vmem_shared>>) target_semaphore(%run_scoped3A_23 : memref<!tpu.dma_semaphore, #tpu.memory_space<semaphore_mem>>)
      %dma_wait3A = arith.constant 0 : i32
      %dma_wait3A_25 = tpu.memref_slice %arg19[%mul3A_2, %dma_wait3A] : memref<10240x16xf32, #tpu.memory_space<vmem_shared>> -> memref<640x16xf32, #tpu.memory_space<vmem_shared>>
      tpu.wait_dma2 semaphore(%run_scoped3A_23 : memref<!tpu.dma_semaphore, #tpu.memory_space<semaphore_mem>>) src(%arg8 : memref<640x16xf32, #tpu.memory_space<hbm>>) dst(%dma_wait3A_25 : memref<640x16xf32, #tpu.memory_space<vmem_shared>>)
      tpu.yield
    }) : () -> ()
    "tpu.region"() ({
      %run_scoped3A_23 = tpu.sem_alloc : memref<!tpu.dma_semaphore, #tpu.memory_space<semaphore_mem>>
      %dma_start3A = arith.constant 0 : i32
      %dma_start3A_24 = tpu.memref_slice %arg20[%mul3A_2, %dma_start3A] : memref<10240x16xf32, #tpu.memory_space<vmem_shared>> -> memref<640x16xf32, #tpu.memory_space<vmem_shared>>
      tpu.enqueue_dma source(%arg8 : memref<640x16xf32, #tpu.memory_space<hbm>>) target(%dma_start3A_24 : memref<640x16xf32, #tpu.memory_space<vmem_shared>>) target_semaphore(%run_scoped3A_23 : memref<!tpu.dma_semaphore, #tpu.memory_space<semaphore_mem>>)
      %dma_wait3A = arith.constant 0 : i32
      %dma_wait3A_25 = tpu.memref_slice %arg20[%mul3A_2, %dma_wait3A] : memref<10240x16xf32, #tpu.memory_space<vmem_shared>> -> memref<640x16xf32, #tpu.memory_space<vmem_shared>>
      tpu.wait_dma2 semaphore(%run_scoped3A_23 : memref<!tpu.dma_semaphore, #tpu.memory_space<semaphore_mem>>) src(%arg8 : memref<640x16xf32, #tpu.memory_space<hbm>>) dst(%dma_wait3A_25 : memref<640x16xf32, #tpu.memory_space<vmem_shared>>)
      tpu.yield
    }) : () -> ()
    %run_scoped3A = arith.constant 0 : i32
    "tpu.region"() ({
      %run_scoped3A_23 = tpu.sem_alloc : memref<!tpu.dma_semaphore, #tpu.memory_space<semaphore_mem>>
      %dma_start3A = arith.constant 0 : i32
      %dma_start3A_24 = tpu.memref_slice %arg7[%run_scoped3A, %dma_start3A] : memref<8x128xf32, #tpu.memory_space<hbm>> -> memref<1x16xf32, #tpu.memory_space<hbm>>
      %dma_start3A_25 = tpu.memref_squeeze %dma_start3A_24 : memref<1x16xf32, #tpu.memory_space<hbm>> -> memref<16xf32, #tpu.memory_space<hbm>>
      %dma_start3A_26 = arith.constant 0 : i32
      %dma_start3A_27 = tpu.memref_slice %arg7[%run_scoped3A, %dma_start3A_26] : memref<8x128xf32, #tpu.memory_space<hbm>> -> memref<1x16xf32, #tpu.memory_space<hbm>>
      %dma_start3A_28 = tpu.memref_squeeze %dma_start3A_27 : memref<1x16xf32, #tpu.memory_space<hbm>> -> memref<16xf32, #tpu.memory_space<hbm>>
      tpu.enqueue_dma source(%dma_start3A_28 : memref<16xf32, #tpu.memory_space<hbm>>) target(%arg17 : memref<16xf32, #tpu.memory_space<vmem>>) target_semaphore(%run_scoped3A_23 : memref<!tpu.dma_semaphore, #tpu.memory_space<semaphore_mem>>)
      %dma_wait3A = arith.constant 0 : i32
      %dma_wait3A_29 = tpu.memref_slice %arg7[%run_scoped3A, %dma_wait3A] : memref<8x128xf32, #tpu.memory_space<hbm>> -> memref<1x16xf32, #tpu.memory_space<hbm>>
      %dma_wait3A_30 = tpu.memref_squeeze %dma_wait3A_29 : memref<1x16xf32, #tpu.memory_space<hbm>> -> memref<16xf32, #tpu.memory_space<hbm>>
      %dma_wait3A_31 = arith.constant 0 : i32
      %dma_wait3A_32 = tpu.memref_slice %arg7[%run_scoped3A, %dma_wait3A_31] : memref<8x128xf32, #tpu.memory_space<hbm>> -> memref<1x16xf32, #tpu.memory_space<hbm>>
      %dma_wait3A_33 = tpu.memref_squeeze %dma_wait3A_32 : memref<1x16xf32, #tpu.memory_space<hbm>> -> memref<16xf32, #tpu.memory_space<hbm>>
      tpu.wait_dma2 semaphore(%run_scoped3A_23 : memref<!tpu.dma_semaphore, #tpu.memory_space<semaphore_mem>>) src(%dma_wait3A_33 : memref<16xf32, #tpu.memory_space<hbm>>) dst(%arg17 : memref<16xf32, #tpu.memory_space<vmem>>)
      tpu.yield
    }) : () -> ()
    %run_scoped3A_3 = arith.constant 1 : i32
    "tpu.region"() ({
      %run_scoped3A_23 = tpu.sem_alloc : memref<!tpu.dma_semaphore, #tpu.memory_space<semaphore_mem>>
      %dma_start3A = arith.constant 0 : i32
      %dma_start3A_24 = tpu.memref_slice %arg7[%run_scoped3A_3, %dma_start3A] : memref<8x128xf32, #tpu.memory_space<hbm>> -> memref<1x16xf32, #tpu.memory_space<hbm>>
      %dma_start3A_25 = tpu.memref_squeeze %dma_start3A_24 : memref<1x16xf32, #tpu.memory_space<hbm>> -> memref<16xf32, #tpu.memory_space<hbm>>
      %dma_start3A_26 = arith.constant 0 : i32
      %dma_start3A_27 = tpu.memref_slice %arg7[%run_scoped3A_3, %dma_start3A_26] : memref<8x128xf32, #tpu.memory_space<hbm>> -> memref<1x16xf32, #tpu.memory_space<hbm>>
      %dma_start3A_28 = tpu.memref_squeeze %dma_start3A_27 : memref<1x16xf32, #tpu.memory_space<hbm>> -> memref<16xf32, #tpu.memory_space<hbm>>
      tpu.enqueue_dma source(%dma_start3A_28 : memref<16xf32, #tpu.memory_space<hbm>>) target(%arg18 : memref<16xf32, #tpu.memory_space<vmem>>) target_semaphore(%run_scoped3A_23 : memref<!tpu.dma_semaphore, #tpu.memory_space<semaphore_mem>>)
      %dma_wait3A = arith.constant 0 : i32
      %dma_wait3A_29 = tpu.memref_slice %arg7[%run_scoped3A_3, %dma_wait3A] : memref<8x128xf32, #tpu.memory_space<hbm>> -> memref<1x16xf32, #tpu.memory_space<hbm>>
      %dma_wait3A_30 = tpu.memref_squeeze %dma_wait3A_29 : memref<1x16xf32, #tpu.memory_space<hbm>> -> memref<16xf32, #tpu.memory_space<hbm>>
      %dma_wait3A_31 = arith.constant 0 : i32
      %dma_wait3A_32 = tpu.memref_slice %arg7[%run_scoped3A_3, %dma_wait3A_31] : memref<8x128xf32, #tpu.memory_space<hbm>> -> memref<1x16xf32, #tpu.memory_space<hbm>>
      %dma_wait3A_33 = tpu.memref_squeeze %dma_wait3A_32 : memref<1x16xf32, #tpu.memory_space<hbm>> -> memref<16xf32, #tpu.memory_space<hbm>>
      tpu.wait_dma2 semaphore(%run_scoped3A_23 : memref<!tpu.dma_semaphore, #tpu.memory_space<semaphore_mem>>) src(%dma_wait3A_33 : memref<16xf32, #tpu.memory_space<hbm>>) dst(%arg18 : memref<16xf32, #tpu.memory_space<vmem>>)
      tpu.yield
    }) : () -> ()
    %get3A = arith.constant 0 : index
    %get3A_4 = tpu.vector_load %arg17[%get3A] {strides = array<i32>} : memref<16xf32, #tpu.memory_space<vmem>>, vector<16xf32>,
    %get3A_5 = arith.constant 0 : index
    %get3A_6 = tpu.vector_load %arg18[%get3A_5] {strides = array<i32>} : memref<16xf32, #tpu.memory_space<vmem>>, vector<16xf32>,
    %add3A_7 = arith.addf %get3A_4, %get3A_6 : vector<16xf32>
    %gt3A = arith.constant 0.000000e+00 : f32
    %gt3A_8 = vector.broadcast %gt3A : f32 to vector<16xf32>
    %gt3A_9 = arith.cmpf ogt, %add3A_7, %gt3A_8 : vector<16xf32>
    %mul3A_10 = arith.constant 2.000000e-01 : f32
    %mul3A_11 = vector.broadcast %mul3A_10 : f32 to vector<16xf32>
    %mul3A_12 = arith.mulf %mul3A_11, %add3A_7 : vector<16xf32>
    %select_n3A = arith.select %gt3A_9, %add3A_7, %mul3A_12 : vector<16xi1>, vector<16xf32>
    %barrier3A = arith.constant 0 : index
    tpu.barrier barrier_id(%barrier3A)
    %iota3A = tpu.iota {dimensions = array<i32: 0>} : vector<16xi32>
    %eq3A = arith.constant 0 : i32
    %eq3A_13 = vector.broadcast %eq3A : i32 to vector<16xi32>
    %eq3A_14 = arith.cmpi eq, %iota3A, %eq3A_13 : vector<16xi32>
    %mul3A_15 = arith.constant 10368 : i32
    %mul3A_16 = arith.muli %add3A, %mul3A_15 : i32
    %scan3A = arith.constant 0 : i32
    %scan3A_17 = arith.constant 0 : i32
    %scan3A_18 = arith.constant 81 : i32
    %scan3A_19 = arith.addi %scan3A_17, %scan3A_18 : i32
    %scan3A_20 = arith.constant 1 : i32
    scf.for %scan3A_23 = %scan3A_17 to %scan3A_19 step %scan3A_20  : i32 {
      %mul3A_24 = arith.constant 128 : i32
      %mul3A_25 = arith.muli %scan3A_23, %mul3A_24 : i32
      %add3A_26 = arith.addi %mul3A_16, %mul3A_25 : i32
      "tpu.region"() ({
        %run_scoped3A_49 = tpu.sem_alloc : memref<!tpu.dma_semaphore, #tpu.memory_space<semaphore_mem>>
        %dma_start3A_50 = tpu.memref_slice %arg5[%add3A_26] : memref<331776xi32, #tpu.memory_space<hbm>> -> memref<128xi32, #tpu.memory_space<hbm>>
        %dma_start3A_51 = tpu.memref_slice %arg5[%add3A_26] : memref<331776xi32, #tpu.memory_space<hbm>> -> memref<128xi32, #tpu.memory_space<hbm>>
        tpu.enqueue_dma source(%dma_start3A_51 : memref<128xi32, #tpu.memory_space<hbm>>) target(%arg11 : memref<128xi32, #tpu.memory_space<vmem>>) target_semaphore(%run_scoped3A_49 : memref<!tpu.dma_semaphore, #tpu.memory_space<semaphore_mem>>)
        %dma_wait3A_52 = tpu.memref_slice %arg5[%add3A_26] : memref<331776xi32, #tpu.memory_space<hbm>> -> memref<128xi32, #tpu.memory_space<hbm>>
        %dma_wait3A_53 = tpu.memref_slice %arg5[%add3A_26] : memref<331776xi32, #tpu.memory_space<hbm>> -> memref<128xi32, #tpu.memory_space<hbm>>
        tpu.wait_dma2 semaphore(%run_scoped3A_49 : memref<!tpu.dma_semaphore, #tpu.memory_space<semaphore_mem>>) src(%dma_wait3A_53 : memref<128xi32, #tpu.memory_space<hbm>>) dst(%arg11 : memref<128xi32, #tpu.memory_space<vmem>>)
        tpu.yield
      }) : () -> ()
      "tpu.region"() ({
        %run_scoped3A_49 = tpu.sem_alloc : memref<!tpu.dma_semaphore, #tpu.memory_space<semaphore_mem>>
        %dma_start3A_50 = tpu.memref_slice %arg6[%add3A_26] : memref<331776xi32, #tpu.memory_space<hbm>> -> memref<128xi32, #tpu.memory_space<hbm>>
        %dma_start3A_51 = tpu.memref_slice %arg6[%add3A_26] : memref<331776xi32, #tpu.memory_space<hbm>> -> memref<128xi32, #tpu.memory_space<hbm>>
        tpu.enqueue_dma source(%dma_start3A_51 : memref<128xi32, #tpu.memory_space<hbm>>) target(%arg12 : memref<128xi32, #tpu.memory_space<vmem>>) target_semaphore(%run_scoped3A_49 : memref<!tpu.dma_semaphore, #tpu.memory_space<semaphore_mem>>)
        %dma_wait3A_52 = tpu.memref_slice %arg6[%add3A_26] : memref<331776xi32, #tpu.memory_space<hbm>> -> memref<128xi32, #tpu.memory_space<hbm>>
        %dma_wait3A_53 = tpu.memref_slice %arg6[%add3A_26] : memref<331776xi32, #tpu.memory_space<hbm>> -> memref<128xi32, #tpu.memory_space<hbm>>
        tpu.wait_dma2 semaphore(%run_scoped3A_49 : memref<!tpu.dma_semaphore, #tpu.memory_space<semaphore_mem>>) src(%dma_wait3A_53 : memref<128xi32, #tpu.memory_space<hbm>>) dst(%arg12 : memref<128xi32, #tpu.memory_space<vmem>>)
        tpu.yield
      }) : () -> ()
      %dma_start3A = arith.constant 0 : i32
      %dma_start3A_27 = arith.constant 0 : i32
      %dma_start3A_28 = tpu.memref_slice %arg2[%dma_start3A, %dma_start3A_27] : memref<10000x16xf32, #tpu.memory_space<hbm>> -> memref<10000x16xf32, #tpu.memory_space<hbm>>
      tpu.enqueue_indirect_dma source(%dma_start3A_28 : memref<10000x16xf32, #tpu.memory_space<hbm>>) target(%arg13 : memref<128x16xf32, #tpu.memory_space<vmem>>) offsets(%arg11 : memref<128xi32, #tpu.memory_space<vmem>>) semaphore(%arg21 : memref<!tpu.dma_semaphore, #tpu.memory_space<semaphore_mem>>)
      %dma_start3A_29 = arith.constant 0 : i32
      %dma_start3A_30 = arith.constant 0 : i32
      %dma_start3A_31 = tpu.memref_slice %arg3[%dma_start3A_29, %dma_start3A_30] : memref<10000x16xf32, #tpu.memory_space<hbm>> -> memref<10000x16xf32, #tpu.memory_space<hbm>>
      tpu.enqueue_indirect_dma source(%dma_start3A_31 : memref<10000x16xf32, #tpu.memory_space<hbm>>) target(%arg14 : memref<128x16xf32, #tpu.memory_space<vmem>>) offsets(%arg11 : memref<128xi32, #tpu.memory_space<vmem>>) semaphore(%arg22 : memref<!tpu.dma_semaphore, #tpu.memory_space<semaphore_mem>>)
      %dma_start3A_32 = arith.constant 0 : i32
      %dma_start3A_33 = arith.constant 0 : i32
      %dma_start3A_34 = tpu.memref_slice %arg4[%dma_start3A_32, %dma_start3A_33] : memref<10240x16xf32, #tpu.memory_space<hbm>> -> memref<10240x16xf32, #tpu.memory_space<hbm>>
      tpu.enqueue_indirect_dma source(%dma_start3A_34 : memref<10240x16xf32, #tpu.memory_space<hbm>>) target(%arg15 : memref<128x16xf32, #tpu.memory_space<vmem>>) offsets(%arg12 : memref<128xi32, #tpu.memory_space<vmem>>) semaphore(%arg23 : memref<!tpu.dma_semaphore, #tpu.memory_space<semaphore_mem>>)
      %dma_wait3A = arith.constant 0 : i32
      %dma_wait3A_35 = arith.constant 0 : i32
      %dma_wait3A_36 = tpu.memref_slice %arg2[%dma_wait3A, %dma_wait3A_35] : memref<10000x16xf32, #tpu.memory_space<hbm>> -> memref<10000x16xf32, #tpu.memory_space<hbm>>
      tpu.wait_indirect_dma semaphore(%arg21 : memref<!tpu.dma_semaphore, #tpu.memory_space<semaphore_mem>>) src(%dma_wait3A_36 : memref<10000x16xf32, #tpu.memory_space<hbm>>) dst(%arg13 : memref<128x16xf32, #tpu.memory_space<vmem>>)
      %dma_wait3A_37 = arith.constant 0 : i32
      %dma_wait3A_38 = arith.constant 0 : i32
      %dma_wait3A_39 = tpu.memref_slice %arg3[%dma_wait3A_37, %dma_wait3A_38] : memref<10000x16xf32, #tpu.memory_space<hbm>> -> memref<10000x16xf32, #tpu.memory_space<hbm>>
      tpu.wait_indirect_dma semaphore(%arg22 : memref<!tpu.dma_semaphore, #tpu.memory_space<semaphore_mem>>) src(%dma_wait3A_39 : memref<10000x16xf32, #tpu.memory_space<hbm>>) dst(%arg14 : memref<128x16xf32, #tpu.memory_space<vmem>>)
      %dma_wait3A_40 = arith.constant 0 : i32
      %dma_wait3A_41 = arith.constant 0 : i32
      %dma_wait3A_42 = tpu.memref_slice %arg4[%dma_wait3A_40, %dma_wait3A_41] : memref<10240x16xf32, #tpu.memory_space<hbm>> -> memref<10240x16xf32, #tpu.memory_space<hbm>>
      tpu.wait_indirect_dma semaphore(%arg23 : memref<!tpu.dma_semaphore, #tpu.memory_space<semaphore_mem>>) src(%dma_wait3A_42 : memref<10240x16xf32, #tpu.memory_space<hbm>>) dst(%arg15 : memref<128x16xf32, #tpu.memory_space<vmem>>)
      %scan3A_43 = arith.constant 0 : i32
      %scan3A_44 = arith.constant 0 : i32
      %scan3A_45 = arith.constant 128 : i32
      %scan3A_46 = arith.addi %scan3A_44, %scan3A_45 : i32
      %scan3A_47 = arith.constant 1 : i32
      scf.for %scan3A_49 = %scan3A_44 to %scan3A_46 step %scan3A_47  : i32 {
        %get3A_50 = arith.index_cast %scan3A_49 : i32 to index
        %get3A_51 = arith.constant 0 : index
        %get3A_52 = tpu.vector_load %arg14[%get3A_50, %get3A_51] {strides = array<i32>} : memref<128x16xf32, #tpu.memory_space<vmem>>, vector<16xf32>,
        %get3A_53 = arith.index_cast %scan3A_49 : i32 to index
        %get3A_54 = arith.constant 0 : index
        %get3A_55 = tpu.vector_load %arg15[%get3A_53, %get3A_54] {strides = array<i32>} : memref<128x16xf32, #tpu.memory_space<vmem>>, vector<16xf32>,
        %add3A_56 = arith.addf %get3A_52, %get3A_55 : vector<16xf32>
        %gt3A_57 = arith.constant 0.000000e+00 : f32
        %gt3A_58 = vector.broadcast %gt3A_57 : f32 to vector<16xf32>
        %gt3A_59 = arith.cmpf ogt, %add3A_56, %gt3A_58 : vector<16xf32>
        %mul3A_60 = arith.constant 2.000000e-01 : f32
        %mul3A_61 = vector.broadcast %mul3A_60 : f32 to vector<16xf32>
        %mul3A_62 = arith.mulf %mul3A_61, %add3A_56 : vector<16xf32>
        %select_n3A_63 = arith.select %gt3A_59, %add3A_56, %mul3A_62 : vector<16xi1>, vector<16xf32>
        %sub3A = arith.subf %select_n3A_63, %select_n3A : vector<16xf32>
        %exp3A = math.exp %sub3A : vector<16xf32>
        %get3A_64 = arith.index_cast %scan3A_49 : i32 to index
        %get3A_65 = arith.constant 0 : index
        %get3A_66 = tpu.vector_load %arg13[%get3A_64, %get3A_65] {strides = array<i32>} : memref<128x16xf32, #tpu.memory_space<vmem>>, vector<16xf32>,
        %mul3A_67 = arith.mulf %get3A_66, %exp3A : vector<16xf32>
        %swap3A = arith.index_cast %scan3A_49 : i32 to index
        %swap3A_68 = arith.constant 0 : index
        %swap3A_69 = tpu.vector_load %arg13[%swap3A, %swap3A_68] {strides = array<i32>} : memref<128x16xf32, #tpu.memory_space<vmem>>, vector<16xf32>,
        tpu.vector_store %arg13[%swap3A, %swap3A_68], %mul3A_67 {strides = array<i32>} : memref<128x16xf32, #tpu.memory_space<vmem>>, vector<16xf32>,
        %jit3A = arith.constant 0.000000e+00 : f32
        %broadcast_in_dim3A = vector.broadcast %jit3A : f32 to vector<16xf32>
        %select_n3A_70 = arith.select %eq3A_14, %exp3A, %broadcast_in_dim3A : vector<16xi1>, vector<16xf32>
        %swap3A_71 = arith.index_cast %scan3A_49 : i32 to index
        %swap3A_72 = arith.constant 0 : index
        %swap3A_73 = tpu.vector_load %arg16[%swap3A_71, %swap3A_72] {strides = array<i32>} : memref<128x16xf32, #tpu.memory_space<vmem>>, vector<16xf32>,
        tpu.vector_store %arg16[%swap3A_71, %swap3A_72], %select_n3A_70 {strides = array<i32>} : memref<128x16xf32, #tpu.memory_space<vmem>>, vector<16xf32>,
      }
      %scan3A_48 = arith.constant 128 : i32
      "tpu.region"() ({
        %run_scoped3A_49 = tpu.sem_alloc : memref<!tpu.dma_semaphore, #tpu.memory_space<semaphore_mem>>
        %dma_start3A_50 = arith.constant 0 : i32
        %dma_start3A_51 = arith.constant 0 : i32
        %dma_start3A_52 = tpu.memref_slice %arg19[%dma_start3A_50, %dma_start3A_51] : memref<10240x16xf32, #tpu.memory_space<vmem_shared>> -> memref<10240x16xf32, #tpu.memory_space<vmem_shared>>
        tpu.enqueue_indirect_dma source(%arg13 : memref<128x16xf32, #tpu.memory_space<vmem>>) target(%dma_start3A_52 : memref<10240x16xf32, #tpu.memory_space<vmem_shared>>) offsets(%arg12 : memref<128xi32, #tpu.memory_space<vmem>>) semaphore(%run_scoped3A_49 : memref<!tpu.dma_semaphore, #tpu.memory_space<semaphore_mem>>) {add = true}
        %dma_wait3A_53 = arith.constant 0 : i32
        %dma_wait3A_54 = arith.constant 0 : i32
        %dma_wait3A_55 = tpu.memref_slice %arg19[%dma_wait3A_53, %dma_wait3A_54] : memref<10240x16xf32, #tpu.memory_space<vmem_shared>> -> memref<10240x16xf32, #tpu.memory_space<vmem_shared>>
        tpu.wait_indirect_dma semaphore(%run_scoped3A_49 : memref<!tpu.dma_semaphore, #tpu.memory_space<semaphore_mem>>) src(%arg13 : memref<128x16xf32, #tpu.memory_space<vmem>>) dst(%dma_wait3A_55 : memref<10240x16xf32, #tpu.memory_space<vmem_shared>>)
        tpu.yield
      }) : () -> ()
      "tpu.region"() ({
        %run_scoped3A_49 = tpu.sem_alloc : memref<!tpu.dma_semaphore, #tpu.memory_space<semaphore_mem>>
        %dma_start3A_50 = arith.constant 0 : i32
        %dma_start3A_51 = arith.constant 0 : i32
        %dma_start3A_52 = tpu.memref_slice %arg20[%dma_start3A_50, %dma_start3A_51] : memref<10240x16xf32, #tpu.memory_space<vmem_shared>> -> memref<10240x16xf32, #tpu.memory_space<vmem_shared>>
        tpu.enqueue_indirect_dma source(%arg16 : memref<128x16xf32, #tpu.memory_space<vmem>>) target(%dma_start3A_52 : memref<10240x16xf32, #tpu.memory_space<vmem_shared>>) offsets(%arg12 : memref<128xi32, #tpu.memory_space<vmem>>) semaphore(%run_scoped3A_49 : memref<!tpu.dma_semaphore, #tpu.memory_space<semaphore_mem>>) {add = true}
        %dma_wait3A_53 = arith.constant 0 : i32
        %dma_wait3A_54 = arith.constant 0 : i32
        %dma_wait3A_55 = tpu.memref_slice %arg20[%dma_wait3A_53, %dma_wait3A_54] : memref<10240x16xf32, #tpu.memory_space<vmem_shared>> -> memref<10240x16xf32, #tpu.memory_space<vmem_shared>>
        tpu.wait_indirect_dma semaphore(%run_scoped3A_49 : memref<!tpu.dma_semaphore, #tpu.memory_space<semaphore_mem>>) src(%arg16 : memref<128x16xf32, #tpu.memory_space<vmem>>) dst(%dma_wait3A_55 : memref<10240x16xf32, #tpu.memory_space<vmem_shared>>)
        tpu.yield
      }) : () -> ()
    }
    %scan3A_21 = arith.constant 81 : i32
    %barrier3A_22 = arith.constant 0 : index
    tpu.barrier barrier_id(%barrier3A_22)
    "tpu.region"() ({
      %run_scoped3A_23 = tpu.sem_alloc : memref<!tpu.dma_semaphore, #tpu.memory_space<semaphore_mem>>
      %dma_start3A = arith.constant 0 : i32
      %dma_start3A_24 = tpu.memref_slice %arg9[%arg0, %mul3A_2, %dma_start3A] : memref<2x10240x16xf32, #tpu.memory_space<hbm>> -> memref<1x640x16xf32, #tpu.memory_space<hbm>>
      %dma_start3A_25 = tpu.memref_squeeze %dma_start3A_24 : memref<1x640x16xf32, #tpu.memory_space<hbm>> -> memref<640x16xf32, #tpu.memory_space<hbm>>
      %dma_start3A_26 = arith.constant 0 : i32
      %dma_start3A_27 = tpu.memref_slice %arg19[%mul3A_2, %dma_start3A_26] : memref<10240x16xf32, #tpu.memory_space<vmem_shared>> -> memref<640x16xf32, #tpu.memory_space<vmem_shared>>
      tpu.enqueue_dma source(%dma_start3A_27 : memref<640x16xf32, #tpu.memory_space<vmem_shared>>) target(%dma_start3A_25 : memref<640x16xf32, #tpu.memory_space<hbm>>) target_semaphore(%run_scoped3A_23 : memref<!tpu.dma_semaphore, #tpu.memory_space<semaphore_mem>>)
      %dma_wait3A = arith.constant 0 : i32
      %dma_wait3A_28 = tpu.memref_slice %arg9[%arg0, %mul3A_2, %dma_wait3A] : memref<2x10240x16xf32, #tpu.memory_space<hbm>> -> memref<1x640x16xf32, #tpu.memory_space<hbm>>
      %dma_wait3A_29 = tpu.memref_squeeze %dma_wait3A_28 : memref<1x640x16xf32, #tpu.memory_space<hbm>> -> memref<640x16xf32, #tpu.memory_space<hbm>>
      %dma_wait3A_30 = arith.constant 0 : i32
      %dma_wait3A_31 = tpu.memref_slice %arg19[%mul3A_2, %dma_wait3A_30] : memref<10240x16xf32, #tpu.memory_space<vmem_shared>> -> memref<640x16xf32, #tpu.memory_space<vmem_shared>>
      tpu.wait_dma2 semaphore(%run_scoped3A_23 : memref<!tpu.dma_semaphore, #tpu.memory_space<semaphore_mem>>) src(%dma_wait3A_31 : memref<640x16xf32, #tpu.memory_space<vmem_shared>>) dst(%dma_wait3A_29 : memref<640x16xf32, #tpu.memory_space<hbm>>)
      tpu.yield
    }) : () -> ()
    "tpu.region"() ({
      %run_scoped3A_23 = tpu.sem_alloc : memref<!tpu.dma_semaphore, #tpu.memory_space<semaphore_mem>>
      %dma_start3A = arith.constant 0 : i32
      %dma_start3A_24 = tpu.memref_slice %arg10[%arg0, %mul3A_2, %dma_start3A] : memref<2x10240x16xf32, #tpu.memory_space<hbm>> -> memref<1x640x16xf32, #tpu.memory_space<hbm>>
      %dma_start3A_25 = tpu.memref_squeeze %dma_start3A_24 : memref<1x640x16xf32, #tpu.memory_space<hbm>> -> memref<640x16xf32, #tpu.memory_space<hbm>>
      %dma_start3A_26 = arith.constant 0 : i32
      %dma_start3A_27 = tpu.memref_slice %arg20[%mul3A_2, %dma_start3A_26] : memref<10240x16xf32, #tpu.memory_space<vmem_shared>> -> memref<640x16xf32, #tpu.memory_space<vmem_shared>>
      tpu.enqueue_dma source(%dma_start3A_27 : memref<640x16xf32, #tpu.memory_space<vmem_shared>>) target(%dma_start3A_25 : memref<640x16xf32, #tpu.memory_space<hbm>>) target_semaphore(%run_scoped3A_23 : memref<!tpu.dma_semaphore, #tpu.memory_space<semaphore_mem>>)
      %dma_wait3A = arith.constant 0 : i32
      %dma_wait3A_28 = tpu.memref_slice %arg10[%arg0, %mul3A_2, %dma_wait3A] : memref<2x10240x16xf32, #tpu.memory_space<hbm>> -> memref<1x640x16xf32, #tpu.memory_space<hbm>>
      %dma_wait3A_29 = tpu.memref_squeeze %dma_wait3A_28 : memref<1x640x16xf32, #tpu.memory_space<hbm>> -> memref<640x16xf32, #tpu.memory_space<hbm>>
      %dma_wait3A_30 = arith.constant 0 : i32
      %dma_wait3A_31 = tpu.memref_slice %arg20[%mul3A_2, %dma_wait3A_30] : memref<10240x16xf32, #tpu.memory_space<vmem_shared>> -> memref<640x16xf32, #tpu.memory_space<vmem_shared>>
      tpu.wait_dma2 semaphore(%run_scoped3A_23 : memref<!tpu.dma_semaphore, #tpu.memory_space<semaphore_mem>>) src(%dma_wait3A_31 : memref<640x16xf32, #tpu.memory_space<vmem_shared>>) dst(%dma_wait3A_29 : memref<640x16xf32, #tpu.memory_space<hbm>>)
      tpu.yield
    }) : () -> ()
    return
  }
}

module attributes {stable_mosaic.version = 14 : i64} {
  func.func @_dense1_body(%arg0: i32, %arg1: memref<1000x128xf32, #tpu.memory_space<vmem>>, %arg2: memref<128x128xf32, #tpu.memory_space<vmem>>, %arg3: memref<128x16xf32, #tpu.memory_space<vmem>>, %arg4: memref<128x16xf32, #tpu.memory_space<vmem>>, %arg5: memref<1000x128xf32, #tpu.memory_space<vmem>>, %arg6: memref<1000x16xf32, #tpu.memory_space<vmem>>, %arg7: memref<1000x16xf32, #tpu.memory_space<vmem>>, %arg8: memref<8x128xf32, #tpu.memory_space<vmem>>) attributes {dimension_semantics = [#tpu.dimension_semantics<arbitrary>], iteration_bounds = array<i64: 10>, scalar_prefetch = 0 : i64, scratch_operands = 0 : i64, tpu.core_type = #tpu.core_type<tc>, window_params = [{transform_indices = @transform_0, window_bounds = array<i64: 1000, 128>}, {pipeline_mode = #tpu.pipeline_mode<synchronous>, transform_indices = @transform_1, window_bounds = array<i64: 128, 128>}, {pipeline_mode = #tpu.pipeline_mode<synchronous>, transform_indices = @transform_2, window_bounds = array<i64: 128, 16>}, {pipeline_mode = #tpu.pipeline_mode<synchronous>, transform_indices = @transform_3, window_bounds = array<i64: 128, 16>}, {transform_indices = @transform_4, window_bounds = array<i64: 1000, 128>}, {transform_indices = @transform_5, window_bounds = array<i64: 1000, 16>}, {transform_indices = @transform_6, window_bounds = array<i64: 1000, 16>}, {pipeline_mode = #tpu.pipeline_mode<synchronous>, transform_indices = @transform_7, window_bounds = array<i64: 8, 128>}]} {
    %get3A = arith.constant 0 : index
    %get3A_0 = arith.constant 0 : index
    %get3A_1 = vector.load %arg1[%get3A, %get3A_0] : memref<1000x128xf32, #tpu.memory_space<vmem>>, vector<1000x128xf32>
    %get3A_2 = arith.constant 0 : index
    %get3A_3 = arith.constant 0 : index
    %get3A_4 = vector.load %arg2[%get3A_2, %get3A_3] : memref<128x128xf32, #tpu.memory_space<vmem>>, vector<128x128xf32>
    %dot_general3A = arith.constant dense<0.000000e+00> : vector<1000x128xf32>
    %dot_general3A_5 = tpu.matmul %get3A_1, %get3A_4, %dot_general3A {dimension_numbers = #tpu.dot_dimension_numbers<[1], [0], [0], [1], [0, 0, 1, 1], [], []>, transpose_lhs_hint = false} : vector<1000x128xf32>, vector<128x128xf32>, vector<1000x128xf32> -> vector<1000x128xf32>
    %swap3A = arith.constant 0 : index
    %swap3A_6 = arith.constant 0 : index
    %swap3A_7 = vector.load %arg5[%swap3A, %swap3A_6] : memref<1000x128xf32, #tpu.memory_space<vmem>>, vector<1000x128xf32>
    tpu.vector_store %arg5[%swap3A, %swap3A_6], %dot_general3A_5 {strides = array<i32>} : memref<1000x128xf32, #tpu.memory_space<vmem>>, vector<1000x128xf32>,
    %get3A_8 = arith.constant 0 : index
    %get3A_9 = arith.constant 0 : index
    %get3A_10 = vector.load %arg3[%get3A_8, %get3A_9] : memref<128x16xf32, #tpu.memory_space<vmem>>, vector<128x16xf32>
    %dot_general3A_11 = arith.constant dense<0.000000e+00> : vector<1000x16xf32>
    %dot_general3A_12 = tpu.matmul %dot_general3A_5, %get3A_10, %dot_general3A_11 {dimension_numbers = #tpu.dot_dimension_numbers<[1], [0], [0], [1], [0, 0, 1, 1], [], []>, transpose_lhs_hint = false} : vector<1000x128xf32>, vector<128x16xf32>, vector<1000x16xf32> -> vector<1000x16xf32>
    %get3A_13 = arith.constant 0 : index
    %get3A_14 = arith.constant 0 : index
    %get3A_15 = vector.load %arg4[%get3A_13, %get3A_14] : memref<128x16xf32, #tpu.memory_space<vmem>>, vector<128x16xf32>
    %dot_general3A_16 = arith.constant dense<0.000000e+00> : vector<1000x16xf32>
    %dot_general3A_17 = tpu.matmul %dot_general3A_5, %get3A_15, %dot_general3A_16 {dimension_numbers = #tpu.dot_dimension_numbers<[1], [0], [0], [1], [0, 0, 1, 1], [], []>, transpose_lhs_hint = false} : vector<1000x128xf32>, vector<128x16xf32>, vector<1000x16xf32> -> vector<1000x16xf32>
    %swap3A_18 = arith.constant 0 : index
    %swap3A_19 = arith.constant 0 : index
    %swap3A_20 = vector.load %arg6[%swap3A_18, %swap3A_19] : memref<1000x16xf32, #tpu.memory_space<vmem>>, vector<1000x16xf32>
    tpu.vector_store %arg6[%swap3A_18, %swap3A_19], %dot_general3A_12 {strides = array<i32>} : memref<1000x16xf32, #tpu.memory_space<vmem>>, vector<1000x16xf32>,
    %swap3A_21 = arith.constant 0 : index
    %swap3A_22 = arith.constant 0 : index
    %swap3A_23 = vector.load %arg7[%swap3A_21, %swap3A_22] : memref<1000x16xf32, #tpu.memory_space<vmem>>, vector<1000x16xf32>
    tpu.vector_store %arg7[%swap3A_21, %swap3A_22], %dot_general3A_17 {strides = array<i32>} : memref<1000x16xf32, #tpu.memory_space<vmem>>, vector<1000x16xf32>,
    %eq3A = arith.constant 0 : i32
    %eq3A_24 = arith.cmpi eq, %arg0, %eq3A : i32
    %convert_element_type3A = arith.extui %eq3A_24 : i1 to i32
    %cond3A = arith.constant 0 : i32
    %cond3A_25 = arith.cmpi ne, %convert_element_type3A, %cond3A : i32
    scf.if %cond3A_25 {
      %broadcast_in_dim3A_43 = arith.constant 0.000000e+00 : f32
      %broadcast_in_dim3A_44 = vector.broadcast %broadcast_in_dim3A_43 : f32 to vector<8x128xf32>
      %swap3A_45 = arith.constant 0 : index
      %swap3A_46 = arith.constant 0 : index
      %swap3A_47 = vector.load %arg8[%swap3A_45, %swap3A_46] : memref<8x128xf32, #tpu.memory_space<vmem>>, vector<8x128xf32>
      tpu.vector_store %arg8[%swap3A_45, %swap3A_46], %broadcast_in_dim3A_44 {strides = array<i32>} : memref<8x128xf32, #tpu.memory_space<vmem>>, vector<8x128xf32>,
    } else {
    }
    %reduce_max3A = arith.constant dense<0xFF800000> : vector<16xf32>
    %reduce_max3A_26 = vector.multi_reduction <maximumf>, %dot_general3A_12, %reduce_max3A [0] : vector<1000x16xf32> to vector<16xf32>
    %broadcast_in_dim3A = vector.shape_cast %reduce_max3A_26 : vector<16xf32> to vector<1x16xf32>
    %reduce_max3A_27 = arith.constant dense<0xFF800000> : vector<16xf32>
    %reduce_max3A_28 = vector.multi_reduction <maximumf>, %dot_general3A_17, %reduce_max3A_27 [0] : vector<1000x16xf32> to vector<16xf32>
    %broadcast_in_dim3A_29 = vector.shape_cast %reduce_max3A_28 : vector<16xf32> to vector<1x16xf32>
    %get3A_30 = arith.constant 0 : index
    %get3A_31 = arith.constant 0 : index
    %get3A_32 = vector.load %arg8[%get3A_30, %get3A_31] : memref<8x128xf32, #tpu.memory_space<vmem>>, vector<1x16xf32>
    %max3A = arith.maximumf %get3A_32, %broadcast_in_dim3A : vector<1x16xf32>
    %swap3A_33 = arith.constant 0 : index
    %swap3A_34 = arith.constant 0 : index
    %swap3A_35 = vector.load %arg8[%swap3A_33, %swap3A_34] : memref<8x128xf32, #tpu.memory_space<vmem>>, vector<1x16xf32>
    tpu.vector_store %arg8[%swap3A_33, %swap3A_34], %max3A {strides = array<i32>} : memref<8x128xf32, #tpu.memory_space<vmem>>, vector<1x16xf32>,
    %get3A_36 = arith.constant 1 : index
    %get3A_37 = arith.constant 0 : index
    %get3A_38 = vector.load %arg8[%get3A_36, %get3A_37] : memref<8x128xf32, #tpu.memory_space<vmem>>, vector<1x16xf32>
    %max3A_39 = arith.maximumf %get3A_38, %broadcast_in_dim3A_29 : vector<1x16xf32>
    %swap3A_40 = arith.constant 1 : index
    %swap3A_41 = arith.constant 0 : index
    %swap3A_42 = vector.load %arg8[%swap3A_40, %swap3A_41] : memref<8x128xf32, #tpu.memory_space<vmem>>, vector<1x16xf32>
    tpu.vector_store %arg8[%swap3A_40, %swap3A_41], %max3A_39 {strides = array<i32>} : memref<8x128xf32, #tpu.memory_space<vmem>>, vector<1x16xf32>,
    return
  }
  func.func @transform_0(%arg0: i32) -> (i32, i32) {
    %c0_i32 = arith.constant 0 : i32
    %c0_i32_0 = arith.constant 0 : i32
    return %arg0, %c0_i32 : i32, i32
  }
  func.func @transform_1(%arg0: i32) -> (i32, i32) {
    %c0_i32 = arith.constant 0 : i32
    %c0_i32_0 = arith.constant 0 : i32
    %c0_i32_1 = arith.constant 0 : i32
    return %c0_i32, %c0_i32_0 : i32, i32
  }
  func.func @transform_2(%arg0: i32) -> (i32, i32) {
    %c0_i32 = arith.constant 0 : i32
    %c0_i32_0 = arith.constant 0 : i32
    %c0_i32_1 = arith.constant 0 : i32
    return %c0_i32, %c0_i32_0 : i32, i32
  }
  func.func @transform_3(%arg0: i32) -> (i32, i32) {
    %c0_i32 = arith.constant 0 : i32
    %c0_i32_0 = arith.constant 0 : i32
    %c0_i32_1 = arith.constant 0 : i32
    return %c0_i32, %c0_i32_0 : i32, i32
  }
  func.func @transform_4(%arg0: i32) -> (i32, i32) {
    %c0_i32 = arith.constant 0 : i32
    %c0_i32_0 = arith.constant 0 : i32
    return %arg0, %c0_i32 : i32, i32
  }
  func.func @transform_5(%arg0: i32) -> (i32, i32) {
    %c0_i32 = arith.constant 0 : i32
    %c0_i32_0 = arith.constant 0 : i32
    return %arg0, %c0_i32 : i32, i32
  }
  func.func @transform_6(%arg0: i32) -> (i32, i32) {
    %c0_i32 = arith.constant 0 : i32
    %c0_i32_0 = arith.constant 0 : i32
    return %arg0, %c0_i32 : i32, i32
  }
  func.func @transform_7(%arg0: i32) -> (i32, i32) {
    %c0_i32 = arith.constant 0 : i32
    %c0_i32_0 = arith.constant 0 : i32
    %c0_i32_1 = arith.constant 0 : i32
    return %c0_i32, %c0_i32_0 : i32, i32
  }
}

module attributes {stable_mosaic.version = 14 : i64} {
  func.func @_dense2_body(%arg0: i32, %arg1: memref<1000x128xf32, #tpu.memory_space<vmem>>, %arg2: memref<1000x128xf32, #tpu.memory_space<vmem>>, %arg3: memref<1000x16xf32, #tpu.memory_space<vmem>>, %arg4: memref<1000x16xf32, #tpu.memory_space<vmem>>, %arg5: memref<1x128xf32, #tpu.memory_space<vmem>>, %arg6: memref<128x16xf32, #tpu.memory_space<vmem>>, %arg7: memref<16x128xf32, #tpu.memory_space<vmem>>, %arg8: memref<16x16xf32, #tpu.memory_space<vmem>>, %arg9: memref<16x16xf32, #tpu.memory_space<vmem>>, %arg10: memref<1000x16xf32, #tpu.memory_space<vmem>>, %arg11: memref<1000x16xf32, #tpu.memory_space<vmem>>, %arg12: memref<1000x16xf32, #tpu.memory_space<vmem>>, %arg13: memref<8x128xf32, #tpu.memory_space<vmem>>) attributes {dimension_semantics = [#tpu.dimension_semantics<arbitrary>], iteration_bounds = array<i64: 10>, scalar_prefetch = 0 : i64, scratch_operands = 0 : i64, tpu.core_type = #tpu.core_type<tc>, window_params = [{transform_indices = @transform_0, window_bounds = array<i64: 1000, 128>}, {transform_indices = @transform_1, window_bounds = array<i64: 1000, 128>}, {transform_indices = @transform_2, window_bounds = array<i64: 1000, 16>}, {transform_indices = @transform_3, window_bounds = array<i64: 1000, 16>}, {pipeline_mode = #tpu.pipeline_mode<synchronous>, transform_indices = @transform_4, window_bounds = array<i64: 1, 128>}, {pipeline_mode = #tpu.pipeline_mode<synchronous>, transform_indices = @transform_5, window_bounds = array<i64: 128, 16>}, {pipeline_mode = #tpu.pipeline_mode<synchronous>, transform_indices = @transform_6, window_bounds = array<i64: 16, 128>}, {pipeline_mode = #tpu.pipeline_mode<synchronous>, transform_indices = @transform_7, window_bounds = array<i64: 16, 16>}, {pipeline_mode = #tpu.pipeline_mode<synchronous>, transform_indices = @transform_8, window_bounds = array<i64: 16, 16>}, {transform_indices = @transform_9, window_bounds = array<i64: 1000, 16>}, {transform_indices = @transform_10, window_bounds = array<i64: 1000, 16>}, {transform_indices = @transform_11, window_bounds = array<i64: 1000, 16>}, {pipeline_mode = #tpu.pipeline_mode<synchronous>, transform_indices = @transform_12, window_bounds = array<i64: 8, 128>}]} {
    %get3A = arith.constant 0 : index
    %get3A_0 = arith.constant 0 : index
    %get3A_1 = vector.load %arg1[%get3A, %get3A_0] : memref<1000x128xf32, #tpu.memory_space<vmem>>, vector<1000x128xf32>
    %get3A_2 = arith.constant 0 : index
    %get3A_3 = arith.constant 0 : index
    %get3A_4 = vector.load %arg2[%get3A_2, %get3A_3] : memref<1000x128xf32, #tpu.memory_space<vmem>>, vector<1000x128xf32>
    %add3A = arith.addf %get3A_1, %get3A_4 : vector<1000x128xf32>
    %get3A_5 = arith.constant 0 : index
    %get3A_6 = arith.constant 0 : index
    %get3A_7 = vector.load %arg3[%get3A_5, %get3A_6] : memref<1000x16xf32, #tpu.memory_space<vmem>>, vector<1000x16xf32>
    %get3A_8 = arith.constant 0 : index
    %get3A_9 = arith.constant 0 : index
    %get3A_10 = vector.load %arg4[%get3A_8, %get3A_9] : memref<1000x16xf32, #tpu.memory_space<vmem>>, vector<1000x16xf32>
    %add3A_11 = arith.addf %get3A_7, %get3A_10 : vector<1000x16xf32>
    %get3A_12 = arith.constant 0 : index
    %get3A_13 = arith.constant 0 : index
    %get3A_14 = vector.load %arg7[%get3A_12, %get3A_13] : memref<16x128xf32, #tpu.memory_space<vmem>>, vector<16x128xf32>
    %dot_general3A = arith.constant dense<0.000000e+00> : vector<1000x128xf32>
    %dot_general3A_15 = tpu.matmul %add3A_11, %get3A_14, %dot_general3A {dimension_numbers = #tpu.dot_dimension_numbers<[1], [0], [0], [1], [0, 0, 1, 1], [], []>, transpose_lhs_hint = false} : vector<1000x16xf32>, vector<16x128xf32>, vector<1000x128xf32> -> vector<1000x128xf32>
    %add3A_16 = arith.constant 1.000000e-16 : f32
    %add3A_17 = vector.broadcast %add3A_16 : f32 to vector<1000x128xf32>
    %add3A_18 = arith.addf %dot_general3A_15, %add3A_17 : vector<1000x128xf32>
    %div3A = arith.divf %add3A, %add3A_18 : vector<1000x128xf32>
    %get3A_19 = arith.constant 0 : index
    %get3A_20 = arith.constant 0 : index
    %get3A_21 = vector.load %arg5[%get3A_19, %get3A_20] : memref<1x128xf32, #tpu.memory_space<vmem>>, vector<1x128xf32>
    %add3A_22 = vector.broadcast %get3A_21 : vector<1x128xf32> to vector<1000x128xf32>
    %add3A_23 = arith.addf %div3A, %add3A_22 : vector<1000x128xf32>
    %gt3A = arith.constant 0.000000e+00 : f32
    %gt3A_24 = vector.broadcast %gt3A : f32 to vector<1000x128xf32>
    %gt3A_25 = arith.cmpf ogt, %add3A_23, %gt3A_24 : vector<1000x128xf32>
    %min3A = arith.constant 0.000000e+00 : f32
    %min3A_26 = vector.broadcast %min3A : f32 to vector<1000x128xf32>
    %min3A_27 = arith.minimumf %add3A_23, %min3A_26 : vector<1000x128xf32>
    %exp3A = math.exp %min3A_27 : vector<1000x128xf32>
    %sub3A = arith.constant 1.000000e+00 : f32
    %sub3A_28 = vector.broadcast %sub3A : f32 to vector<1000x128xf32>
    %sub3A_29 = arith.subf %exp3A, %sub3A_28 : vector<1000x128xf32>
    %select_n3A = arith.select %gt3A_25, %add3A_23, %sub3A_29 : vector<1000x128xi1>, vector<1000x128xf32>
    %get3A_30 = arith.constant 0 : index
    %get3A_31 = arith.constant 0 : index
    %get3A_32 = vector.load %arg6[%get3A_30, %get3A_31] : memref<128x16xf32, #tpu.memory_space<vmem>>, vector<128x16xf32>
    %dot_general3A_33 = arith.constant dense<0.000000e+00> : vector<1000x16xf32>
    %dot_general3A_34 = tpu.matmul %select_n3A, %get3A_32, %dot_general3A_33 {dimension_numbers = #tpu.dot_dimension_numbers<[1], [0], [0], [1], [0, 0, 1, 1], [], []>, transpose_lhs_hint = false} : vector<1000x128xf32>, vector<128x16xf32>, vector<1000x16xf32> -> vector<1000x16xf32>
    %swap3A = arith.constant 0 : index
    %swap3A_35 = arith.constant 0 : index
    %swap3A_36 = vector.load %arg10[%swap3A, %swap3A_35] : memref<1000x16xf32, #tpu.memory_space<vmem>>, vector<1000x16xf32>
    tpu.vector_store %arg10[%swap3A, %swap3A_35], %dot_general3A_34 {strides = array<i32>} : memref<1000x16xf32, #tpu.memory_space<vmem>>, vector<1000x16xf32>,
    %get3A_37 = arith.constant 0 : index
    %get3A_38 = arith.constant 0 : index
    %get3A_39 = vector.load %arg8[%get3A_37, %get3A_38] : memref<16x16xf32, #tpu.memory_space<vmem>>, vector<16x16xf32>
    %dot_general3A_40 = arith.constant dense<0.000000e+00> : vector<1000x16xf32>
    %dot_general3A_41 = tpu.matmul %dot_general3A_34, %get3A_39, %dot_general3A_40 {dimension_numbers = #tpu.dot_dimension_numbers<[1], [0], [0], [1], [0, 0, 1, 1], [], []>, transpose_lhs_hint = false} : vector<1000x16xf32>, vector<16x16xf32>, vector<1000x16xf32> -> vector<1000x16xf32>
    %get3A_42 = arith.constant 0 : index
    %get3A_43 = arith.constant 0 : index
    %get3A_44 = vector.load %arg9[%get3A_42, %get3A_43] : memref<16x16xf32, #tpu.memory_space<vmem>>, vector<16x16xf32>
    %dot_general3A_45 = arith.constant dense<0.000000e+00> : vector<1000x16xf32>
    %dot_general3A_46 = tpu.matmul %dot_general3A_34, %get3A_44, %dot_general3A_45 {dimension_numbers = #tpu.dot_dimension_numbers<[1], [0], [0], [1], [0, 0, 1, 1], [], []>, transpose_lhs_hint = false} : vector<1000x16xf32>, vector<16x16xf32>, vector<1000x16xf32> -> vector<1000x16xf32>
    %swap3A_47 = arith.constant 0 : index
    %swap3A_48 = arith.constant 0 : index
    %swap3A_49 = vector.load %arg11[%swap3A_47, %swap3A_48] : memref<1000x16xf32, #tpu.memory_space<vmem>>, vector<1000x16xf32>
    tpu.vector_store %arg11[%swap3A_47, %swap3A_48], %dot_general3A_41 {strides = array<i32>} : memref<1000x16xf32, #tpu.memory_space<vmem>>, vector<1000x16xf32>,
    %swap3A_50 = arith.constant 0 : index
    %swap3A_51 = arith.constant 0 : index
    %swap3A_52 = vector.load %arg12[%swap3A_50, %swap3A_51] : memref<1000x16xf32, #tpu.memory_space<vmem>>, vector<1000x16xf32>
    tpu.vector_store %arg12[%swap3A_50, %swap3A_51], %dot_general3A_46 {strides = array<i32>} : memref<1000x16xf32, #tpu.memory_space<vmem>>, vector<1000x16xf32>,
    %eq3A = arith.constant 0 : i32
    %eq3A_53 = arith.cmpi eq, %arg0, %eq3A : i32
    %convert_element_type3A = arith.extui %eq3A_53 : i1 to i32
    %cond3A = arith.constant 0 : i32
    %cond3A_54 = arith.cmpi ne, %convert_element_type3A, %cond3A : i32
    scf.if %cond3A_54 {
      %broadcast_in_dim3A_72 = arith.constant 0.000000e+00 : f32
      %broadcast_in_dim3A_73 = vector.broadcast %broadcast_in_dim3A_72 : f32 to vector<8x128xf32>
      %swap3A_74 = arith.constant 0 : index
      %swap3A_75 = arith.constant 0 : index
      %swap3A_76 = vector.load %arg13[%swap3A_74, %swap3A_75] : memref<8x128xf32, #tpu.memory_space<vmem>>, vector<8x128xf32>
      tpu.vector_store %arg13[%swap3A_74, %swap3A_75], %broadcast_in_dim3A_73 {strides = array<i32>} : memref<8x128xf32, #tpu.memory_space<vmem>>, vector<8x128xf32>,
    } else {
    }
    %reduce_max3A = arith.constant dense<0xFF800000> : vector<16xf32>
    %reduce_max3A_55 = vector.multi_reduction <maximumf>, %dot_general3A_41, %reduce_max3A [0] : vector<1000x16xf32> to vector<16xf32>
    %broadcast_in_dim3A = vector.shape_cast %reduce_max3A_55 : vector<16xf32> to vector<1x16xf32>
    %reduce_max3A_56 = arith.constant dense<0xFF800000> : vector<16xf32>
    %reduce_max3A_57 = vector.multi_reduction <maximumf>, %dot_general3A_46, %reduce_max3A_56 [0] : vector<1000x16xf32> to vector<16xf32>
    %broadcast_in_dim3A_58 = vector.shape_cast %reduce_max3A_57 : vector<16xf32> to vector<1x16xf32>
    %get3A_59 = arith.constant 0 : index
    %get3A_60 = arith.constant 0 : index
    %get3A_61 = vector.load %arg13[%get3A_59, %get3A_60] : memref<8x128xf32, #tpu.memory_space<vmem>>, vector<1x16xf32>
    %max3A = arith.maximumf %get3A_61, %broadcast_in_dim3A : vector<1x16xf32>
    %swap3A_62 = arith.constant 0 : index
    %swap3A_63 = arith.constant 0 : index
    %swap3A_64 = vector.load %arg13[%swap3A_62, %swap3A_63] : memref<8x128xf32, #tpu.memory_space<vmem>>, vector<1x16xf32>
    tpu.vector_store %arg13[%swap3A_62, %swap3A_63], %max3A {strides = array<i32>} : memref<8x128xf32, #tpu.memory_space<vmem>>, vector<1x16xf32>,
    %get3A_65 = arith.constant 1 : index
    %get3A_66 = arith.constant 0 : index
    %get3A_67 = vector.load %arg13[%get3A_65, %get3A_66] : memref<8x128xf32, #tpu.memory_space<vmem>>, vector<1x16xf32>
    %max3A_68 = arith.maximumf %get3A_67, %broadcast_in_dim3A_58 : vector<1x16xf32>
    %swap3A_69 = arith.constant 1 : index
    %swap3A_70 = arith.constant 0 : index
    %swap3A_71 = vector.load %arg13[%swap3A_69, %swap3A_70] : memref<8x128xf32, #tpu.memory_space<vmem>>, vector<1x16xf32>
    tpu.vector_store %arg13[%swap3A_69, %swap3A_70], %max3A_68 {strides = array<i32>} : memref<8x128xf32, #tpu.memory_space<vmem>>, vector<1x16xf32>,
    return
  }
  func.func @transform_0(%arg0: i32) -> (i32, i32) {
    %c0_i32 = arith.constant 0 : i32
    %c0_i32_0 = arith.constant 0 : i32
    return %arg0, %c0_i32 : i32, i32
  }
  func.func @transform_1(%arg0: i32) -> (i32, i32) {
    %c0_i32 = arith.constant 0 : i32
    %c0_i32_0 = arith.constant 0 : i32
    return %arg0, %c0_i32 : i32, i32
  }
  func.func @transform_2(%arg0: i32) -> (i32, i32) {
    %c0_i32 = arith.constant 0 : i32
    %c0_i32_0 = arith.constant 0 : i32
    return %arg0, %c0_i32 : i32, i32
  }
  func.func @transform_3(%arg0: i32) -> (i32, i32) {
    %c0_i32 = arith.constant 0 : i32
    %c0_i32_0 = arith.constant 0 : i32
    return %arg0, %c0_i32 : i32, i32
  }
  func.func @transform_4(%arg0: i32) -> (i32, i32) {
    %c0_i32 = arith.constant 0 : i32
    %c0_i32_0 = arith.constant 0 : i32
    %c0_i32_1 = arith.constant 0 : i32
    return %c0_i32, %c0_i32_0 : i32, i32
  }
  func.func @transform_5(%arg0: i32) -> (i32, i32) {
    %c0_i32 = arith.constant 0 : i32
    %c0_i32_0 = arith.constant 0 : i32
    %c0_i32_1 = arith.constant 0 : i32
    return %c0_i32, %c0_i32_0 : i32, i32
  }
  func.func @transform_6(%arg0: i32) -> (i32, i32) {
    %c0_i32 = arith.constant 0 : i32
    %c0_i32_0 = arith.constant 0 : i32
    %c0_i32_1 = arith.constant 0 : i32
    return %c0_i32, %c0_i32_0 : i32, i32
  }
  func.func @transform_7(%arg0: i32) -> (i32, i32) {
    %c0_i32 = arith.constant 0 : i32
    %c0_i32_0 = arith.constant 0 : i32
    %c0_i32_1 = arith.constant 0 : i32
    return %c0_i32, %c0_i32_0 : i32, i32
  }
  func.func @transform_8(%arg0: i32) -> (i32, i32) {
    %c0_i32 = arith.constant 0 : i32
    %c0_i32_0 = arith.constant 0 : i32
    %c0_i32_1 = arith.constant 0 : i32
    return %c0_i32, %c0_i32_0 : i32, i32
  }
  func.func @transform_9(%arg0: i32) -> (i32, i32) {
    %c0_i32 = arith.constant 0 : i32
    %c0_i32_0 = arith.constant 0 : i32
    return %arg0, %c0_i32 : i32, i32
  }
  func.func @transform_10(%arg0: i32) -> (i32, i32) {
    %c0_i32 = arith.constant 0 : i32
    %c0_i32_0 = arith.constant 0 : i32
    return %arg0, %c0_i32 : i32, i32
  }
  func.func @transform_11(%arg0: i32) -> (i32, i32) {
    %c0_i32 = arith.constant 0 : i32
    %c0_i32_0 = arith.constant 0 : i32
    return %arg0, %c0_i32 : i32, i32
  }
  func.func @transform_12(%arg0: i32) -> (i32, i32) {
    %c0_i32 = arith.constant 0 : i32
    %c0_i32_0 = arith.constant 0 : i32
    %c0_i32_1 = arith.constant 0 : i32
    return %c0_i32, %c0_i32_0 : i32, i32
  }
}

module attributes {stable_mosaic.version = 14 : i64} {
  func.func @_final_body(%arg0: i32, %arg1: memref<1000x16xf32, #tpu.memory_space<vmem>>, %arg2: memref<1000x16xf32, #tpu.memory_space<vmem>>, %arg3: memref<1000x16xf32, #tpu.memory_space<vmem>>, %arg4: memref<1000x16xf32, #tpu.memory_space<vmem>>, %arg5: memref<1x16xf32, #tpu.memory_space<vmem>>, %arg6: memref<16x16xf32, #tpu.memory_space<vmem>>, %arg7: memref<1000x16xf32, #tpu.memory_space<vmem>>) attributes {dimension_semantics = [#tpu.dimension_semantics<arbitrary>], iteration_bounds = array<i64: 10>, scalar_prefetch = 0 : i64, scratch_operands = 0 : i64, tpu.core_type = #tpu.core_type<tc>, window_params = [{transform_indices = @transform_0, window_bounds = array<i64: 1000, 16>}, {transform_indices = @transform_1, window_bounds = array<i64: 1000, 16>}, {transform_indices = @transform_2, window_bounds = array<i64: 1000, 16>}, {transform_indices = @transform_3, window_bounds = array<i64: 1000, 16>}, {pipeline_mode = #tpu.pipeline_mode<synchronous>, transform_indices = @transform_4, window_bounds = array<i64: 1, 16>}, {pipeline_mode = #tpu.pipeline_mode<synchronous>, transform_indices = @transform_5, window_bounds = array<i64: 16, 16>}, {transform_indices = @transform_6, window_bounds = array<i64: 1000, 16>}]} {
    %get3A = arith.constant 0 : index
    %get3A_0 = arith.constant 0 : index
    %get3A_1 = vector.load %arg3[%get3A, %get3A_0] : memref<1000x16xf32, #tpu.memory_space<vmem>>, vector<1000x16xf32>
    %get3A_2 = arith.constant 0 : index
    %get3A_3 = arith.constant 0 : index
    %get3A_4 = vector.load %arg4[%get3A_2, %get3A_3] : memref<1000x16xf32, #tpu.memory_space<vmem>>, vector<1000x16xf32>
    %add3A = arith.addf %get3A_1, %get3A_4 : vector<1000x16xf32>
    %get3A_5 = arith.constant 0 : index
    %get3A_6 = arith.constant 0 : index
    %get3A_7 = vector.load %arg6[%get3A_5, %get3A_6] : memref<16x16xf32, #tpu.memory_space<vmem>>, vector<16x16xf32>
    %dot_general3A = arith.constant dense<0.000000e+00> : vector<1000x16xf32>
    %dot_general3A_8 = tpu.matmul %add3A, %get3A_7, %dot_general3A {dimension_numbers = #tpu.dot_dimension_numbers<[1], [0], [0], [1], [0, 0, 1, 1], [], []>, transpose_lhs_hint = false} : vector<1000x16xf32>, vector<16x16xf32>, vector<1000x16xf32> -> vector<1000x16xf32>
    %get3A_9 = arith.constant 0 : index
    %get3A_10 = arith.constant 0 : index
    %get3A_11 = vector.load %arg1[%get3A_9, %get3A_10] : memref<1000x16xf32, #tpu.memory_space<vmem>>, vector<1000x16xf32>
    %get3A_12 = arith.constant 0 : index
    %get3A_13 = arith.constant 0 : index
    %get3A_14 = vector.load %arg2[%get3A_12, %get3A_13] : memref<1000x16xf32, #tpu.memory_space<vmem>>, vector<1000x16xf32>
    %add3A_15 = arith.addf %get3A_11, %get3A_14 : vector<1000x16xf32>
    %add3A_16 = arith.constant 1.000000e-16 : f32
    %add3A_17 = vector.broadcast %add3A_16 : f32 to vector<1000x16xf32>
    %add3A_18 = arith.addf %dot_general3A_8, %add3A_17 : vector<1000x16xf32>
    %div3A = arith.divf %add3A_15, %add3A_18 : vector<1000x16xf32>
    %get3A_19 = arith.constant 0 : index
    %get3A_20 = arith.constant 0 : index
    %get3A_21 = vector.load %arg5[%get3A_19, %get3A_20] : memref<1x16xf32, #tpu.memory_space<vmem>>, vector<1x16xf32>
    %add3A_22 = vector.broadcast %get3A_21 : vector<1x16xf32> to vector<1000x16xf32>
    %add3A_23 = arith.addf %div3A, %add3A_22 : vector<1000x16xf32>
    %swap3A = arith.constant 0 : index
    %swap3A_24 = arith.constant 0 : index
    %swap3A_25 = vector.load %arg7[%swap3A, %swap3A_24] : memref<1000x16xf32, #tpu.memory_space<vmem>>, vector<1000x16xf32>
    tpu.vector_store %arg7[%swap3A, %swap3A_24], %add3A_23 {strides = array<i32>} : memref<1000x16xf32, #tpu.memory_space<vmem>>, vector<1000x16xf32>,
    return
  }
  func.func @transform_0(%arg0: i32) -> (i32, i32) {
    %c0_i32 = arith.constant 0 : i32
    %c0_i32_0 = arith.constant 0 : i32
    return %arg0, %c0_i32 : i32, i32
  }
  func.func @transform_1(%arg0: i32) -> (i32, i32) {
    %c0_i32 = arith.constant 0 : i32
    %c0_i32_0 = arith.constant 0 : i32
    return %arg0, %c0_i32 : i32, i32
  }
  func.func @transform_2(%arg0: i32) -> (i32, i32) {
    %c0_i32 = arith.constant 0 : i32
    %c0_i32_0 = arith.constant 0 : i32
    return %arg0, %c0_i32 : i32, i32
  }
  func.func @transform_3(%arg0: i32) -> (i32, i32) {
    %c0_i32 = arith.constant 0 : i32
    %c0_i32_0 = arith.constant 0 : i32
    return %arg0, %c0_i32 : i32, i32
  }
  func.func @transform_4(%arg0: i32) -> (i32, i32) {
    %c0_i32 = arith.constant 0 : i32
    %c0_i32_0 = arith.constant 0 : i32
    %c0_i32_1 = arith.constant 0 : i32
    return %c0_i32, %c0_i32_0 : i32, i32
  }
  func.func @transform_5(%arg0: i32) -> (i32, i32) {
    %c0_i32 = arith.constant 0 : i32
    %c0_i32_0 = arith.constant 0 : i32
    %c0_i32_1 = arith.constant 0 : i32
    return %c0_i32, %c0_i32_0 : i32, i32
  }
  func.func @transform_6(%arg0: i32) -> (i32, i32) {
    %c0_i32 = arith.constant 0 : i32
    %c0_i32_0 = arith.constant 0 : i32
    return %arg0, %c0_i32 : i32, i32
  }
}

</mosaic_0001>

<sc_bundles>
// kernel: kernel.10.cloned.1.call-start
scs
__scs_entry_jumppad:
0x0: {  	(pc) =	sbr.rel $0x88, $3  }
0x1: {  	(tag) =	ssettag $0x0;
	lr =	simm.s32 $0x1  }
0x2: {  	[smem:$0x3F97] =	sst lr;
	_ =	strace $0xD0000000  }
0x3: {  	_ = 	snop  }
0x4: {  	_ = 	snop  }
0x5: {  	_ = 	snop  }
0x6: {  	_ = 	snop  }
0x7: {  	_ = 	snop  }
__scs_overlays_trampoline_lowered:
0x8: {  	[smem:$0x3FA6] =	sst s0  }
0x9: {  	[smem:$0x3FA7] =	sst s1  }
0xa: {  	[smem:$0x3FA8] =	sst s2  }
0xb: {  	[smem:$0x3FA9] =	sst s3  }
0xc: {  	[smem:$0x3FAA] =	sst s4  }
0xd: {  	[smem:$0x3FAB] =	sst s5  }
0xe: {  	[smem:$0x3FAC] =	sst s6  }
0xf: {  	[smem:$0x3FAD] =	sst s7  }
0x10: {  	[smem:$0x3FAE] =	sst s8  }
0x11: {  	[smem:$0x3FAF] =	sst s9;
	s0 =	simm.s32 @!p0 $0x0  }
0x12: {  	s1 =	sld [smem:$0x3F95];
	s0 =	simm.s32 @p0 $0x1  }
0x13: {  	[smem:$0x3FB0] =	sst s0;
	s0 =	simm.s32 @!p1 $0x0  }
0x14: {  	s2 =	sld [smem:$0x3F94];
	s0 =	simm.s32 @p1 $0x1  }
0x15: {  	[smem:$0x3FB1] =	sst s0;
	s0 =	simm.s32 @!p2 $0x0  }
0x16: {  	s3 =	sld [smem:$0x3FDB];
	s0 =	simm.s32 @p2 $0x1  }
0x17: {  	s4 =	simm.s32 $0x1BF5;
	[smem:$0x3FB3] =	sst s0  }
0x18: {  	s0 =	sld [smem:$0x3F96];
	_ =	swait.ge [sflag:s4], $0x0  }
0x19: {  	s7 =	sld [smem:$0x3F97]  }
0x1a: {  	s8 =	sadd.s32 $0xFFFFE003, lr  }
0x1b: {  	s9 =	sadd.s32 $0xFFFFFEF7, lr;
	s5 =	simm.s32 $0xFFFFFFFF;
	p2 =	slt.u32 s8, $0xFFFFF086  }
0x1c: {  	p1 =	slt.u32 s9, $0xF7A;
	s5 =	simm.s32 @!p2 $0x0  }
0x1d: {  	s5 =	simm.s32 @p1 $0x1;
	p0 =	seq.s32 s7, s2  }
0x1e: {  	s7 =	smul.u32 @!p0 $0xF7A, s2;
	p2 =	seq.s32 @!p0 s5, $0x0  }
0x1f: {  	s9 =	smul.u32 $0xF7A, s1;
	s8 =	simm.s32 @!p0 $0x1BF5;
	p2 =	por !p2, p0  }
0x20: {  	[sflag:s8] =	ssyncset.s32 @!p0 $0xFFFFF086;
	s6 =	sadd.s32 @!p0 s3, s7;
	s7 =	simm.s32 @!p0 $0x108  }
0x21: {  	s3 =	sadd.s32 s3, s9;
	s6 =	sadd.s32 @!p0 $0x88, s6;
	s7 =	simm.s32 @p2 $0x1082  }
0x22: {  	[simem:s7], [sflag:s8] =	dma.local @!p0 [hbm:s6], $0xF7A  }
0x23: {  	s9 =	sor.u32 $0xD0000000, s2;
	s6 =	simm.s32 $0x108;
	_ =	swait.ge @!p0 [sflag:s8], $0x0  }
0x24: {  	s3 =	sadd.s32 $0x88, s3;
	s6 =	simm.s32 @!p1 $0x1082;
	[sflag:s4] =	ssyncset.s32 $0xFFFFF086  }
0x25: {  	[simem:s6], [sflag:s4] =	dma.local [hbm:s3], $0xF7A  }
0x26: {  	[smem:$0x3F97] =	sst s1;
	(tag) =	ssettag s2;
	_ =	strace s9  }
0x27: {  	s1 =	sld [smem:$0x3FA7]  }
0x28: {  	s2 =	sld [smem:$0x3FA8]  }
0x29: {  	s4 =	sld [smem:$0x3FAA]  }
0x2a: {  	p0 =	seq.s32 s5, $0x0;
	s5 =	sld [smem:$0x3FAB]  }
0x2b: {  	s6 =	sld [smem:$0x3FAC]  }
0x2c: {  	s7 =	sld [smem:$0x3FAD]  }
0x2d: {  	s3 =	simm.s32 $0x108;
	s8 =	sld [smem:$0x3FAE]  }
0x2e: {  	s3 =	simm.s32 @!p0 $0x1082;
	s9 =	sld [smem:$0x3FAF]  }
0x2f: {  	lr =	sadd.s32 s0, s3;
	s0 =	sld [smem:$0x3FA6]  }
0x30: {  	s3 =	sld [smem:$0x3FA9]  }
0x31: {  	[smem:$0x3FB2] =	sst s10  }
0x32: {  	s10 =	sld [smem:$0x3FB0];
	_ =	sdelay $0x3  }
0x33: {  	p0 =	seq.s32 s10, $0x1;
	s10 =	sld [smem:$0x3FB2];
	_ =	sdelay $0x3  }
0x34: {  	[smem:$0x3FB2] =	sst s10  }
0x35: {  	s10 =	sld [smem:$0x3FB1];
	_ =	sdelay $0x3  }
0x36: {  	p1 =	seq.s32 s10, $0x1;
	s10 =	sld [smem:$0x3FB2];
	_ =	sdelay $0x3  }
0x37: {  	[smem:$0x3FB2] =	sst s10  }
0x38: {  	s10 =	sld [smem:$0x3FB3]  }
0x39: {  	_ = 	snop;
	(pc) =	sbr.ind lr, $3  }
0x3a: {  	_ = 	snop  }
0x3b: {  	_ = 	snop  }
0x3c: {  	p2 =	seq.s32 s10, $0x1;
	s10 =	sld [smem:$0x3FB2]  }
0x3d: {  	_ =	shalt  }
0x3e: {  	_ =	shalt  }
0x3f: {  	_ =	shalt  }
0x40: {  	_ =	shalt  }
0x41: {  	_ =	shalt  }
0x42: {  	_ =	shalt  }
0x43: {  	_ =	shalt  }
0x44: {  	_ =	shalt  }
0x45: {  	_ =	shalt  }
0x46: {  	_ =	shalt  }
0x47: {  	_ =	shalt  }
0x48: {  	_ =	shalt  }
0x49: {  	_ =	shalt  }
0x4a: {  	_ =	shalt  }
0x4b: {  	_ =	shalt  }
0x4c: {  	_ =	shalt  }
0x4d: {  	_ =	shalt  }
0x4e: {  	_ =	shalt  }
0x4f: {  	_ =	shalt  }
0x50: {  	_ =	shalt  }
0x51: {  	_ =	shalt  }
0x52: {  	_ =	shalt  }
0x53: {  	_ =	shalt  }
0x54: {  	_ =	shalt  }
0x55: {  	_ =	shalt  }
0x56: {  	_ =	shalt  }
0x57: {  	_ =	shalt  }
0x58: {  	_ =	shalt  }
0x59: {  	_ =	shalt  }
0x5a: {  	_ =	shalt  }
0x5b: {  	_ =	shalt  }
0x5c: {  	_ =	shalt  }
0x5d: {  	_ =	shalt  }
0x5e: {  	_ =	shalt  }
0x5f: {  	_ =	shalt  }
0x60: {  	_ =	shalt  }
0x61: {  	_ =	shalt  }
0x62: {  	_ =	shalt  }
0x63: {  	_ =	shalt  }
0x64: {  	_ =	shalt  }
0x65: {  	_ =	shalt  }
0x66: {  	_ =	shalt  }
0x67: {  	_ =	shalt  }
0x68: {  	_ =	shalt  }
0x69: {  	_ =	shalt  }
0x6a: {  	_ =	shalt  }
0x6b: {  	_ =	shalt  }
0x6c: {  	_ =	shalt  }
0x6d: {  	_ =	shalt  }
0x6e: {  	_ =	shalt  }
0x6f: {  	_ =	shalt  }
0x70: {  	_ =	shalt  }
0x71: {  	_ =	shalt  }
0x72: {  	_ =	shalt  }
0x73: {  	_ =	shalt  }
0x74: {  	_ =	shalt  }
0x75: {  	_ =	shalt  }
0x76: {  	_ =	shalt  }
0x77: {  	_ =	shalt  }
0x78: {  	_ =	shalt  }
0x79: {  	_ =	shalt  }
0x7a: {  	_ =	shalt  }
0x7b: {  	_ =	shalt  }
0x7c: {  	_ =	shalt  }
0x7d: {  	_ =	shalt  }
0x7e: {  	_ =	shalt  }
0x7f: {  	_ =	shalt  }
0x80: {  	_ =	shalt  }
0x81: {  	_ =	shalt  }
0x82: {  	_ =	shalt  }
0x83: {  	_ =	shalt  }
0x84: {  	_ =	shalt  }
0x85: {  	_ =	shalt  }
0x86: {  	_ =	shalt  }
0x87: {  	_ =	shalt  }
.Lfunc_end0:
.L_simem_size_0:
called_computation.1_lowered:
.L_overlay_start_0:
0x88: {  	s2 =	sld [smem:$0x3FD9]  }
0x89: {  	s3 =	sld [smem:$0x3FFE];
	_ =	sdelay $0x1  }
0x8a: {  	s1 =	srdreg.scid  }
0x8b: {  	s0 =	sand.u32 $0x1, s1  }
0x8c: {  	s17 =	sshll.u32 s0, $0xA;
	s2 =	sadd.s32 s3, s2  }
0x8d: {  	s2 =	sadd.s32 s2, s17  }
0x8e: {  	[smem:$0x3FBE] =	sst s2  }
0x8f: {  	_ = 	snop  }
0x90: {  	s2 =	sld [smem:$0x3FD0];
	(tm) =	ssettm $0x1  }
0x91: {  	s18 =	sld [smem:$0x3FFB];
	_ =	sdelay $0x3  }
0x92: {  	_ =	strace s18  }
0x93: {  	s3 =	sld [smem:$0x3FFC];
	_ =	sdelay $0x3  }
0x94: {  	_ =	strace s3  }
0x95: {  	s3 =	sld [smem:$0x3FFD];
	_ =	sdelay $0x3  }
0x96: {  	_ =	strace s3  }
0x97: {  	_ =	strace $0x8FFFFFFF  }
0x98: {  	s19 =	sld [smem:$0x3FDB];
	_ =	sdelay $0x1  }
0x99: {  	s4 =	simm.s32 $_scs_section_size  }
0x9a: {  	s5 =	simm.s32 $_size__tile_overlayer_lowered;
	s6 =	simm.s32 $_tile_overlayer_lowered  }
0x9b: {  	s22 =	simm.s32 $0x1BFF;
	s21 =	sshll.u32 s6, $0x1;
	s3 =	sadd.s32 s4, s19  }
0x9c: {  	s7 =	simm.s32 $0x0;
	s20 =	sshll.u32 s5, $0x1;
	s5 =	sadd.s32 s21, s3  }
0x9d: {  	[timem:s7], [sflag:s22] =	dma.local [hbm:s5], s20  }
0x9e: {  	_ =	swait.ge [sflag:s22], s20  }
0x9f: {  	s4 =	ssub.s32 $0x0, s20;
	[sflag:s22] =	ssyncset.done $0x0  }
0xa0: {  	[sflag:s22] =	ssyncadd.s32 s4;
	_ =	sdelay $0x1  }
0xa1: {  	s23 =	simm.s32 $0x1B8B  }
0xa2: {  	_ =	swait.ge [sflag:s23], $0x1  }
0xa3: {  	[sflag:s23] =	ssyncset.done $0x0  }
0xa4: {  	s25 =	simm.s32 $0x1B8E;
	s24 =	sld [smem:$0x3FFE];
	[sflag:s23] =	ssyncadd.s32 $0xFFFFFFFF  }
0xa5: {  	s26 =	simm.s32 $execute0_lowered;
	[smem:$0x3FD2] =	sst s25  }
0xa6: {  	s5 =	sshll.u32 s26, $0x1;
	_ =	strace $0x80000049;
	[dreg:$0x1] =	wrdreg $0xFFFFFFFF  }
0xa7: {  	s28 =	simm.s32 $_size_execute0_lowered;
	s3 =	sadd.s32 s3, s5;
	[dreg:$0x0] =	wrdreg $0x0  }
0xa8: {  	s5 =	sshll.u32 s28, $0x1;
	[dreg:$0x2] =	wrdreg s3  }
0xa9: {  	[dreg:$0x3] =	wrdreg s5  }
0xaa: {  	[dreg:$0x4] =	wrdreg $0xC0  }
0xab: {  	_ =	task [dreg:s7], $0x5FFFF  }
0xac: {  	[dreg:$0x1] =	wrdreg $0xFFFFFFFF  }
0xad: {  	[dreg:$0x0] =	wrdreg $0x60  }
0xae: {  	[dreg:$0x2] =	wrdreg s2  }
0xaf: {  	[dreg:$0x3] =	wrdreg s24  }
0xb0: {  	[dreg:$0x4] =	wrdreg $0x21200  }
0xb1: {  	[dreg:$0x5] =	wrdreg $0x49200  }
0xb2: {  	[dreg:$0x6] =	wrdreg $0x9  }
0xb3: {  	_ =	task.clear_ibuf [dreg:s7], $0x7FFFF;
	_ =	strace $0x90000049  }
0xb4: {  	s29 =	simm.s32 $0x9;
	_ =	strace $0x8000004B  }
0xb5: {  	_ =	swait.ge [sflag:s29], $0x1  }
0xb6: {  	[sflag:s29] =	ssyncadd.s32 $0xFFFFFFFF  }
0xb7: {  	_ =	strace $0x9000004B  }
0xb8: {  	_ =	sfence  }
0xb9: {  	s30 =	sld [smem:$0x0];
	_ =	sdelay $0x2  }
0xba: {  	s31 =	sshll.u32 s1, $0xD;
	s1 =	sshrl.u32 s1, $0x2  }
0xbb: {  	s3 =	sand.u32 $0x4000, s31;
	s1 =	sadd.s32 s1, s30  }
0xbc: {  	s0 =	sor.u32 s3, s0;
	s1 =	sshll.u32 s1, $0x11  }
0xbd: {  	s0 =	sor.u32 s1, s0  }
0xbe: {  	s0 =	sadd.s32 $0x8F2B, s0  }
0xbf: {  	[sflag:s0] =	ssyncadd.remote.s32 $0x1  }
0xc0: {  	_ =	sfence.sel $0xFFFF  }
0xc1: {  	[dreg:$0x0] =	wrdreg $0xFFFFFFFF;
	(pc) =	sbr.abs _section_cstart, $3  }
0xc2: {  	[dreg:$0x1] =	wrdreg $0xFFFFFFFF  }
0xc3: {  	_ =	task.clear_ibuf [dreg:s7], $0x2FFFF;
	_ =	strace $0x9FFFFFFF  }
0xc4: {  	(tm) =	ssettm $0x7FFFFFFF  }
0xc5: {  	_ =	shalt  }
tec
execute0_lowered:
.L_overlay_start_1:
0x0: {  	(tag) =	ssettag $0x1  }
0x1: {  	s1 =	rddreg [dreg:$0x0]  }
0x2: {  	s0 =	rddreg [dreg:$0x1]  }
0x3: {  	s2 =	rddreg [dreg:$0x2]  }
0x4: {  	s4 =	rddreg [dreg:$0x3]  }
0x5: {  	s5 =	simm.s32 $0x0;
	s3 =	srdreg.scid;
	s14 =	stileid.u32  }
0x6: {  	s19 =	simm.s32 $0x4;
	s23 =	simm.s32 $0x80;
	s24 =	simm.s32 $0x100  }
0x7: {  	s28 =	simm.s32 $0x1;
	s29 =	simm.s32 $0x2;
	s30 =	simm.s32 $0x3  }
0x8: {  	s31 =	simm.s32 $0x1900;
	[smem:$0x7FF] =	sst s5;
	s3 =	sand.u32 $0x1, s3  }
0x9: {  	s25 =	smul.u32 $0x2800, s14;
	s6 =	sadd.s32 $0x3000, s0;
	s7 =	sadd.s32 $0x8000, s0  }
0xa: {  	s8 =	sadd.s32 $0x39400, s0;
	s9 =	sadd.s32 $0x2F200, s0;
	s11 =	sadd.s32 $0x2E00, s0  }
0xb: {  	s26 =	sshll.u32 s14, $0x6;
	_ =	strace $0x8000004A;
	s10 =	smul.u32 $0x28000, s3  }
0xc: {  	[dreg:$0x5] =	wrdreg s11;
	s12 =	ssub.s32 $0x2, s3;
	s11 =	sadd.s32 $0x43600, s0  }
0xd: {  	s3 =	sshll.u32 s3, $0x4;
	s13 =	sshrl.u32 s12, $0x1;
	s18 =	sadd.s32 s25, s2  }
0xe: {  	s5 =	sadd.s32 s25, s4;
	s3 =	sor.u32 s14, s3;
	s10 =	sadd.s32 s25, s10  }
0xf: {  	s13 =	ssub.s32 s12, s13;
	s12 =	sor.u32 $0x1C04, s26;
	s14 =	smul.u32 $0x2880, s3  }
0x10: {  	s18 =	sshrl.u32 s18, $0x3;
	s20 =	sshrl.u32 s5, $0x3;
	s10 =	sshrl.u32 s10, $0x3  }
0x11: {  	s25 =	simm.s32 $0x900;
	s10 =	sadd.s32 s10, s0;
	s0 =	sadd.s32 $0x2E10, s0  }
0x12: {  	s26 =	simm.s32 $0x1100;
	s17 =	smax.u32 s13, $0x1;
	[dreg:$0x6] =	wrdreg s0  }
0x13: {  	vm0 =	vmmov $0x1;
	s15 =	sadd.s32 $0x17000, s10;
	s16 =	sadd.s32 $0xD000, s10;
	s0 =	simm.s32 $0x0  }
.LBB2_1:
0x14: {  	[spmem:s18], [sflag:s12] =	dma.local [hbm:s11], $0x500  }
0x15: {  	_ =	swait.ge [sflag:s19], $0x500  }
0x16: {  	[sflag:s19] =	ssyncset.done $0x0  }
0x17: {  	[sflag:s19] =	ssyncadd.s32 $0xFFFFFB00  }
0x18: {  	[spmem:s20], [sflag:s12] =	dma.local [hbm:s11], $0x500  }
0x19: {  	_ =	swait.ge [sflag:s19], $0x500  }
0x1a: {  	s3 =	simm.s32 $0x0;
	[sflag:s19] =	ssyncset.done $0x0  }
0x1b: {  	s10 =	simm.s32 $0x2100;
	s5 =	rddreg [dreg:$0x5];
	[sflag:s19] =	ssyncadd.s32 $0xFFFFFB00  }
0x1c: {  	[tilespmem:s10], [sflag:$0x4] =	stream.linear.gather [hbm4b:s5+s3], $0x10, $0x38;
	[tilespmem:$0x7120] =	vst v63  }
0x1d: {  	_ =	swait.ge [sflag:s19], $0x10  }
0x1e: {  	[sflag:s19] =	ssyncset.done $0x0  }
0x1f: {  	s22 =	simm.s32 $0x2110;
	s21 =	rddreg [dreg:$0x6];
	[sflag:s19] =	ssyncadd.s32 $0xFFFFFFF0  }
0x20: {  	[tilespmem:s22], [sflag:$0x4] =	stream.linear.gather [hbm4b:s21+s3], $0x10, $0x38;
	[tilespmem:$0x7120] =	vst v63  }
0x21: {  	_ =	swait.ge [sflag:s19], $0x10  }
0x22: {  	[sflag:s19] =	ssyncset.done $0x0  }
0x23: {  	[sflag:s19] =	ssyncadd.s32 $0xFFFFFFF0  }
0x24: {  	v0 =	vld [tilespmem:$0x2100]  }
0x25: {  	v1 =	vld [tilespmem:$0x2110];
	_ =	sdelay $0x4  }
0x26: {  	v0 =	vadd.f32 v1, v0;
	_ =	sdelay $0x1  }
0x27: {  	v1 =	vmul.f32 $2.000000030e-01, v0  }
0x28: {  	vm1 =	vgt.f32 v0, $0.0e+00  }
0x29: {  	s3 =	simm.s32 $0x0;
	[bflag:$0x0] =	sbarrier.arrive $0xFFFF;
	v0 =	vsel vm1, v0, v1  }
.LBB2_2:
0x2a: {  	s5 =	sshll.u32 s3, $0x7  }
0x2b: {  	s5 =	sadd.s32 s14, s5  }
0x2c: {  	s5 =	sshrl.u32 s5, $0x3  }
0x2d: {  	s13 =	simm.s32 $0x0;
	s10 =	sadd.s32 s8, s5  }
0x2e: {  	[tilespmem:s13], [sflag:$0x4] =	stream.linear.gather [hbm4b:s10+s13], $0x80, $0x38;
	[tilespmem:$0x7120] =	vst v63  }
0x2f: {  	_ =	swait.ge [sflag:s19], $0x80  }
0x30: {  	[sflag:s19] =	ssyncset.done $0x0  }
0x31: {  	s5 =	sadd.s32 s9, s5;
	[sflag:s19] =	ssyncadd.s32 $0xFFFFFF80  }
0x32: {  	[tilespmem:s23], [sflag:$0x4] =	stream.linear.gather [hbm4b:s5+s13], $0x80, $0x38;
	[tilespmem:$0x7120] =	vst v63  }
0x33: {  	_ =	swait.ge [sflag:s19], $0x80  }
0x34: {  	[sflag:s19] =	ssyncset.done $0x0  }
0x35: {  	[sflag:s19] =	ssyncadd.s32 $0xFFFFFF80  }
0x36: {  	[tilespmem:s24], [sflag:$0x1] =	stream.indirect.gather [hbm4b:s1+s23], $0x10, s13, s23, $0xb8;
	[tilespmem:$0x7120] =	vst v63  }
0x37: {  	_ = 	snop  }
0x38: {  	[tilespmem:s25], [sflag:$0x2] =	stream.indirect.gather [hbm4b:s6+s23], $0x10, s13, s23, $0xb8;
	[tilespmem:$0x7120] =	vst v63  }
0x39: {  	_ = 	snop  }
0x3a: {  	[tilespmem:s26], [sflag:$0x3] =	stream.indirect.gather [hbm4b:s7+s23], $0x10, s23, s23, $0xb8;
	[tilespmem:$0x7120] =	vst v63  }
0x3b: {  	_ =	swait.ge [sflag:s28], $0x800  }
0x3c: {  	[sflag:s28] =	ssyncset.done $0x0  }
0x3d: {  	[sflag:s28] =	ssyncadd.s32 $0xFFFFF800  }
0x3e: {  	_ =	swait.ge [sflag:s29], $0x800  }
0x3f: {  	[sflag:s29] =	ssyncset.done $0x0  }
0x40: {  	[sflag:s29] =	ssyncadd.s32 $0xFFFFF800  }
0x41: {  	_ =	swait.ge [sflag:s30], $0x800  }
0x42: {  	[sflag:s30] =	ssyncset.done $0x0  }
0x43: {  	s5 =	simm.s32 $0x0;
	[sflag:s30] =	ssyncadd.s32 $0xFFFFF800  }
0x44: {  	v1 =	vld [tilespmem:s5+$0x900]  }
0x45: {  	v2 =	vld [tilespmem:s5+$0x1100];
	_ =	sdelay $0x4  }
0x46: {  	s21 =	simm.s32 $0x10;
	v1 =	vadd.f32 v2, v1  }
0x47: {  	v3 =	vld [tilespmem:s21+$0x900]  }
0x48: {  	v4 =	vld [tilespmem:s21+$0x1100];
	v2 =	vmul.f32 $2.000000030e-01, v1  }
0x49: {  	vm1 =	vgt.f32 v1, $0.0e+00  }
0x4a: {  	v1 =	vsel vm1, v1, v2  }
0x4b: {  	v1 =	vsub.f32 v1, v0;
	_ =	sdelay $0x1  }
0x4c: {  	v2 =	vadd.f32 v4, v3;
	v1 =	vmul.f32 $1.442695020e+00, v1;
	_ =	sdelay $0x1  }
0x4d: {  	s22 =	simm.s32 $0x20;
	v3 =	vmul.f32 $2.000000030e-01, v2;
	(erf) = vpow2.f32 v1  }
0x4e: {  	v4 =	vld [tilespmem:s22+$0x1100];
	vm1 =	vgt.f32 v2, $0.0e+00  }
0x4f: {  	v2 =	vsel vm1, v2, v3;
	v1 =	vld [tilespmem:s22+$0x900]  }
0x50: {  	v2 =	vsub.f32 v2, v0;
	_ =	sdelay $0x1  }
0x51: {  	v3 =	vld [tilespmem:s5+$0x100];
	v5 =	vmul.f32 $1.442695020e+00, v2;
	_ =	sdelay $0x1  }
0x52: {  	v2 =	vadd.f32 v4, v1  }
0x53: {  	s10 =	simm.s32 $0x30;
	(erf) = vpow2.f32 v5  }
0x54: {  	s13 =	simm.s32 $0x100;
	v1 =	vld [tilespmem:s10+$0x900];
	v4 =	vmul.f32 $2.000000030e-01, v2;
	v5 =	vpop (erf)  }
.LBB2_3:
0x55: {  	p0 =	sne.s32 s13, $0x1FC0;
	v6 =	vld [tilespmem:s10+$0x1100];
	vm1 =	vgt.f32 v2, $0.0e+00;
	v3 =	vmul.f32 v5, v3;
	v5 =	vnsel vm0, $0x0, v5  }
0x56: {  	v2 =	vsel vm1, v2, v4;
	[tilespmem:s5+$0x1900] =	vst v5  }
0x57: {  	v2 =	vsub.f32 v2, v0;
	[tilespmem:s5+$0x100] =	vst v3;
	s5 =	smov.u32 s21;
	s21 =	smov.u32 s22;
	s22 =	smov.u32 s10  }
.Ltmp0:
0x58: {  	v3 =	vld [tilespmem:s5+$0x100];
	(pc) =	sbr.rel @p0 .LBB2_3-.Ltmp0, $4  }
0x59: {  	v4 =	vmul.f32 $1.442695020e+00, v2  }
0x5a: {  	v2 =	vadd.f32 v6, v1  }
0x5b: {  	s10 =	sshra.s32 s13, $0x2;
	(erf) = vpow2.f32 v4  }
0x5c: {  	s13 =	sadd.s32 $0x40, s13;
	v1 =	vld [tilespmem:s10+$0x900];
	v4 =	vmul.f32 $2.000000030e-01, v2;
	v5 =	vpop (erf)  }
0x5d: {  	v6 =	vld [tilespmem:s10+$0x1100]  }
0x5e: {  	vm1 =	vgt.f32 v2, $0.0e+00;
	v3 =	vmul.f32 v5, v3;
	v62 =	vnsel vm0, $0x0, v5  }
0x5f: {  	v2 =	vsel vm1, v2, v4;
	[tilespmem:s5+$0x1900] =	vst v62  }
0x60: {  	v2 =	vsub.f32 v2, v0;
	[tilespmem:s5+$0x100] =	vst v3  }
0x61: {  	v3 =	vld [tilespmem:s21+$0x100]  }
0x62: {  	v2 =	vmul.f32 $1.442695020e+00, v2;
	v1 =	vadd.f32 v6, v1;
	_ =	sdelay $0x1  }
0x63: {  	(erf) = vpow2.f32 v2;
	v2 =	vmul.f32 $2.000000030e-01, v1  }
0x64: {  	v63 =	vpop (erf);
	vm1 =	vgt.f32 v1, $0.0e+00  }
0x65: {  	v3 =	vmul.f32 v63, v3;
	v4 =	vnsel vm0, $0x0, v63;
	v1 =	vsel vm1, v1, v2  }
0x66: {  	[tilespmem:s21+$0x1900] =	vst v4;
	v1 =	vsub.f32 v1, v0  }
0x67: {  	[tilespmem:s21+$0x100] =	vst v3  }
0x68: {  	v2 =	vld [tilespmem:s22+$0x100];
	v1 =	vmul.f32 $1.442695020e+00, v1;
	_ =	sdelay $0x2  }
0x69: {  	(erf) = vpow2.f32 v1  }
0x6a: {  	v1 =	vpop (erf)  }
0x6b: {  	v2 =	vmul.f32 v1, v2;
	v1 =	vnsel vm0, $0x0, v1  }
0x6c: {  	[tilespmem:s22+$0x1900] =	vst v1  }
0x6d: {  	[tilespmem:s22+$0x100] =	vst v2  }
0x6e: {  	v1 =	vld [tilespmem:s10+$0x100];
	_ =	sdelay $0x3  }
0x6f: {  	v2 =	vpop (erf)  }
0x70: {  	v1 =	vmul.f32 v2, v1;
	v2 =	vnsel vm0, $0x0, v2  }
0x71: {  	[tilespmem:s10+$0x1900] =	vst v2  }
0x72: {  	[tilespmem:s10+$0x100] =	vst v1  }
0x73: {  	[spmem:s2] =	stream.indirect.scatter.add.f32 [tilespmem:s24], [sflag:$0x4], $0x10, s23, s23, $0xb8;
	[tilespmem:$0x7120] =	vst v63  }
0x74: {  	s3 =	sadd.s32 $0x1, s3;
	_ =	swait.ge [sflag:s19], $0x800  }
0x75: {  	p0 =	sne.s32 s3, $0x51;
	[sflag:s19] =	ssyncset.done $0x0  }
.Ltmp1:
0x76: {  	[sflag:s19] =	ssyncadd.s32 $0xFFFFF800;
	(pc) =	sbr.rel @p0 .LBB2_2-.Ltmp1, $4  }
0x77: {  	[spmem:s4] =	stream.indirect.scatter.add.f32 [tilespmem:s31], [sflag:$0x4], $0x10, s23, s23, $0xb8;
	[tilespmem:$0x7120] =	vst v63  }
0x78: {  	_ =	swait.ge [sflag:s19], $0x800  }
0x79: {  	[sflag:s19] =	ssyncset.done $0x0  }
0x7a: {  	[sflag:s19] =	ssyncadd.s32 $0xFFFFF800  }
0x7b: {  	[bflag:$0x0] =	sbarrier.arrive $0xFFFF  }
0x7c: {  	[hbm:s15], [sflag:s12] =	dma.local [spmem:s18], $0x500  }
0x7d: {  	s0 =	sadd.s32 $0x1, s0;
	_ =	swait.ge [sflag:s19], $0x500  }
0x7e: {  	p0 =	sne.s32 s0, s17;
	[sflag:s19] =	ssyncset.done $0x0  }
.Ltmp2:
0x7f: {  	[sflag:s19] =	ssyncadd.s32 $0xFFFFFB00;
	(pc) =	sbr.rel @p0 .LBB2_1-.Ltmp2, $4  }
0x80: {  	[hbm:s16], [sflag:s12] =	dma.local [spmem:s20], $0x500  }
0x81: {  	_ =	swait.ge [sflag:s19], $0x500  }
0x82: {  	[sflag:s19] =	ssyncset.done $0x0  }
0x83: {  	[sflag:s19] =	ssyncadd.s32 $0xFFFFFB00  }
0x84: {  	_ =	sfence.sel $0x180000  }
0x85: {  	[bflag:$0x0] =	sbarrier.arrive $0xFFFF  }
0x86: {  	_ =	strace $0x9000004A  }
0x87: {  	s0 =	stileid.u32;
	[bflag:$0x2] =	sbarrier.arrive $0xFFFF  }
0x88: {  	p0 =	sne.s32 s0, $0x0;
	s0 =	rddreg [dreg:$0x4]  }
0x89: {  	s0 =	sadd.s32 @!p0 $0x100000, s0  }
0x8a: {  	[sflag:s0] =	ssyncadd.tile.s32 @!p0 $0x1;
	_ =	shalt  }
.Lfunc_end2:
_tile_overlayer_lowered:
.L_overlay_start_2:
0x8b: {  	(tag) =	ssettag $0x2  }
0x8c: {  	s0 =	rddreg [dreg:$0x0];
	s2 =	stileid.u32  }
0x8d: {  	s1 =	rddreg [dreg:$0x1];
	p0 =	sne.s32 s2, $0x0  }
0x8e: {  	s3 =	rddreg [dreg:$0x2];
	[bflag:$0x3] =	sbarrier.arrive $0xFFFF;
	s2 =	simm.s32 @!p0 $0x1C04  }
0x8f: {  	[timem:s3], [sflag:s2] =	dma.local @!p0 [hbm:s0], s1  }
0x90: {  	s0 =	simm.s32 @!p0 $0x4  }
0x91: {  	_ =	swait.ge @!p0 [sflag:s0], s1  }
0x92: {  	s1 =	ssub.s32 @!p0 $0x0, s1;
	[sflag:s0] =	ssyncset.done @!p0 $0x0  }
0x93: {  	[sflag:s0] =	ssyncadd.s32 @!p0 s1  }
0x94: {  	[bflag:$0x3] =	sbarrier.arrive $0xFFFF  }
0x95: {  	_ =	shalt  }

// kernel: kernel.7.cloned.1.call-start
scs
__scs_entry_jumppad:
0x0: {  	(pc) =	sbr.rel $0x88, $3  }
0x1: {  	(tag) =	ssettag $0x0;
	lr =	simm.s32 $0x1  }
0x2: {  	[smem:$0x3F97] =	sst lr;
	_ =	strace $0xD0000000  }
0x3: {  	_ = 	snop  }
0x4: {  	_ = 	snop  }
0x5: {  	_ = 	snop  }
0x6: {  	_ = 	snop  }
0x7: {  	_ = 	snop  }
__scs_overlays_trampoline_lowered:
0x8: {  	[smem:$0x3FA6] =	sst s0  }
0x9: {  	[smem:$0x3FA7] =	sst s1  }
0xa: {  	[smem:$0x3FA8] =	sst s2  }
0xb: {  	[smem:$0x3FA9] =	sst s3  }
0xc: {  	[smem:$0x3FAA] =	sst s4  }
0xd: {  	[smem:$0x3FAB] =	sst s5  }
0xe: {  	[smem:$0x3FAC] =	sst s6  }
0xf: {  	[smem:$0x3FAD] =	sst s7  }
0x10: {  	[smem:$0x3FAE] =	sst s8  }
0x11: {  	[smem:$0x3FAF] =	sst s9;
	s0 =	simm.s32 @!p0 $0x0  }
0x12: {  	s1 =	sld [smem:$0x3F95];
	s0 =	simm.s32 @p0 $0x1  }
0x13: {  	[smem:$0x3FB0] =	sst s0;
	s0 =	simm.s32 @!p1 $0x0  }
0x14: {  	s2 =	sld [smem:$0x3F94];
	s0 =	simm.s32 @p1 $0x1  }
0x15: {  	[smem:$0x3FB1] =	sst s0;
	s0 =	simm.s32 @!p2 $0x0  }
0x16: {  	s3 =	sld [smem:$0x3FDB];
	s0 =	simm.s32 @p2 $0x1  }
0x17: {  	s4 =	simm.s32 $0x1BF5;
	[smem:$0x3FB3] =	sst s0  }
0x18: {  	s0 =	sld [smem:$0x3F96];
	_ =	swait.ge [sflag:s4], $0x0  }
0x19: {  	s7 =	sld [smem:$0x3F97]  }
0x1a: {  	s8 =	sadd.s32 $0xFFFFE003, lr  }
0x1b: {  	s9 =	sadd.s32 $0xFFFFFEF7, lr;
	s5 =	simm.s32 $0xFFFFFFFF;
	p2 =	slt.u32 s8, $0xFFFFF086  }
0x1c: {  	p1 =	slt.u32 s9, $0xF7A;
	s5 =	simm.s32 @!p2 $0x0  }
0x1d: {  	s5 =	simm.s32 @p1 $0x1;
	p0 =	seq.s32 s7, s2  }
0x1e: {  	s7 =	smul.u32 @!p0 $0xF7A, s2;
	p2 =	seq.s32 @!p0 s5, $0x0  }
0x1f: {  	s9 =	smul.u32 $0xF7A, s1;
	s8 =	simm.s32 @!p0 $0x1BF5;
	p2 =	por !p2, p0  }
0x20: {  	[sflag:s8] =	ssyncset.s32 @!p0 $0xFFFFF086;
	s6 =	sadd.s32 @!p0 s3, s7;
	s7 =	simm.s32 @!p0 $0x108  }
0x21: {  	s3 =	sadd.s32 s3, s9;
	s6 =	sadd.s32 @!p0 $0x88, s6;
	s7 =	simm.s32 @p2 $0x1082  }
0x22: {  	[simem:s7], [sflag:s8] =	dma.local @!p0 [hbm:s6], $0xF7A  }
0x23: {  	s9 =	sor.u32 $0xD0000000, s2;
	s6 =	simm.s32 $0x108;
	_ =	swait.ge @!p0 [sflag:s8], $0x0  }
0x24: {  	s3 =	sadd.s32 $0x88, s3;
	s6 =	simm.s32 @!p1 $0x1082;
	[sflag:s4] =	ssyncset.s32 $0xFFFFF086  }
0x25: {  	[simem:s6], [sflag:s4] =	dma.local [hbm:s3], $0xF7A  }
0x26: {  	[smem:$0x3F97] =	sst s1;
	(tag) =	ssettag s2;
	_ =	strace s9  }
0x27: {  	s1 =	sld [smem:$0x3FA7]  }
0x28: {  	s2 =	sld [smem:$0x3FA8]  }
0x29: {  	s4 =	sld [smem:$0x3FAA]  }
0x2a: {  	p0 =	seq.s32 s5, $0x0;
	s5 =	sld [smem:$0x3FAB]  }
0x2b: {  	s6 =	sld [smem:$0x3FAC]  }
0x2c: {  	s7 =	sld [smem:$0x3FAD]  }
0x2d: {  	s3 =	simm.s32 $0x108;
	s8 =	sld [smem:$0x3FAE]  }
0x2e: {  	s3 =	simm.s32 @!p0 $0x1082;
	s9 =	sld [smem:$0x3FAF]  }
0x2f: {  	lr =	sadd.s32 s0, s3;
	s0 =	sld [smem:$0x3FA6]  }
0x30: {  	s3 =	sld [smem:$0x3FA9]  }
0x31: {  	[smem:$0x3FB2] =	sst s10  }
0x32: {  	s10 =	sld [smem:$0x3FB0];
	_ =	sdelay $0x3  }
0x33: {  	p0 =	seq.s32 s10, $0x1;
	s10 =	sld [smem:$0x3FB2];
	_ =	sdelay $0x3  }
0x34: {  	[smem:$0x3FB2] =	sst s10  }
0x35: {  	s10 =	sld [smem:$0x3FB1];
	_ =	sdelay $0x3  }
0x36: {  	p1 =	seq.s32 s10, $0x1;
	s10 =	sld [smem:$0x3FB2];
	_ =	sdelay $0x3  }
0x37: {  	[smem:$0x3FB2] =	sst s10  }
0x38: {  	s10 =	sld [smem:$0x3FB3]  }
0x39: {  	_ = 	snop;
	(pc) =	sbr.ind lr, $3  }
0x3a: {  	_ = 	snop  }
0x3b: {  	_ = 	snop  }
0x3c: {  	p2 =	seq.s32 s10, $0x1;
	s10 =	sld [smem:$0x3FB2]  }
0x3d: {  	_ =	shalt  }
0x3e: {  	_ =	shalt  }
0x3f: {  	_ =	shalt  }
0x40: {  	_ =	shalt  }
0x41: {  	_ =	shalt  }
0x42: {  	_ =	shalt  }
0x43: {  	_ =	shalt  }
0x44: {  	_ =	shalt  }
0x45: {  	_ =	shalt  }
0x46: {  	_ =	shalt  }
0x47: {  	_ =	shalt  }
0x48: {  	_ =	shalt  }
0x49: {  	_ =	shalt  }
0x4a: {  	_ =	shalt  }
0x4b: {  	_ =	shalt  }
0x4c: {  	_ =	shalt  }
0x4d: {  	_ =	shalt  }
0x4e: {  	_ =	shalt  }
0x4f: {  	_ =	shalt  }
0x50: {  	_ =	shalt  }
0x51: {  	_ =	shalt  }
0x52: {  	_ =	shalt  }
0x53: {  	_ =	shalt  }
0x54: {  	_ =	shalt  }
0x55: {  	_ =	shalt  }
0x56: {  	_ =	shalt  }
0x57: {  	_ =	shalt  }
0x58: {  	_ =	shalt  }
0x59: {  	_ =	shalt  }
0x5a: {  	_ =	shalt  }
0x5b: {  	_ =	shalt  }
0x5c: {  	_ =	shalt  }
0x5d: {  	_ =	shalt  }
0x5e: {  	_ =	shalt  }
0x5f: {  	_ =	shalt  }
0x60: {  	_ =	shalt  }
0x61: {  	_ =	shalt  }
0x62: {  	_ =	shalt  }
0x63: {  	_ =	shalt  }
0x64: {  	_ =	shalt  }
0x65: {  	_ =	shalt  }
0x66: {  	_ =	shalt  }
0x67: {  	_ =	shalt  }
0x68: {  	_ =	shalt  }
0x69: {  	_ =	shalt  }
0x6a: {  	_ =	shalt  }
0x6b: {  	_ =	shalt  }
0x6c: {  	_ =	shalt  }
0x6d: {  	_ =	shalt  }
0x6e: {  	_ =	shalt  }
0x6f: {  	_ =	shalt  }
0x70: {  	_ =	shalt  }
0x71: {  	_ =	shalt  }
0x72: {  	_ =	shalt  }
0x73: {  	_ =	shalt  }
0x74: {  	_ =	shalt  }
0x75: {  	_ =	shalt  }
0x76: {  	_ =	shalt  }
0x77: {  	_ =	shalt  }
0x78: {  	_ =	shalt  }
0x79: {  	_ =	shalt  }
0x7a: {  	_ =	shalt  }
0x7b: {  	_ =	shalt  }
0x7c: {  	_ =	shalt  }
0x7d: {  	_ =	shalt  }
0x7e: {  	_ =	shalt  }
0x7f: {  	_ =	shalt  }
0x80: {  	_ =	shalt  }
0x81: {  	_ =	shalt  }
0x82: {  	_ =	shalt  }
0x83: {  	_ =	shalt  }
0x84: {  	_ =	shalt  }
0x85: {  	_ =	shalt  }
0x86: {  	_ =	shalt  }
0x87: {  	_ =	shalt  }
.Lfunc_end0:
.L_simem_size_0:
called_computation_lowered:
.L_overlay_start_0:
0x88: {  	s2 =	sld [smem:$0x3FD9]  }
0x89: {  	s3 =	sld [smem:$0x3FFE];
	_ =	sdelay $0x1  }
0x8a: {  	s1 =	srdreg.scid  }
0x8b: {  	s0 =	sand.u32 $0x1, s1  }
0x8c: {  	s17 =	sshll.u32 s0, $0xA;
	s2 =	sadd.s32 s3, s2  }
0x8d: {  	s2 =	sadd.s32 s2, s17  }
0x8e: {  	[smem:$0x3FBE] =	sst s2  }
0x8f: {  	_ = 	snop  }
0x90: {  	s2 =	sld [smem:$0x3FD0];
	(tm) =	ssettm $0x1  }
0x91: {  	s18 =	sld [smem:$0x3FFB];
	_ =	sdelay $0x3  }
0x92: {  	_ =	strace s18  }
0x93: {  	s3 =	sld [smem:$0x3FFC];
	_ =	sdelay $0x3  }
0x94: {  	_ =	strace s3  }
0x95: {  	s3 =	sld [smem:$0x3FFD];
	_ =	sdelay $0x3  }
0x96: {  	_ =	strace s3  }
0x97: {  	_ =	strace $0x8FFFFFFF  }
0x98: {  	s19 =	sld [smem:$0x3FDB];
	_ =	sdelay $0x1  }
0x99: {  	s4 =	simm.s32 $_scs_section_size  }
0x9a: {  	s5 =	simm.s32 $_size__tile_overlayer_lowered;
	s6 =	simm.s32 $_tile_overlayer_lowered  }
0x9b: {  	s22 =	simm.s32 $0x1BFF;
	s21 =	sshll.u32 s6, $0x1;
	s3 =	sadd.s32 s4, s19  }
0x9c: {  	s7 =	simm.s32 $0x0;
	s20 =	sshll.u32 s5, $0x1;
	s5 =	sadd.s32 s21, s3  }
0x9d: {  	[timem:s7], [sflag:s22] =	dma.local [hbm:s5], s20  }
0x9e: {  	_ =	swait.ge [sflag:s22], s20  }
0x9f: {  	s4 =	ssub.s32 $0x0, s20;
	[sflag:s22] =	ssyncset.done $0x0  }
0xa0: {  	[sflag:s22] =	ssyncadd.s32 s4;
	_ =	sdelay $0x1  }
0xa1: {  	s23 =	simm.s32 $0x1B8B  }
0xa2: {  	_ =	swait.ge [sflag:s23], $0x1  }
0xa3: {  	[sflag:s23] =	ssyncset.done $0x0  }
0xa4: {  	s25 =	simm.s32 $0x1B8E;
	s24 =	sld [smem:$0x3FFE];
	[sflag:s23] =	ssyncadd.s32 $0xFFFFFFFF  }
0xa5: {  	s26 =	simm.s32 $execute0_lowered;
	[smem:$0x3FD2] =	sst s25  }
0xa6: {  	s5 =	sshll.u32 s26, $0x1;
	_ =	strace $0x80000046;
	[dreg:$0x1] =	wrdreg $0xFFFFFFFF  }
0xa7: {  	s28 =	simm.s32 $_size_execute0_lowered;
	s3 =	sadd.s32 s3, s5;
	[dreg:$0x0] =	wrdreg $0x0  }
0xa8: {  	s5 =	sshll.u32 s28, $0x1;
	[dreg:$0x2] =	wrdreg s3  }
0xa9: {  	[dreg:$0x3] =	wrdreg s5  }
0xaa: {  	[dreg:$0x4] =	wrdreg $0xC0  }
0xab: {  	_ =	task [dreg:s7], $0x5FFFF  }
0xac: {  	[dreg:$0x1] =	wrdreg $0xFFFFFFFF  }
0xad: {  	[dreg:$0x0] =	wrdreg $0x60  }
0xae: {  	[dreg:$0x2] =	wrdreg s24  }
0xaf: {  	[dreg:$0x3] =	wrdreg s2  }
0xb0: {  	[dreg:$0x4] =	wrdreg $0x59200  }
0xb1: {  	[dreg:$0x5] =	wrdreg $0x199200  }
0xb2: {  	[dreg:$0x6] =	wrdreg $0x9  }
0xb3: {  	_ =	task.clear_ibuf [dreg:s7], $0x7FFFF;
	_ =	strace $0x90000046  }
0xb4: {  	s29 =	simm.s32 $0x9;
	_ =	strace $0x80000048  }
0xb5: {  	_ =	swait.ge [sflag:s29], $0x1  }
0xb6: {  	[sflag:s29] =	ssyncadd.s32 $0xFFFFFFFF  }
0xb7: {  	_ =	strace $0x90000048  }
0xb8: {  	_ =	sfence  }
0xb9: {  	s30 =	sld [smem:$0x0];
	_ =	sdelay $0x2  }
0xba: {  	s31 =	sshll.u32 s1, $0xD;
	s1 =	sshrl.u32 s1, $0x2  }
0xbb: {  	s3 =	sand.u32 $0x4000, s31;
	s1 =	sadd.s32 s1, s30  }
0xbc: {  	s0 =	sor.u32 s3, s0;
	s1 =	sshll.u32 s1, $0x11  }
0xbd: {  	s0 =	sor.u32 s1, s0  }
0xbe: {  	s0 =	sadd.s32 $0x8F2B, s0  }
0xbf: {  	[sflag:s0] =	ssyncadd.remote.s32 $0x1  }
0xc0: {  	_ =	sfence.sel $0xFFFF  }
0xc1: {  	[dreg:$0x0] =	wrdreg $0xFFFFFFFF;
	(pc) =	sbr.abs _section_cstart, $3  }
0xc2: {  	[dreg:$0x1] =	wrdreg $0xFFFFFFFF  }
0xc3: {  	_ =	task.clear_ibuf [dreg:s7], $0x2FFFF;
	_ =	strace $0x9FFFFFFF  }
0xc4: {  	(tm) =	ssettm $0x7FFFFFFF  }
0xc5: {  	_ =	shalt  }
tec
execute0_lowered:
.L_overlay_start_1:
0x0: {  	(tag) =	ssettag $0x1  }
0x1: {  	s0 =	rddreg [dreg:$0x0];
	v0 =	vlaneseq.u32  }
0x2: {  	s1 =	rddreg [dreg:$0x1];
	v0 =	vmul.u32 $0x10, v0  }
0x3: {  	s2 =	rddreg [dreg:$0x2]  }
0x4: {  	s3 =	rddreg [dreg:$0x3];
	s4 =	simm.s32 $0x0;
	v1 =	vimm.f32 $0.0e+00;
	v2 =	vor.u32 $0x1, v0;
	v5 =	vor.u32 $0x4, v0  }
0x5: {  	s24 =	srdreg.scid;
	s16 =	stileid.u32;
	s20 =	simm.s32 $0x4;
	v6 =	vor.u32 $0x5, v0;
	v7 =	vor.u32 $0x6, v0;
	v8 =	vor.u32 $0x7, v0  }
0x6: {  	s28 =	simm.s32 $0x4900;
	s29 =	simm.s32 $0x1;
	s30 =	simm.s32 $0x2;
	v9 =	vor.u32 $0x100, v0;
	v10 =	vor.u32 $0x101, v0;
	v11 =	vor.u32 $0x102, v0  }
0x7: {  	s31 =	simm.s32 $0x3;
	s22 =	simm.s32 $0x0;
	[smem:$0x7FF] =	sst s4;
	v12 =	vor.u32 $0x103, v0;
	v13 =	vor.u32 $0x104, v0;
	v14 =	vor.u32 $0x105, v0  }
0x8: {  	s4 =	sand.u32 $0x1, s24;
	s5 =	smul.u32 $0x14000, s16;
	s6 =	sadd.s32 $0x2E00, s0;
	v15 =	vor.u32 $0x106, v0;
	v16 =	vor.u32 $0x107, v0;
	v17 =	vor.u32 $0x200, v0  }
0x9: {  	s7 =	sadd.s32 $0x2A200, s0;
	s8 =	sadd.s32 $0x39400, s0;
	s11 =	smul.u32 $0x2800, s16;
	v18 =	vor.u32 $0x201, v0;
	v19 =	vor.u32 $0x202, v0;
	v20 =	vor.u32 $0x203, v0  }
0xa: {  	s9 =	sadd.s32 $0x2F200, s0;
	s12 =	sadd.s32 $0x2A000, s0;
	s25 =	sadd.s32 $0x43C00, s0;
	v21 =	vor.u32 $0x204, v0;
	v22 =	vor.u32 $0x205, v0;
	v23 =	vor.u32 $0x206, v0  }
0xb: {  	s26 =	sshll.u32 s16, $0x6;
	s24 =	simm.s32 $0x80;
	s10 =	smul.u32 $0x140000, s4;
	v24 =	vor.u32 $0x207, v0;
	v25 =	vor.u32 $0x300, v0;
	v26 =	vor.u32 $0x301, v0  }
0xc: {  	s13 =	smul.u32 $0x28000, s4;
	s14 =	ssub.s32 $0x2, s4;
	s4 =	sshll.u32 s4, $0x4;
	v27 =	vor.u32 $0x302, v0;
	v28 =	vor.u32 $0x303, v0;
	v29 =	vor.u32 $0x304, v0  }
0xd: {  	s15 =	sshrl.u32 s14, $0x1;
	v30 =	vor.u32 $0x305, v0;
	s4 =	sor.u32 s16, s4;
	v31 =	vor.u32 $0x306, v0;
	v32 =	vor.u32 $0x307, v0;
	s10 =	sadd.s32 s5, s10  }
0xe: {  	v33 =	vor.u32 $0x400, v0;
	v34 =	vor.u32 $0x401, v0;
	v35 =	vor.u32 $0x402, v0;
	s13 =	sadd.s32 s11, s13;
	s18 =	ssub.s32 s14, s15;
	s5 =	sadd.s32 s5, s2  }
0xf: {  	v36 =	vor.u32 $0x403, v0;
	v37 =	vor.u32 $0x404, v0;
	v38 =	vor.u32 $0x405, v0;
	s11 =	sadd.s32 s11, s3;
	s14 =	sadd.s32 $0x2A010, s0;
	s15 =	smul.u32 $0x2880, s4  }
0x10: {  	v39 =	vor.u32 $0x406, v0;
	v40 =	vor.u32 $0x407, v0;
	[tilespmem:$0x1FFD0] =	vst v2;
	v2 =	vor.u32 $0x2, v0;
	s10 =	sshrl.u32 s10, $0x3;
	s13 =	sshrl.u32 s13, $0x3;
	s18 =	smax.u32 s18, $0x1  }
0x11: {  	v41 =	vor.u32 $0x500, v0;
	v42 =	vor.u32 $0x501, v0;
	[tilespmem:$0x1FFE0] =	vst v2;
	v2 =	vor.u32 $0x3, v0;
	s19 =	sshrl.u32 s5, $0x3;
	s21 =	sshrl.u32 s11, $0x3;
	s5 =	simm.s32 $0x0  }
0x12: {  	v43 =	vor.u32 $0x502, v0;
	v44 =	vor.u32 $0x503, v0;
	v45 =	vor.u32 $0x504, v0;
	[tilespmem:$0x1FFF0] =	vst v2;
	s10 =	sadd.s32 s10, s0;
	s17 =	sadd.s32 s13, s0;
	s13 =	sor.u32 $0x1C04, s26  }
0x13: {  	v46 =	vor.u32 $0x505, v0;
	v47 =	vor.u32 $0x506, v0;
	v48 =	vor.u32 $0x507, v0;
	s26 =	simm.s32 $0x4100;
	_ =	strace $0x80000047;
	[dreg:$0x5] =	wrdreg s12  }
0x14: {  	v49 =	vor.u32 $0x600, v0;
	v50 =	vor.u32 $0x601, v0;
	v51 =	vor.u32 $0x602, v0;
	[dreg:$0x6] =	wrdreg s25;
	s12 =	sadd.s32 $0x43600, s0;
	s16 =	sadd.s32 $0x46400, s10  }
0x15: {  	v52 =	vor.u32 $0x603, v0;
	v53 =	vor.u32 $0x604, v0;
	v54 =	vor.u32 $0x605, v0;
	s17 =	sadd.s32 $0x96400, s17;
	s25 =	simm.s32 $0x100;
	s0 =	simm.s32 $0x5100  }
.LBB2_1:
0x16: {  	s4 =	rddreg [dreg:$0x6]  }
0x17: {  	[spmem:s19], [sflag:s13] =	dma.local [hbm:s4], $0x2800  }
0x18: {  	_ =	swait.ge [sflag:s20], $0x2800  }
0x19: {  	[sflag:s20] =	ssyncset.done $0x0  }
0x1a: {  	[sflag:s20] =	ssyncadd.s32 $0xFFFFD800  }
0x1b: {  	[spmem:s21], [sflag:s13] =	dma.local [hbm:s12], $0x500  }
0x1c: {  	_ =	swait.ge [sflag:s20], $0x500  }
0x1d: {  	s11 =	simm.s32 $0x5900;
	[sflag:s20] =	ssyncset.done $0x0  }
0x1e: {  	s4 =	simm.s32 $0x0;
	s10 =	rddreg [dreg:$0x5];
	[sflag:s20] =	ssyncadd.s32 $0xFFFFFB00  }
0x1f: {  	[tilespmem:s11], [sflag:$0x4] =	stream.linear.gather [hbm4b:s10+s4], $0x10, $0x38;
	[tilespmem:$0x1C120] =	vst v63  }
0x20: {  	_ =	swait.ge [sflag:s20], $0x10  }
0x21: {  	[sflag:s20] =	ssyncset.done $0x0  }
0x22: {  	s23 =	simm.s32 $0x5910;
	[sflag:s20] =	ssyncadd.s32 $0xFFFFFFF0  }
0x23: {  	[tilespmem:s23], [sflag:$0x4] =	stream.linear.gather [hbm4b:s14+s4], $0x10, $0x38;
	[tilespmem:$0x1C120] =	vst v63  }
0x24: {  	_ =	swait.ge [sflag:s20], $0x10  }
0x25: {  	[sflag:s20] =	ssyncset.done $0x0  }
0x26: {  	[sflag:s20] =	ssyncadd.s32 $0xFFFFFFF0  }
0x27: {  	v2 =	vld [tilespmem:$0x5900]  }
0x28: {  	v55 =	vld [tilespmem:$0x5910];
	_ =	sdelay $0x4  }
0x29: {  	v2 =	vadd.f32 v55, v2;
	_ =	sdelay $0x1  }
0x2a: {  	v55 =	vmul.f32 $2.000000030e-01, v2  }
0x2b: {  	vm0 =	vgt.f32 v2, $0.0e+00  }
0x2c: {  	v2 =	vsel vm0, v2, v55  }
0x2d: {  	s10 =	simm.s32 $0x0;
	s4 =	simm.s32 $0x40;
	[tilespmem:$0x5900] =	vst v2  }
.LBB2_2:
0x2e: {  	p0 =	sne.s32 s4, $0x1FC0;
	[tilespmem:s10+$0x5100] =	vst v1;
	s10 =	smov.u32 s4;
	s4 =	sadd.s32 $0x40, s4  }
.Ltmp0:
0x2f: {  	(pc) =	sbr.rel @p0 .LBB2_2-.Ltmp0, $2  }
0x30: {  	_ =	sdelay $0x2  }
0x31: {  	s10 =	sshra.s32 s10, $0x2  }
0x32: {  	[tilespmem:s10+$0x5100] =	vst v1  }
0x33: {  	[bflag:$0x0] =	sbarrier.arrive $0xFFFF  }
0x34: {  	v2 =	vld [tilespmem:$0x5900];
	_ =	sdelay $0x4  }
0x35: {  	v55 =	vbroadcast v2, $0x0;
	v56 =	vbroadcast v2, $0x1  }
0x36: {  	v57 =	vbroadcast v2, $0x2;
	v58 =	vbroadcast v2, $0x3  }
0x37: {  	v59 =	vbroadcast v2, $0x4;
	v60 =	vbroadcast v2, $0x5  }
0x38: {  	s23 =	simm.s32 $0x0;
	v61 =	vbroadcast v2, $0x6;
	v62 =	vbroadcast v2, $0x7  }
.LBB2_4:
0x39: {  	s4 =	sshll.u32 s23, $0x7  }
0x3a: {  	s4 =	sadd.s32 s15, s4  }
0x3b: {  	s4 =	sshrl.u32 s4, $0x3  }
0x3c: {  	s10 =	sadd.s32 s8, s4  }
0x3d: {  	[tilespmem:s22], [sflag:$0x4] =	stream.linear.gather [hbm4b:s10+s22], $0x80, $0x38;
	[tilespmem:$0x1C120] =	vst v63  }
0x3e: {  	_ =	swait.ge [sflag:s20], $0x80  }
0x3f: {  	[sflag:s20] =	ssyncset.done $0x0  }
0x40: {  	s4 =	sadd.s32 s9, s4;
	[sflag:s20] =	ssyncadd.s32 $0xFFFFFF80  }
0x41: {  	[tilespmem:s24], [sflag:$0x4] =	stream.linear.gather [hbm4b:s4+s22], $0x80, $0x38;
	[tilespmem:$0x1C120] =	vst v63  }
0x42: {  	_ =	swait.ge [sflag:s20], $0x80  }
0x43: {  	[sflag:s20] =	ssyncset.done $0x0  }
0x44: {  	[sflag:s20] =	ssyncadd.s32 $0xFFFFFF80  }
0x45: {  	[tilespmem:s25], [sflag:$0x1] =	stream.indirect.gather [hbm4b:s6+s24], $0x80, s22, s24, $0xb8;
	[tilespmem:$0x1C120] =	vst v63  }
0x46: {  	_ = 	snop  }
0x47: {  	[tilespmem:s26], [sflag:$0x2] =	stream.indirect.gather [hbm4b:s1+s24], $0x10, s22, s24, $0xb8;
	[tilespmem:$0x1C120] =	vst v63  }
0x48: {  	_ = 	snop  }
0x49: {  	[tilespmem:s28], [sflag:$0x3] =	stream.indirect.gather [hbm4b:s7+s24], $0x10, s24, s24, $0xb8;
	[tilespmem:$0x1C120] =	vst v63  }
0x4a: {  	_ =	swait.ge [sflag:s29], $0x4000  }
0x4b: {  	[sflag:s29] =	ssyncset.done $0x0  }
0x4c: {  	[sflag:s29] =	ssyncadd.s32 $0xFFFFC000  }
0x4d: {  	_ =	swait.ge [sflag:s30], $0x800  }
0x4e: {  	[sflag:s30] =	ssyncset.done $0x0  }
0x4f: {  	[sflag:s30] =	ssyncadd.s32 $0xFFFFF800  }
0x50: {  	_ =	swait.ge [sflag:s31], $0x800  }
0x51: {  	[sflag:s31] =	ssyncset.done $0x0  }
0x52: {  	[sflag:s31] =	ssyncadd.s32 $0xFFFFF800  }
0x53: {  	v2 =	vld.idx.msk [tilespmem:v0+s26+$0x0], $0xffff  }
0x54: {  	v63 =	vld.idx.msk [tilespmem:v0+s28+$0x0], $0xffff;
	_ =	sdelay $0x4  }
0x55: {  	v2 =	vadd.f32 v63, v2;
	_ =	sdelay $0x1  }
0x56: {  	v63 =	vmul.f32 $2.000000030e-01, v2  }
0x57: {  	vm0 =	vgt.f32 v2, $0.0e+00  }
0x58: {  	v2 =	vsel vm0, v2, v63  }
0x59: {  	v2 =	vsub.f32 v2, v55;
	_ =	sdelay $0x1  }
0x5a: {  	v2 =	vmul.f32 $1.442695020e+00, v2;
	_ =	sdelay $0x1  }
0x5b: {  	(erf) = vpow2.f32 v2;
	_ =	sdelay $0x2  }
0x5c: {  	v3 =	vld [tilespmem:$0x1FFD0];
	_ =	sdelay $0x5  }
0x5d: {  	v2 =	vpop (erf)  }
0x5e: {  	[tilespmem:v0+s0+$0x0] =	vst.idx.msk $0xffff, v2  }
0x5f: {  	v2 =	vld.idx.msk [tilespmem:v3+s26+$0x0], $0xffff  }
0x60: {  	v63 =	vld.idx.msk [tilespmem:v3+s28+$0x0], $0xffff;
	_ =	sdelay $0x4  }
0x61: {  	v2 =	vadd.f32 v63, v2;
	_ =	sdelay $0x1  }
0x62: {  	v63 =	vmul.f32 $2.000000030e-01, v2  }
0x63: {  	vm13 =	vgt.f32 v2, $0.0e+00  }
0x64: {  	v2 =	vsel vm13, v2, v63  }
0x65: {  	v2 =	vsub.f32 v2, v56;
	_ =	sdelay $0x1  }
0x66: {  	v2 =	vmul.f32 $1.442695020e+00, v2;
	_ =	sdelay $0x1  }
0x67: {  	(erf) = vpow2.f32 v2;
	_ =	sdelay $0x8  }
0x68: {  	v2 =	vpop (erf)  }
0x69: {  	[tilespmem:v3+s0+$0x0] =	vst.idx.msk $0xffff, v2;
	v3 =	vld [tilespmem:$0x1FFE0];
	_ =	sdelay $0x7  }
0x6a: {  	v2 =	vld.idx.msk [tilespmem:v3+s26+$0x0], $0xffff  }
0x6b: {  	v63 =	vld.idx.msk [tilespmem:v3+s28+$0x0], $0xffff;
	_ =	sdelay $0x4  }
0x6c: {  	v2 =	vadd.f32 v63, v2;
	_ =	sdelay $0x1  }
0x6d: {  	v63 =	vmul.f32 $2.000000030e-01, v2  }
0x6e: {  	vm14 =	vgt.f32 v2, $0.0e+00  }
0x6f: {  	v2 =	vsel vm14, v2, v63  }
0x70: {  	v2 =	vsub.f32 v2, v57;
	_ =	sdelay $0x1  }
0x71: {  	v2 =	vmul.f32 $1.442695020e+00, v2;
	_ =	sdelay $0x1  }
0x72: {  	(erf) = vpow2.f32 v2;
	_ =	sdelay $0x8  }
0x73: {  	v2 =	vpop (erf)  }
0x74: {  	[tilespmem:v3+s0+$0x0] =	vst.idx.msk $0xffff, v2;
	v3 =	vld [tilespmem:$0x1FFF0];
	_ =	sdelay $0x7  }
0x75: {  	v2 =	vld.idx.msk [tilespmem:v3+s26+$0x0], $0xffff  }
0x76: {  	v63 =	vld.idx.msk [tilespmem:v3+s28+$0x0], $0xffff;
	_ =	sdelay $0x4  }
0x77: {  	v2 =	vadd.f32 v63, v2;
	_ =	sdelay $0x1  }
0x78: {  	v63 =	vmul.f32 $2.000000030e-01, v2  }
0x79: {  	vm15 =	vgt.f32 v2, $0.0e+00  }
0x7a: {  	v2 =	vsel vm15, v2, v63  }
0x7b: {  	v2 =	vsub.f32 v2, v58;
	_ =	sdelay $0x1  }
0x7c: {  	v2 =	vmul.f32 $1.442695020e+00, v2;
	_ =	sdelay $0x1  }
0x7d: {  	(erf) = vpow2.f32 v2;
	_ =	sdelay $0x8  }
0x7e: {  	v2 =	vpop (erf)  }
0x7f: {  	[tilespmem:v3+s0+$0x0] =	vst.idx.msk $0xffff, v2  }
0x80: {  	v2 =	vld.idx.msk [tilespmem:v5+s26+$0x0], $0xffff  }
0x81: {  	v63 =	vld.idx.msk [tilespmem:v5+s28+$0x0], $0xffff;
	_ =	sdelay $0x4  }
0x82: {  	v2 =	vadd.f32 v63, v2;
	_ =	sdelay $0x1  }
0x83: {  	v63 =	vmul.f32 $2.000000030e-01, v2  }
0x84: {  	vm4 =	vgt.f32 v2, $0.0e+00  }
0x85: {  	v2 =	vsel vm4, v2, v63  }
0x86: {  	v2 =	vsub.f32 v2, v59;
	_ =	sdelay $0x1  }
0x87: {  	v2 =	vmul.f32 $1.442695020e+00, v2;
	_ =	sdelay $0x1  }
0x88: {  	(erf) = vpow2.f32 v2;
	_ =	sdelay $0x8  }
0x89: {  	v2 =	vpop (erf)  }
0x8a: {  	[tilespmem:v5+s0+$0x0] =	vst.idx.msk $0xffff, v2  }
0x8b: {  	v2 =	vld.idx.msk [tilespmem:v6+s26+$0x0], $0xffff  }
0x8c: {  	v63 =	vld.idx.msk [tilespmem:v6+s28+$0x0], $0xffff;
	_ =	sdelay $0x4  }
0x8d: {  	v2 =	vadd.f32 v63, v2;
	_ =	sdelay $0x1  }
0x8e: {  	v63 =	vmul.f32 $2.000000030e-01, v2  }
0x8f: {  	vm5 =	vgt.f32 v2, $0.0e+00  }
0x90: {  	v2 =	vsel vm5, v2, v63  }
0x91: {  	v2 =	vsub.f32 v2, v60;
	_ =	sdelay $0x1  }
0x92: {  	v2 =	vmul.f32 $1.442695020e+00, v2;
	_ =	sdelay $0x1  }
0x93: {  	(erf) = vpow2.f32 v2;
	_ =	sdelay $0x8  }
0x94: {  	v2 =	vpop (erf)  }
0x95: {  	[tilespmem:v6+s0+$0x0] =	vst.idx.msk $0xffff, v2  }
0x96: {  	v2 =	vld.idx.msk [tilespmem:v7+s26+$0x0], $0xffff  }
0x97: {  	v63 =	vld.idx.msk [tilespmem:v7+s28+$0x0], $0xffff;
	_ =	sdelay $0x4  }
0x98: {  	v2 =	vadd.f32 v63, v2;
	_ =	sdelay $0x1  }
0x99: {  	v63 =	vmul.f32 $2.000000030e-01, v2  }
0x9a: {  	vm6 =	vgt.f32 v2, $0.0e+00  }
0x9b: {  	v2 =	vsel vm6, v2, v63  }
0x9c: {  	v2 =	vsub.f32 v2, v61;
	_ =	sdelay $0x1  }
0x9d: {  	v2 =	vmul.f32 $1.442695020e+00, v2;
	_ =	sdelay $0x1  }
0x9e: {  	(erf) = vpow2.f32 v2;
	_ =	sdelay $0x8  }
0x9f: {  	v2 =	vpop (erf)  }
0xa0: {  	[tilespmem:v7+s0+$0x0] =	vst.idx.msk $0xffff, v2  }
0xa1: {  	v2 =	vld.idx.msk [tilespmem:v8+s26+$0x0], $0xffff  }
0xa2: {  	v63 =	vld.idx.msk [tilespmem:v8+s28+$0x0], $0xffff;
	_ =	sdelay $0x4  }
0xa3: {  	v2 =	vadd.f32 v63, v2;
	_ =	sdelay $0x1  }
0xa4: {  	v63 =	vmul.f32 $2.000000030e-01, v2  }
0xa5: {  	vm7 =	vgt.f32 v2, $0.0e+00  }
0xa6: {  	v2 =	vsel vm7, v2, v63  }
0xa7: {  	v2 =	vsub.f32 v2, v62;
	_ =	sdelay $0x1  }
0xa8: {  	v2 =	vmul.f32 $1.442695020e+00, v2;
	_ =	sdelay $0x1  }
0xa9: {  	(erf) = vpow2.f32 v2;
	_ =	sdelay $0x8  }
0xaa: {  	v2 =	vpop (erf)  }
0xab: {  	[tilespmem:v8+s0+$0x0] =	vst.idx.msk $0xffff, v2  }
0xac: {  	v2 =	vld.idx.msk [tilespmem:v9+s26+$0x0], $0xffff  }
0xad: {  	v63 =	vld.idx.msk [tilespmem:v9+s28+$0x0], $0xffff;
	_ =	sdelay $0x4  }
0xae: {  	v2 =	vadd.f32 v63, v2;
	_ =	sdelay $0x1  }
0xaf: {  	v63 =	vmul.f32 $2.000000030e-01, v2  }
0xb0: {  	vm8 =	vgt.f32 v2, $0.0e+00  }
0xb1: {  	v2 =	vsel vm8, v2, v63  }
0xb2: {  	v2 =	vsub.f32 v2, v55;
	_ =	sdelay $0x1  }
0xb3: {  	v2 =	vmul.f32 $1.442695020e+00, v2;
	_ =	sdelay $0x1  }
0xb4: {  	(erf) = vpow2.f32 v2;
	_ =	sdelay $0x8  }
0xb5: {  	v2 =	vpop (erf)  }
0xb6: {  	[tilespmem:v9+s0+$0x0] =	vst.idx.msk $0xffff, v2  }
0xb7: {  	v2 =	vld.idx.msk [tilespmem:v10+s26+$0x0], $0xffff  }
0xb8: {  	v63 =	vld.idx.msk [tilespmem:v10+s28+$0x0], $0xffff;
	_ =	sdelay $0x4  }
0xb9: {  	v2 =	vadd.f32 v63, v2;
	_ =	sdelay $0x1  }
0xba: {  	v63 =	vmul.f32 $2.000000030e-01, v2  }
0xbb: {  	vm9 =	vgt.f32 v2, $0.0e+00  }
0xbc: {  	v2 =	vsel vm9, v2, v63  }
0xbd: {  	v2 =	vsub.f32 v2, v56;
	_ =	sdelay $0x1  }
0xbe: {  	v2 =	vmul.f32 $1.442695020e+00, v2;
	_ =	sdelay $0x1  }
0xbf: {  	(erf) = vpow2.f32 v2;
	_ =	sdelay $0x8  }
0xc0: {  	v2 =	vpop (erf)  }
0xc1: {  	[tilespmem:v10+s0+$0x0] =	vst.idx.msk $0xffff, v2  }
0xc2: {  	v2 =	vld.idx.msk [tilespmem:v11+s26+$0x0], $0xffff  }
0xc3: {  	v63 =	vld.idx.msk [tilespmem:v11+s28+$0x0], $0xffff;
	_ =	sdelay $0x4  }
0xc4: {  	v2 =	vadd.f32 v63, v2;
	_ =	sdelay $0x1  }
0xc5: {  	v63 =	vmul.f32 $2.000000030e-01, v2  }
0xc6: {  	vm10 =	vgt.f32 v2, $0.0e+00  }
0xc7: {  	v2 =	vsel vm10, v2, v63  }
0xc8: {  	v2 =	vsub.f32 v2, v57;
	_ =	sdelay $0x1  }
0xc9: {  	v2 =	vmul.f32 $1.442695020e+00, v2;
	_ =	sdelay $0x1  }
0xca: {  	(erf) = vpow2.f32 v2;
	_ =	sdelay $0x8  }
0xcb: {  	v2 =	vpop (erf)  }
0xcc: {  	[tilespmem:v11+s0+$0x0] =	vst.idx.msk $0xffff, v2  }
0xcd: {  	v2 =	vld.idx.msk [tilespmem:v12+s26+$0x0], $0xffff  }
0xce: {  	v63 =	vld.idx.msk [tilespmem:v12+s28+$0x0], $0xffff;
	_ =	sdelay $0x4  }
0xcf: {  	v2 =	vadd.f32 v63, v2;
	_ =	sdelay $0x1  }
0xd0: {  	v63 =	vmul.f32 $2.000000030e-01, v2  }
0xd1: {  	vm11 =	vgt.f32 v2, $0.0e+00  }
0xd2: {  	v2 =	vsel vm11, v2, v63  }
0xd3: {  	v2 =	vsub.f32 v2, v58;
	_ =	sdelay $0x1  }
0xd4: {  	v2 =	vmul.f32 $1.442695020e+00, v2;
	_ =	sdelay $0x1  }
0xd5: {  	(erf) = vpow2.f32 v2;
	_ =	sdelay $0x8  }
0xd6: {  	v2 =	vpop (erf)  }
0xd7: {  	[tilespmem:v12+s0+$0x0] =	vst.idx.msk $0xffff, v2  }
0xd8: {  	v2 =	vld.idx.msk [tilespmem:v13+s26+$0x0], $0xffff  }
0xd9: {  	v63 =	vld.idx.msk [tilespmem:v13+s28+$0x0], $0xffff;
	_ =	sdelay $0x4  }
0xda: {  	v2 =	vadd.f32 v63, v2;
	_ =	sdelay $0x1  }
0xdb: {  	v63 =	vmul.f32 $2.000000030e-01, v2  }
0xdc: {  	vm12 =	vgt.f32 v2, $0.0e+00  }
0xdd: {  	v2 =	vsel vm12, v2, v63  }
0xde: {  	v2 =	vsub.f32 v2, v59;
	_ =	sdelay $0x1  }
0xdf: {  	v2 =	vmul.f32 $1.442695020e+00, v2;
	_ =	sdelay $0x1  }
0xe0: {  	(erf) = vpow2.f32 v2;
	_ =	sdelay $0x8  }
0xe1: {  	v2 =	vpop (erf)  }
0xe2: {  	[tilespmem:v13+s0+$0x0] =	vst.idx.msk $0xffff, v2  }
0xe3: {  	v2 =	vld.idx.msk [tilespmem:v14+s26+$0x0], $0xffff  }
0xe4: {  	v63 =	vld.idx.msk [tilespmem:v14+s28+$0x0], $0xffff;
	_ =	sdelay $0x4  }
0xe5: {  	v2 =	vadd.f32 v63, v2;
	_ =	sdelay $0x1  }
0xe6: {  	v63 =	vmul.f32 $2.000000030e-01, v2  }
0xe7: {  	vm13 =	vgt.f32 v2, $0.0e+00  }
0xe8: {  	v2 =	vsel vm13, v2, v63  }
0xe9: {  	v2 =	vsub.f32 v2, v60;
	_ =	sdelay $0x1  }
0xea: {  	v2 =	vmul.f32 $1.442695020e+00, v2;
	_ =	sdelay $0x1  }
0xeb: {  	(erf) = vpow2.f32 v2;
	_ =	sdelay $0x8  }
0xec: {  	v2 =	vpop (erf)  }
0xed: {  	[tilespmem:v14+s0+$0x0] =	vst.idx.msk $0xffff, v2  }
0xee: {  	v2 =	vld.idx.msk [tilespmem:v15+s26+$0x0], $0xffff  }
0xef: {  	v63 =	vld.idx.msk [tilespmem:v15+s28+$0x0], $0xffff;
	_ =	sdelay $0x4  }
0xf0: {  	v2 =	vadd.f32 v63, v2;
	_ =	sdelay $0x1  }
0xf1: {  	v63 =	vmul.f32 $2.000000030e-01, v2  }
0xf2: {  	vm14 =	vgt.f32 v2, $0.0e+00  }
0xf3: {  	v2 =	vsel vm14, v2, v63  }
0xf4: {  	v2 =	vsub.f32 v2, v61;
	_ =	sdelay $0x1  }
0xf5: {  	v2 =	vmul.f32 $1.442695020e+00, v2;
	_ =	sdelay $0x1  }
0xf6: {  	(erf) = vpow2.f32 v2;
	_ =	sdelay $0x8  }
0xf7: {  	v2 =	vpop (erf)  }
0xf8: {  	[tilespmem:v15+s0+$0x0] =	vst.idx.msk $0xffff, v2  }
0xf9: {  	v2 =	vld.idx.msk [tilespmem:v16+s26+$0x0], $0xffff  }
0xfa: {  	v63 =	vld.idx.msk [tilespmem:v16+s28+$0x0], $0xffff;
	_ =	sdelay $0x4  }
0xfb: {  	v2 =	vadd.f32 v63, v2;
	_ =	sdelay $0x1  }
0xfc: {  	v63 =	vmul.f32 $2.000000030e-01, v2  }
0xfd: {  	vm15 =	vgt.f32 v2, $0.0e+00  }
0xfe: {  	v2 =	vsel vm15, v2, v63  }
0xff: {  	v2 =	vsub.f32 v2, v62;
	_ =	sdelay $0x1  }
0x100: {  	v2 =	vmul.f32 $1.442695020e+00, v2;
	_ =	sdelay $0x1  }
0x101: {  	(erf) = vpow2.f32 v2;
	_ =	sdelay $0x8  }
0x102: {  	v2 =	vpop (erf)  }
0x103: {  	[tilespmem:v16+s0+$0x0] =	vst.idx.msk $0xffff, v2  }
0x104: {  	v2 =	vld.idx.msk [tilespmem:v17+s26+$0x0], $0xffff  }
0x105: {  	v63 =	vld.idx.msk [tilespmem:v17+s28+$0x0], $0xffff;
	_ =	sdelay $0x4  }
0x106: {  	v2 =	vadd.f32 v63, v2;
	_ =	sdelay $0x1  }
0x107: {  	v63 =	vmul.f32 $2.000000030e-01, v2  }
0x108: {  	vm4 =	vgt.f32 v2, $0.0e+00  }
0x109: {  	v2 =	vsel vm4, v2, v63  }
0x10a: {  	v2 =	vsub.f32 v2, v55;
	_ =	sdelay $0x1  }
0x10b: {  	v2 =	vmul.f32 $1.442695020e+00, v2;
	_ =	sdelay $0x1  }
0x10c: {  	(erf) = vpow2.f32 v2;
	_ =	sdelay $0x8  }
0x10d: {  	v2 =	vpop (erf)  }
0x10e: {  	[tilespmem:v17+s0+$0x0] =	vst.idx.msk $0xffff, v2  }
0x10f: {  	v2 =	vld.idx.msk [tilespmem:v18+s26+$0x0], $0xffff  }
0x110: {  	v63 =	vld.idx.msk [tilespmem:v18+s28+$0x0], $0xffff;
	_ =	sdelay $0x4  }
0x111: {  	v2 =	vadd.f32 v63, v2;
	_ =	sdelay $0x1  }
0x112: {  	v63 =	vmul.f32 $2.000000030e-01, v2  }
0x113: {  	vm5 =	vgt.f32 v2, $0.0e+00  }
0x114: {  	v2 =	vsel vm5, v2, v63  }
0x115: {  	v2 =	vsub.f32 v2, v56;
	_ =	sdelay $0x1  }
0x116: {  	v2 =	vmul.f32 $1.442695020e+00, v2;
	_ =	sdelay $0x1  }
0x117: {  	(erf) = vpow2.f32 v2;
	_ =	sdelay $0x8  }
0x118: {  	v2 =	vpop (erf)  }
0x119: {  	[tilespmem:v18+s0+$0x0] =	vst.idx.msk $0xffff, v2  }
0x11a: {  	v2 =	vld.idx.msk [tilespmem:v19+s26+$0x0], $0xffff  }
0x11b: {  	v63 =	vld.idx.msk [tilespmem:v19+s28+$0x0], $0xffff;
	_ =	sdelay $0x4  }
0x11c: {  	v2 =	vadd.f32 v63, v2;
	_ =	sdelay $0x1  }
0x11d: {  	v63 =	vmul.f32 $2.000000030e-01, v2  }
0x11e: {  	vm6 =	vgt.f32 v2, $0.0e+00  }
0x11f: {  	v2 =	vsel vm6, v2, v63  }
0x120: {  	v2 =	vsub.f32 v2, v57;
	_ =	sdelay $0x1  }
0x121: {  	v2 =	vmul.f32 $1.442695020e+00, v2;
	_ =	sdelay $0x1  }
0x122: {  	(erf) = vpow2.f32 v2;
	_ =	sdelay $0x8  }
0x123: {  	v2 =	vpop (erf)  }
0x124: {  	[tilespmem:v19+s0+$0x0] =	vst.idx.msk $0xffff, v2  }
0x125: {  	v2 =	vld.idx.msk [tilespmem:v20+s26+$0x0], $0xffff  }
0x126: {  	v63 =	vld.idx.msk [tilespmem:v20+s28+$0x0], $0xffff;
	_ =	sdelay $0x4  }
0x127: {  	v2 =	vadd.f32 v63, v2;
	_ =	sdelay $0x1  }
0x128: {  	v63 =	vmul.f32 $2.000000030e-01, v2  }
0x129: {  	vm7 =	vgt.f32 v2, $0.0e+00  }
0x12a: {  	v2 =	vsel vm7, v2, v63  }
0x12b: {  	v2 =	vsub.f32 v2, v58;
	_ =	sdelay $0x1  }
0x12c: {  	v2 =	vmul.f32 $1.442695020e+00, v2;
	_ =	sdelay $0x1  }
0x12d: {  	(erf) = vpow2.f32 v2;
	_ =	sdelay $0x8  }
0x12e: {  	v2 =	vpop (erf)  }
0x12f: {  	[tilespmem:v20+s0+$0x0] =	vst.idx.msk $0xffff, v2  }
0x130: {  	v2 =	vld.idx.msk [tilespmem:v21+s26+$0x0], $0xffff  }
0x131: {  	v63 =	vld.idx.msk [tilespmem:v21+s28+$0x0], $0xffff;
	_ =	sdelay $0x4  }
0x132: {  	v2 =	vadd.f32 v63, v2;
	_ =	sdelay $0x1  }
0x133: {  	v63 =	vmul.f32 $2.000000030e-01, v2  }
0x134: {  	vm8 =	vgt.f32 v2, $0.0e+00  }
0x135: {  	v2 =	vsel vm8, v2, v63  }
0x136: {  	v2 =	vsub.f32 v2, v59;
	_ =	sdelay $0x1  }
0x137: {  	v2 =	vmul.f32 $1.442695020e+00, v2;
	_ =	sdelay $0x1  }
0x138: {  	(erf) = vpow2.f32 v2;
	_ =	sdelay $0x8  }
0x139: {  	v2 =	vpop (erf)  }
0x13a: {  	[tilespmem:v21+s0+$0x0] =	vst.idx.msk $0xffff, v2  }
0x13b: {  	v2 =	vld.idx.msk [tilespmem:v22+s26+$0x0], $0xffff  }
0x13c: {  	v63 =	vld.idx.msk [tilespmem:v22+s28+$0x0], $0xffff;
	_ =	sdelay $0x4  }
0x13d: {  	v2 =	vadd.f32 v63, v2;
	_ =	sdelay $0x1  }
0x13e: {  	v63 =	vmul.f32 $2.000000030e-01, v2  }
0x13f: {  	vm9 =	vgt.f32 v2, $0.0e+00  }
0x140: {  	v2 =	vsel vm9, v2, v63  }
0x141: {  	v2 =	vsub.f32 v2, v60;
	_ =	sdelay $0x1  }
0x142: {  	v2 =	vmul.f32 $1.442695020e+00, v2;
	_ =	sdelay $0x1  }
0x143: {  	(erf) = vpow2.f32 v2;
	_ =	sdelay $0x8  }
0x144: {  	v2 =	vpop (erf)  }
0x145: {  	[tilespmem:v22+s0+$0x0] =	vst.idx.msk $0xffff, v2  }
0x146: {  	v2 =	vld.idx.msk [tilespmem:v23+s26+$0x0], $0xffff  }
0x147: {  	v63 =	vld.idx.msk [tilespmem:v23+s28+$0x0], $0xffff;
	_ =	sdelay $0x4  }
0x148: {  	v2 =	vadd.f32 v63, v2;
	_ =	sdelay $0x1  }
0x149: {  	v63 =	vmul.f32 $2.000000030e-01, v2  }
0x14a: {  	vm10 =	vgt.f32 v2, $0.0e+00  }
0x14b: {  	v2 =	vsel vm10, v2, v63  }
0x14c: {  	v2 =	vsub.f32 v2, v61;
	_ =	sdelay $0x1  }
0x14d: {  	v2 =	vmul.f32 $1.442695020e+00, v2;
	_ =	sdelay $0x1  }
0x14e: {  	(erf) = vpow2.f32 v2;
	_ =	sdelay $0x8  }
0x14f: {  	v2 =	vpop (erf)  }
0x150: {  	[tilespmem:v23+s0+$0x0] =	vst.idx.msk $0xffff, v2  }
0x151: {  	v2 =	vld.idx.msk [tilespmem:v24+s26+$0x0], $0xffff  }
0x152: {  	v63 =	vld.idx.msk [tilespmem:v24+s28+$0x0], $0xffff;
	_ =	sdelay $0x4  }
0x153: {  	v2 =	vadd.f32 v63, v2;
	_ =	sdelay $0x1  }
0x154: {  	v63 =	vmul.f32 $2.000000030e-01, v2  }
0x155: {  	vm11 =	vgt.f32 v2, $0.0e+00  }
0x156: {  	v2 =	vsel vm11, v2, v63  }
0x157: {  	v2 =	vsub.f32 v2, v62;
	_ =	sdelay $0x1  }
0x158: {  	v2 =	vmul.f32 $1.442695020e+00, v2;
	_ =	sdelay $0x1  }
0x159: {  	(erf) = vpow2.f32 v2;
	_ =	sdelay $0x8  }
0x15a: {  	v2 =	vpop (erf)  }
0x15b: {  	[tilespmem:v24+s0+$0x0] =	vst.idx.msk $0xffff, v2  }
0x15c: {  	v2 =	vld.idx.msk [tilespmem:v25+s26+$0x0], $0xffff  }
0x15d: {  	v63 =	vld.idx.msk [tilespmem:v25+s28+$0x0], $0xffff;
	_ =	sdelay $0x4  }
0x15e: {  	v2 =	vadd.f32 v63, v2;
	_ =	sdelay $0x1  }
0x15f: {  	v63 =	vmul.f32 $2.000000030e-01, v2  }
0x160: {  	vm12 =	vgt.f32 v2, $0.0e+00  }
0x161: {  	v2 =	vsel vm12, v2, v63  }
0x162: {  	v2 =	vsub.f32 v2, v55;
	_ =	sdelay $0x1  }
0x163: {  	v2 =	vmul.f32 $1.442695020e+00, v2;
	_ =	sdelay $0x1  }
0x164: {  	(erf) = vpow2.f32 v2;
	_ =	sdelay $0x8  }
0x165: {  	v2 =	vpop (erf)  }
0x166: {  	[tilespmem:v25+s0+$0x0] =	vst.idx.msk $0xffff, v2  }
0x167: {  	v2 =	vld.idx.msk [tilespmem:v26+s26+$0x0], $0xffff  }
0x168: {  	v63 =	vld.idx.msk [tilespmem:v26+s28+$0x0], $0xffff;
	_ =	sdelay $0x4  }
0x169: {  	v2 =	vadd.f32 v63, v2;
	_ =	sdelay $0x1  }
0x16a: {  	v63 =	vmul.f32 $2.000000030e-01, v2  }
0x16b: {  	vm13 =	vgt.f32 v2, $0.0e+00  }
0x16c: {  	v2 =	vsel vm13, v2, v63  }
0x16d: {  	v2 =	vsub.f32 v2, v56;
	_ =	sdelay $0x1  }
0x16e: {  	v2 =	vmul.f32 $1.442695020e+00, v2;
	_ =	sdelay $0x1  }
0x16f: {  	(erf) = vpow2.f32 v2;
	_ =	sdelay $0x8  }
0x170: {  	v2 =	vpop (erf)  }
0x171: {  	[tilespmem:v26+s0+$0x0] =	vst.idx.msk $0xffff, v2  }
0x172: {  	v2 =	vld.idx.msk [tilespmem:v27+s26+$0x0], $0xffff  }
0x173: {  	v63 =	vld.idx.msk [tilespmem:v27+s28+$0x0], $0xffff;
	_ =	sdelay $0x4  }
0x174: {  	v2 =	vadd.f32 v63, v2;
	_ =	sdelay $0x1  }
0x175: {  	v63 =	vmul.f32 $2.000000030e-01, v2  }
0x176: {  	vm14 =	vgt.f32 v2, $0.0e+00  }
0x177: {  	v2 =	vsel vm14, v2, v63  }
0x178: {  	v2 =	vsub.f32 v2, v57;
	_ =	sdelay $0x1  }
0x179: {  	v2 =	vmul.f32 $1.442695020e+00, v2;
	_ =	sdelay $0x1  }
0x17a: {  	(erf) = vpow2.f32 v2;
	_ =	sdelay $0x8  }
0x17b: {  	v2 =	vpop (erf)  }
0x17c: {  	[tilespmem:v27+s0+$0x0] =	vst.idx.msk $0xffff, v2  }
0x17d: {  	v2 =	vld.idx.msk [tilespmem:v28+s26+$0x0], $0xffff  }
0x17e: {  	v63 =	vld.idx.msk [tilespmem:v28+s28+$0x0], $0xffff;
	_ =	sdelay $0x4  }
0x17f: {  	v2 =	vadd.f32 v63, v2;
	_ =	sdelay $0x1  }
0x180: {  	v63 =	vmul.f32 $2.000000030e-01, v2  }
0x181: {  	vm15 =	vgt.f32 v2, $0.0e+00  }
0x182: {  	v2 =	vsel vm15, v2, v63  }
0x183: {  	v2 =	vsub.f32 v2, v58;
	_ =	sdelay $0x1  }
0x184: {  	v2 =	vmul.f32 $1.442695020e+00, v2;
	_ =	sdelay $0x1  }
0x185: {  	(erf) = vpow2.f32 v2;
	_ =	sdelay $0x8  }
0x186: {  	v2 =	vpop (erf)  }
0x187: {  	[tilespmem:v28+s0+$0x0] =	vst.idx.msk $0xffff, v2  }
0x188: {  	v2 =	vld.idx.msk [tilespmem:v29+s26+$0x0], $0xffff  }
0x189: {  	v63 =	vld.idx.msk [tilespmem:v29+s28+$0x0], $0xffff;
	_ =	sdelay $0x4  }
0x18a: {  	v2 =	vadd.f32 v63, v2;
	_ =	sdelay $0x1  }
0x18b: {  	v63 =	vmul.f32 $2.000000030e-01, v2  }
0x18c: {  	vm4 =	vgt.f32 v2, $0.0e+00  }
0x18d: {  	v2 =	vsel vm4, v2, v63  }
0x18e: {  	v2 =	vsub.f32 v2, v59;
	_ =	sdelay $0x1  }
0x18f: {  	v2 =	vmul.f32 $1.442695020e+00, v2;
	_ =	sdelay $0x1  }
0x190: {  	(erf) = vpow2.f32 v2;
	_ =	sdelay $0x8  }
0x191: {  	v2 =	vpop (erf)  }
0x192: {  	[tilespmem:v29+s0+$0x0] =	vst.idx.msk $0xffff, v2  }
0x193: {  	v2 =	vld.idx.msk [tilespmem:v30+s26+$0x0], $0xffff  }
0x194: {  	v63 =	vld.idx.msk [tilespmem:v30+s28+$0x0], $0xffff;
	_ =	sdelay $0x4  }
0x195: {  	v2 =	vadd.f32 v63, v2;
	_ =	sdelay $0x1  }
0x196: {  	v63 =	vmul.f32 $2.000000030e-01, v2  }
0x197: {  	vm5 =	vgt.f32 v2, $0.0e+00  }
0x198: {  	v2 =	vsel vm5, v2, v63  }
0x199: {  	v2 =	vsub.f32 v2, v60;
	_ =	sdelay $0x1  }
0x19a: {  	v2 =	vmul.f32 $1.442695020e+00, v2;
	_ =	sdelay $0x1  }
0x19b: {  	(erf) = vpow2.f32 v2;
	_ =	sdelay $0x8  }
0x19c: {  	v2 =	vpop (erf)  }
0x19d: {  	[tilespmem:v30+s0+$0x0] =	vst.idx.msk $0xffff, v2  }
0x19e: {  	v2 =	vld.idx.msk [tilespmem:v31+s26+$0x0], $0xffff  }
0x19f: {  	v63 =	vld.idx.msk [tilespmem:v31+s28+$0x0], $0xffff;
	_ =	sdelay $0x4  }
0x1a0: {  	v2 =	vadd.f32 v63, v2;
	_ =	sdelay $0x1  }
0x1a1: {  	v63 =	vmul.f32 $2.000000030e-01, v2  }
0x1a2: {  	vm6 =	vgt.f32 v2, $0.0e+00  }
0x1a3: {  	v2 =	vsel vm6, v2, v63  }
0x1a4: {  	v2 =	vsub.f32 v2, v61;
	_ =	sdelay $0x1  }
0x1a5: {  	v2 =	vmul.f32 $1.442695020e+00, v2;
	_ =	sdelay $0x1  }
0x1a6: {  	(erf) = vpow2.f32 v2;
	_ =	sdelay $0x8  }
0x1a7: {  	v2 =	vpop (erf)  }
0x1a8: {  	[tilespmem:v31+s0+$0x0] =	vst.idx.msk $0xffff, v2  }
0x1a9: {  	v2 =	vld.idx.msk [tilespmem:v32+s26+$0x0], $0xffff  }
0x1aa: {  	v63 =	vld.idx.msk [tilespmem:v32+s28+$0x0], $0xffff;
	_ =	sdelay $0x4  }
0x1ab: {  	v2 =	vadd.f32 v63, v2;
	_ =	sdelay $0x1  }
0x1ac: {  	v63 =	vmul.f32 $2.000000030e-01, v2  }
0x1ad: {  	vm7 =	vgt.f32 v2, $0.0e+00  }
0x1ae: {  	v2 =	vsel vm7, v2, v63  }
0x1af: {  	v2 =	vsub.f32 v2, v62;
	_ =	sdelay $0x1  }
0x1b0: {  	v2 =	vmul.f32 $1.442695020e+00, v2;
	_ =	sdelay $0x1  }
0x1b1: {  	(erf) = vpow2.f32 v2;
	_ =	sdelay $0x8  }
0x1b2: {  	v2 =	vpop (erf)  }
0x1b3: {  	[tilespmem:v32+s0+$0x0] =	vst.idx.msk $0xffff, v2  }
0x1b4: {  	v2 =	vld.idx.msk [tilespmem:v33+s26+$0x0], $0xffff  }
0x1b5: {  	v63 =	vld.idx.msk [tilespmem:v33+s28+$0x0], $0xffff;
	_ =	sdelay $0x4  }
0x1b6: {  	v2 =	vadd.f32 v63, v2;
	_ =	sdelay $0x1  }
0x1b7: {  	v63 =	vmul.f32 $2.000000030e-01, v2  }
0x1b8: {  	vm8 =	vgt.f32 v2, $0.0e+00  }
0x1b9: {  	v2 =	vsel vm8, v2, v63  }
0x1ba: {  	v2 =	vsub.f32 v2, v55;
	_ =	sdelay $0x1  }
0x1bb: {  	v2 =	vmul.f32 $1.442695020e+00, v2;
	_ =	sdelay $0x1  }
0x1bc: {  	(erf) = vpow2.f32 v2;
	_ =	sdelay $0x8  }
0x1bd: {  	v2 =	vpop (erf)  }
0x1be: {  	[tilespmem:v33+s0+$0x0] =	vst.idx.msk $0xffff, v2  }
0x1bf: {  	v2 =	vld.idx.msk [tilespmem:v34+s26+$0x0], $0xffff  }
0x1c0: {  	v63 =	vld.idx.msk [tilespmem:v34+s28+$0x0], $0xffff;
	_ =	sdelay $0x4  }
0x1c1: {  	v2 =	vadd.f32 v63, v2;
	_ =	sdelay $0x1  }
0x1c2: {  	v63 =	vmul.f32 $2.000000030e-01, v2  }
0x1c3: {  	vm9 =	vgt.f32 v2, $0.0e+00  }
0x1c4: {  	v2 =	vsel vm9, v2, v63  }
0x1c5: {  	v2 =	vsub.f32 v2, v56;
	_ =	sdelay $0x1  }
0x1c6: {  	v2 =	vmul.f32 $1.442695020e+00, v2;
	_ =	sdelay $0x1  }
0x1c7: {  	(erf) = vpow2.f32 v2;
	_ =	sdelay $0x8  }
0x1c8: {  	v2 =	vpop (erf)  }
0x1c9: {  	[tilespmem:v34+s0+$0x0] =	vst.idx.msk $0xffff, v2  }
0x1ca: {  	v2 =	vld.idx.msk [tilespmem:v35+s26+$0x0], $0xffff  }
0x1cb: {  	v63 =	vld.idx.msk [tilespmem:v35+s28+$0x0], $0xffff;
	_ =	sdelay $0x4  }
0x1cc: {  	v2 =	vadd.f32 v63, v2;
	_ =	sdelay $0x1  }
0x1cd: {  	v63 =	vmul.f32 $2.000000030e-01, v2  }
0x1ce: {  	vm10 =	vgt.f32 v2, $0.0e+00  }
0x1cf: {  	v2 =	vsel vm10, v2, v63  }
0x1d0: {  	v2 =	vsub.f32 v2, v57;
	_ =	sdelay $0x1  }
0x1d1: {  	v2 =	vmul.f32 $1.442695020e+00, v2;
	_ =	sdelay $0x1  }
0x1d2: {  	(erf) = vpow2.f32 v2;
	_ =	sdelay $0x8  }
0x1d3: {  	v2 =	vpop (erf)  }
0x1d4: {  	[tilespmem:v35+s0+$0x0] =	vst.idx.msk $0xffff, v2  }
0x1d5: {  	v2 =	vld.idx.msk [tilespmem:v36+s26+$0x0], $0xffff  }
0x1d6: {  	v63 =	vld.idx.msk [tilespmem:v36+s28+$0x0], $0xffff;
	_ =	sdelay $0x4  }
0x1d7: {  	v2 =	vadd.f32 v63, v2;
	_ =	sdelay $0x1  }
0x1d8: {  	v63 =	vmul.f32 $2.000000030e-01, v2  }
0x1d9: {  	vm11 =	vgt.f32 v2, $0.0e+00  }
0x1da: {  	v2 =	vsel vm11, v2, v63  }
0x1db: {  	v2 =	vsub.f32 v2, v58;
	_ =	sdelay $0x1  }
0x1dc: {  	v2 =	vmul.f32 $1.442695020e+00, v2;
	_ =	sdelay $0x1  }
0x1dd: {  	(erf) = vpow2.f32 v2;
	_ =	sdelay $0x8  }
0x1de: {  	v2 =	vpop (erf)  }
0x1df: {  	[tilespmem:v36+s0+$0x0] =	vst.idx.msk $0xffff, v2  }
0x1e0: {  	v2 =	vld.idx.msk [tilespmem:v37+s26+$0x0], $0xffff  }
0x1e1: {  	v63 =	vld.idx.msk [tilespmem:v37+s28+$0x0], $0xffff;
	_ =	sdelay $0x4  }
0x1e2: {  	v2 =	vadd.f32 v63, v2;
	_ =	sdelay $0x1  }
0x1e3: {  	v63 =	vmul.f32 $2.000000030e-01, v2  }
0x1e4: {  	vm12 =	vgt.f32 v2, $0.0e+00  }
0x1e5: {  	v2 =	vsel vm12, v2, v63  }
0x1e6: {  	v2 =	vsub.f32 v2, v59;
	_ =	sdelay $0x1  }
0x1e7: {  	v2 =	vmul.f32 $1.442695020e+00, v2;
	_ =	sdelay $0x1  }
0x1e8: {  	(erf) = vpow2.f32 v2;
	_ =	sdelay $0x8  }
0x1e9: {  	v2 =	vpop (erf)  }
0x1ea: {  	[tilespmem:v37+s0+$0x0] =	vst.idx.msk $0xffff, v2  }
0x1eb: {  	v2 =	vld.idx.msk [tilespmem:v38+s26+$0x0], $0xffff  }
0x1ec: {  	v63 =	vld.idx.msk [tilespmem:v38+s28+$0x0], $0xffff;
	_ =	sdelay $0x4  }
0x1ed: {  	v2 =	vadd.f32 v63, v2;
	_ =	sdelay $0x1  }
0x1ee: {  	v63 =	vmul.f32 $2.000000030e-01, v2  }
0x1ef: {  	vm13 =	vgt.f32 v2, $0.0e+00  }
0x1f0: {  	v2 =	vsel vm13, v2, v63  }
0x1f1: {  	v2 =	vsub.f32 v2, v60;
	_ =	sdelay $0x1  }
0x1f2: {  	v2 =	vmul.f32 $1.442695020e+00, v2;
	_ =	sdelay $0x1  }
0x1f3: {  	(erf) = vpow2.f32 v2;
	_ =	sdelay $0x8  }
0x1f4: {  	v2 =	vpop (erf)  }
0x1f5: {  	[tilespmem:v38+s0+$0x0] =	vst.idx.msk $0xffff, v2  }
0x1f6: {  	v2 =	vld.idx.msk [tilespmem:v39+s26+$0x0], $0xffff  }
0x1f7: {  	v63 =	vld.idx.msk [tilespmem:v39+s28+$0x0], $0xffff;
	_ =	sdelay $0x4  }
0x1f8: {  	v2 =	vadd.f32 v63, v2;
	_ =	sdelay $0x1  }
0x1f9: {  	v63 =	vmul.f32 $2.000000030e-01, v2  }
0x1fa: {  	vm14 =	vgt.f32 v2, $0.0e+00  }
0x1fb: {  	v2 =	vsel vm14, v2, v63  }
0x1fc: {  	v2 =	vsub.f32 v2, v61;
	_ =	sdelay $0x1  }
0x1fd: {  	v2 =	vmul.f32 $1.442695020e+00, v2;
	_ =	sdelay $0x1  }
0x1fe: {  	(erf) = vpow2.f32 v2;
	_ =	sdelay $0x8  }
0x1ff: {  	v2 =	vpop (erf)  }
0x200: {  	[tilespmem:v39+s0+$0x0] =	vst.idx.msk $0xffff, v2  }
0x201: {  	v2 =	vld.idx.msk [tilespmem:v40+s26+$0x0], $0xffff  }
0x202: {  	v63 =	vld.idx.msk [tilespmem:v40+s28+$0x0], $0xffff;
	_ =	sdelay $0x4  }
0x203: {  	v2 =	vadd.f32 v63, v2;
	_ =	sdelay $0x1  }
0x204: {  	v63 =	vmul.f32 $2.000000030e-01, v2  }
0x205: {  	vm15 =	vgt.f32 v2, $0.0e+00  }
0x206: {  	v2 =	vsel vm15, v2, v63  }
0x207: {  	v2 =	vsub.f32 v2, v62;
	_ =	sdelay $0x1  }
0x208: {  	v2 =	vmul.f32 $1.442695020e+00, v2;
	_ =	sdelay $0x1  }
0x209: {  	(erf) = vpow2.f32 v2;
	_ =	sdelay $0x8  }
0x20a: {  	v2 =	vpop (erf)  }
0x20b: {  	[tilespmem:v40+s0+$0x0] =	vst.idx.msk $0xffff, v2  }
0x20c: {  	v2 =	vld.idx.msk [tilespmem:v41+s26+$0x0], $0xffff  }
0x20d: {  	v63 =	vld.idx.msk [tilespmem:v41+s28+$0x0], $0xffff;
	_ =	sdelay $0x4  }
0x20e: {  	v2 =	vadd.f32 v63, v2;
	_ =	sdelay $0x1  }
0x20f: {  	v63 =	vmul.f32 $2.000000030e-01, v2  }
0x210: {  	vm4 =	vgt.f32 v2, $0.0e+00  }
0x211: {  	v2 =	vsel vm4, v2, v63  }
0x212: {  	v2 =	vsub.f32 v2, v55;
	_ =	sdelay $0x1  }
0x213: {  	v2 =	vmul.f32 $1.442695020e+00, v2;
	_ =	sdelay $0x1  }
0x214: {  	(erf) = vpow2.f32 v2;
	_ =	sdelay $0x8  }
0x215: {  	v2 =	vpop (erf)  }
0x216: {  	[tilespmem:v41+s0+$0x0] =	vst.idx.msk $0xffff, v2  }
0x217: {  	v2 =	vld.idx.msk [tilespmem:v42+s26+$0x0], $0xffff  }
0x218: {  	v63 =	vld.idx.msk [tilespmem:v42+s28+$0x0], $0xffff;
	_ =	sdelay $0x4  }
0x219: {  	v2 =	vadd.f32 v63, v2;
	_ =	sdelay $0x1  }
0x21a: {  	v63 =	vmul.f32 $2.000000030e-01, v2  }
0x21b: {  	vm5 =	vgt.f32 v2, $0.0e+00  }
0x21c: {  	v2 =	vsel vm5, v2, v63  }
0x21d: {  	v2 =	vsub.f32 v2, v56;
	_ =	sdelay $0x1  }
0x21e: {  	v2 =	vmul.f32 $1.442695020e+00, v2;
	_ =	sdelay $0x1  }
0x21f: {  	(erf) = vpow2.f32 v2;
	_ =	sdelay $0x8  }
0x220: {  	v2 =	vpop (erf)  }
0x221: {  	[tilespmem:v42+s0+$0x0] =	vst.idx.msk $0xffff, v2  }
0x222: {  	v2 =	vld.idx.msk [tilespmem:v43+s26+$0x0], $0xffff  }
0x223: {  	v63 =	vld.idx.msk [tilespmem:v43+s28+$0x0], $0xffff;
	_ =	sdelay $0x4  }
0x224: {  	v2 =	vadd.f32 v63, v2;
	_ =	sdelay $0x1  }
0x225: {  	v63 =	vmul.f32 $2.000000030e-01, v2  }
0x226: {  	vm6 =	vgt.f32 v2, $0.0e+00  }
0x227: {  	v2 =	vsel vm6, v2, v63  }
0x228: {  	v2 =	vsub.f32 v2, v57;
	_ =	sdelay $0x1  }
0x229: {  	v2 =	vmul.f32 $1.442695020e+00, v2;
	_ =	sdelay $0x1  }
0x22a: {  	(erf) = vpow2.f32 v2;
	_ =	sdelay $0x8  }
0x22b: {  	v2 =	vpop (erf)  }
0x22c: {  	[tilespmem:v43+s0+$0x0] =	vst.idx.msk $0xffff, v2  }
0x22d: {  	v2 =	vld.idx.msk [tilespmem:v44+s26+$0x0], $0xffff  }
0x22e: {  	v63 =	vld.idx.msk [tilespmem:v44+s28+$0x0], $0xffff;
	_ =	sdelay $0x4  }
0x22f: {  	v2 =	vadd.f32 v63, v2;
	_ =	sdelay $0x1  }
0x230: {  	v63 =	vmul.f32 $2.000000030e-01, v2  }
0x231: {  	vm7 =	vgt.f32 v2, $0.0e+00  }
0x232: {  	v2 =	vsel vm7, v2, v63  }
0x233: {  	v2 =	vsub.f32 v2, v58;
	_ =	sdelay $0x1  }
0x234: {  	v2 =	vmul.f32 $1.442695020e+00, v2;
	_ =	sdelay $0x1  }
0x235: {  	(erf) = vpow2.f32 v2;
	_ =	sdelay $0x8  }
0x236: {  	v2 =	vpop (erf)  }
0x237: {  	[tilespmem:v44+s0+$0x0] =	vst.idx.msk $0xffff, v2  }
0x238: {  	v2 =	vld.idx.msk [tilespmem:v45+s26+$0x0], $0xffff  }
0x239: {  	v63 =	vld.idx.msk [tilespmem:v45+s28+$0x0], $0xffff;
	_ =	sdelay $0x4  }
0x23a: {  	v2 =	vadd.f32 v63, v2;
	_ =	sdelay $0x1  }
0x23b: {  	v63 =	vmul.f32 $2.000000030e-01, v2  }
0x23c: {  	vm8 =	vgt.f32 v2, $0.0e+00  }
0x23d: {  	v2 =	vsel vm8, v2, v63  }
0x23e: {  	v2 =	vsub.f32 v2, v59;
	_ =	sdelay $0x1  }
0x23f: {  	v2 =	vmul.f32 $1.442695020e+00, v2;
	_ =	sdelay $0x1  }
0x240: {  	(erf) = vpow2.f32 v2;
	_ =	sdelay $0x8  }
0x241: {  	v2 =	vpop (erf)  }
0x242: {  	[tilespmem:v45+s0+$0x0] =	vst.idx.msk $0xffff, v2  }
0x243: {  	v2 =	vld.idx.msk [tilespmem:v46+s26+$0x0], $0xffff  }
0x244: {  	v63 =	vld.idx.msk [tilespmem:v46+s28+$0x0], $0xffff;
	_ =	sdelay $0x4  }
0x245: {  	v2 =	vadd.f32 v63, v2;
	_ =	sdelay $0x1  }
0x246: {  	v63 =	vmul.f32 $2.000000030e-01, v2  }
0x247: {  	vm9 =	vgt.f32 v2, $0.0e+00  }
0x248: {  	v2 =	vsel vm9, v2, v63  }
0x249: {  	v2 =	vsub.f32 v2, v60;
	_ =	sdelay $0x1  }
0x24a: {  	v2 =	vmul.f32 $1.442695020e+00, v2;
	_ =	sdelay $0x1  }
0x24b: {  	(erf) = vpow2.f32 v2;
	_ =	sdelay $0x8  }
0x24c: {  	v2 =	vpop (erf)  }
0x24d: {  	[tilespmem:v46+s0+$0x0] =	vst.idx.msk $0xffff, v2  }
0x24e: {  	v2 =	vld.idx.msk [tilespmem:v47+s26+$0x0], $0xffff  }
0x24f: {  	v63 =	vld.idx.msk [tilespmem:v47+s28+$0x0], $0xffff;
	_ =	sdelay $0x4  }
0x250: {  	v2 =	vadd.f32 v63, v2;
	_ =	sdelay $0x1  }
0x251: {  	v63 =	vmul.f32 $2.000000030e-01, v2  }
0x252: {  	vm10 =	vgt.f32 v2, $0.0e+00  }
0x253: {  	v2 =	vsel vm10, v2, v63  }
0x254: {  	v2 =	vsub.f32 v2, v61;
	_ =	sdelay $0x1  }
0x255: {  	v2 =	vmul.f32 $1.442695020e+00, v2;
	_ =	sdelay $0x1  }
0x256: {  	(erf) = vpow2.f32 v2;
	_ =	sdelay $0x8  }
0x257: {  	v2 =	vpop (erf)  }
0x258: {  	[tilespmem:v47+s0+$0x0] =	vst.idx.msk $0xffff, v2  }
0x259: {  	v2 =	vld.idx.msk [tilespmem:v48+s26+$0x0], $0xffff  }
0x25a: {  	v63 =	vld.idx.msk [tilespmem:v48+s28+$0x0], $0xffff;
	_ =	sdelay $0x4  }
0x25b: {  	v2 =	vadd.f32 v63, v2;
	_ =	sdelay $0x1  }
0x25c: {  	v63 =	vmul.f32 $2.000000030e-01, v2  }
0x25d: {  	vm11 =	vgt.f32 v2, $0.0e+00  }
0x25e: {  	v2 =	vsel vm11, v2, v63  }
0x25f: {  	v2 =	vsub.f32 v2, v62;
	_ =	sdelay $0x1  }
0x260: {  	v2 =	vmul.f32 $1.442695020e+00, v2;
	_ =	sdelay $0x1  }
0x261: {  	(erf) = vpow2.f32 v2;
	_ =	sdelay $0x8  }
0x262: {  	v2 =	vpop (erf)  }
0x263: {  	[tilespmem:v48+s0+$0x0] =	vst.idx.msk $0xffff, v2  }
0x264: {  	v2 =	vld.idx.msk [tilespmem:v49+s26+$0x0], $0xffff  }
0x265: {  	v63 =	vld.idx.msk [tilespmem:v49+s28+$0x0], $0xffff;
	_ =	sdelay $0x4  }
0x266: {  	v2 =	vadd.f32 v63, v2;
	_ =	sdelay $0x1  }
0x267: {  	v63 =	vmul.f32 $2.000000030e-01, v2  }
0x268: {  	vm12 =	vgt.f32 v2, $0.0e+00  }
0x269: {  	v2 =	vsel vm12, v2, v63  }
0x26a: {  	v2 =	vsub.f32 v2, v55;
	_ =	sdelay $0x1  }
0x26b: {  	v2 =	vmul.f32 $1.442695020e+00, v2;
	_ =	sdelay $0x1  }
0x26c: {  	(erf) = vpow2.f32 v2;
	_ =	sdelay $0x8  }
0x26d: {  	v2 =	vpop (erf)  }
0x26e: {  	[tilespmem:v49+s0+$0x0] =	vst.idx.msk $0xffff, v2  }
0x26f: {  	v2 =	vld.idx.msk [tilespmem:v50+s26+$0x0], $0xffff  }
0x270: {  	v63 =	vld.idx.msk [tilespmem:v50+s28+$0x0], $0xffff;
	_ =	sdelay $0x4  }
0x271: {  	v2 =	vadd.f32 v63, v2;
	_ =	sdelay $0x1  }
0x272: {  	v63 =	vmul.f32 $2.000000030e-01, v2  }
0x273: {  	vm13 =	vgt.f32 v2, $0.0e+00  }
0x274: {  	v2 =	vsel vm13, v2, v63  }
0x275: {  	v2 =	vsub.f32 v2, v56;
	_ =	sdelay $0x1  }
0x276: {  	v2 =	vmul.f32 $1.442695020e+00, v2;
	_ =	sdelay $0x1  }
0x277: {  	(erf) = vpow2.f32 v2;
	_ =	sdelay $0x8  }
0x278: {  	v2 =	vpop (erf)  }
0x279: {  	[tilespmem:v50+s0+$0x0] =	vst.idx.msk $0xffff, v2  }
0x27a: {  	v2 =	vld.idx.msk [tilespmem:v51+s26+$0x0], $0xffff  }
0x27b: {  	v63 =	vld.idx.msk [tilespmem:v51+s28+$0x0], $0xffff;
	_ =	sdelay $0x4  }
0x27c: {  	v2 =	vadd.f32 v63, v2;
	_ =	sdelay $0x1  }
0x27d: {  	v63 =	vmul.f32 $2.000000030e-01, v2  }
0x27e: {  	vm14 =	vgt.f32 v2, $0.0e+00  }
0x27f: {  	v2 =	vsel vm14, v2, v63  }
0x280: {  	v2 =	vsub.f32 v2, v57;
	_ =	sdelay $0x1  }
0x281: {  	v2 =	vmul.f32 $1.442695020e+00, v2;
	_ =	sdelay $0x1  }
0x282: {  	(erf) = vpow2.f32 v2;
	_ =	sdelay $0x8  }
0x283: {  	v2 =	vpop (erf)  }
0x284: {  	[tilespmem:v51+s0+$0x0] =	vst.idx.msk $0xffff, v2  }
0x285: {  	v2 =	vld.idx.msk [tilespmem:v52+s26+$0x0], $0xffff  }
0x286: {  	v63 =	vld.idx.msk [tilespmem:v52+s28+$0x0], $0xffff;
	_ =	sdelay $0x4  }
0x287: {  	v2 =	vadd.f32 v63, v2;
	_ =	sdelay $0x1  }
0x288: {  	v63 =	vmul.f32 $2.000000030e-01, v2  }
0x289: {  	vm15 =	vgt.f32 v2, $0.0e+00  }
0x28a: {  	v2 =	vsel vm15, v2, v63  }
0x28b: {  	v2 =	vsub.f32 v2, v58;
	_ =	sdelay $0x1  }
0x28c: {  	v2 =	vmul.f32 $1.442695020e+00, v2;
	_ =	sdelay $0x1  }
0x28d: {  	(erf) = vpow2.f32 v2;
	_ =	sdelay $0x8  }
0x28e: {  	v2 =	vpop (erf)  }
0x28f: {  	[tilespmem:v52+s0+$0x0] =	vst.idx.msk $0xffff, v2  }
0x290: {  	v2 =	vld.idx.msk [tilespmem:v53+s26+$0x0], $0xffff  }
0x291: {  	v63 =	vld.idx.msk [tilespmem:v53+s28+$0x0], $0xffff;
	_ =	sdelay $0x4  }
0x292: {  	v2 =	vadd.f32 v63, v2;
	_ =	sdelay $0x1  }
0x293: {  	v63 =	vmul.f32 $2.000000030e-01, v2  }
0x294: {  	vm4 =	vgt.f32 v2, $0.0e+00  }
0x295: {  	v2 =	vsel vm4, v2, v63  }
0x296: {  	v2 =	vsub.f32 v2, v59;
	_ =	sdelay $0x1  }
0x297: {  	v2 =	vmul.f32 $1.442695020e+00, v2;
	_ =	sdelay $0x1  }
0x298: {  	(erf) = vpow2.f32 v2;
	_ =	sdelay $0x8  }
0x299: {  	v2 =	vpop (erf)  }
0x29a: {  	[tilespmem:v53+s0+$0x0] =	vst.idx.msk $0xffff, v2  }
0x29b: {  	v2 =	vld.idx.msk [tilespmem:v54+s26+$0x0], $0xffff  }
0x29c: {  	v63 =	vld.idx.msk [tilespmem:v54+s28+$0x0], $0xffff;
	_ =	sdelay $0x4  }
0x29d: {  	v2 =	vadd.f32 v63, v2;
	_ =	sdelay $0x1  }
0x29e: {  	v63 =	vmul.f32 $2.000000030e-01, v2  }
0x29f: {  	vm5 =	vgt.f32 v2, $0.0e+00  }
0x2a0: {  	v2 =	vsel vm5, v2, v63  }
0x2a1: {  	v2 =	vsub.f32 v2, v60;
	_ =	sdelay $0x1  }
0x2a2: {  	v2 =	vmul.f32 $1.442695020e+00, v2;
	_ =	sdelay $0x1  }
0x2a3: {  	(erf) = vpow2.f32 v2;
	_ =	sdelay $0x5  }
0x2a4: {  	v2 =	vor.u32 $0x606, v0;
	_ =	sdelay $0x2  }
0x2a5: {  	v63 =	vpop (erf)  }
0x2a6: {  	[tilespmem:v54+s0+$0x0] =	vst.idx.msk $0xffff, v63  }
0x2a7: {  	v63 =	vld.idx.msk [tilespmem:v2+s26+$0x0], $0xffff  }
0x2a8: {  	v3 =	vld.idx.msk [tilespmem:v2+s28+$0x0], $0xffff;
	_ =	sdelay $0x4  }
0x2a9: {  	v3 =	vadd.f32 v3, v63;
	_ =	sdelay $0x1  }
0x2aa: {  	v63 =	vmul.f32 $2.000000030e-01, v3  }
0x2ab: {  	vm6 =	vgt.f32 v3, $0.0e+00  }
0x2ac: {  	v3 =	vsel vm6, v3, v63  }
0x2ad: {  	v3 =	vsub.f32 v3, v61;
	_ =	sdelay $0x1  }
0x2ae: {  	v3 =	vmul.f32 $1.442695020e+00, v3;
	_ =	sdelay $0x1  }
0x2af: {  	(erf) = vpow2.f32 v3;
	_ =	sdelay $0x5  }
0x2b0: {  	v3 =	vor.u32 $0x607, v0;
	_ =	sdelay $0x2  }
0x2b1: {  	v63 =	vpop (erf)  }
0x2b2: {  	[tilespmem:v2+s0+$0x0] =	vst.idx.msk $0xffff, v63  }
0x2b3: {  	v2 =	vld.idx.msk [tilespmem:v3+s26+$0x0], $0xffff  }
0x2b4: {  	v63 =	vld.idx.msk [tilespmem:v3+s28+$0x0], $0xffff;
	_ =	sdelay $0x4  }
0x2b5: {  	v2 =	vadd.f32 v63, v2;
	_ =	sdelay $0x1  }
0x2b6: {  	v63 =	vmul.f32 $2.000000030e-01, v2  }
0x2b7: {  	vm7 =	vgt.f32 v2, $0.0e+00  }
0x2b8: {  	v2 =	vsel vm7, v2, v63  }
0x2b9: {  	v2 =	vsub.f32 v2, v62;
	_ =	sdelay $0x1  }
0x2ba: {  	v2 =	vmul.f32 $1.442695020e+00, v2;
	_ =	sdelay $0x1  }
0x2bb: {  	(erf) = vpow2.f32 v2;
	_ =	sdelay $0x5  }
0x2bc: {  	v2 =	vor.u32 $0x700, v0;
	_ =	sdelay $0x2  }
0x2bd: {  	v63 =	vpop (erf)  }
0x2be: {  	[tilespmem:v3+s0+$0x0] =	vst.idx.msk $0xffff, v63  }
0x2bf: {  	v3 =	vld.idx.msk [tilespmem:v2+s26+$0x0], $0xffff  }
0x2c0: {  	v63 =	vld.idx.msk [tilespmem:v2+s28+$0x0], $0xffff;
	_ =	sdelay $0x4  }
0x2c1: {  	v3 =	vadd.f32 v63, v3;
	_ =	sdelay $0x1  }
0x2c2: {  	v63 =	vmul.f32 $2.000000030e-01, v3  }
0x2c3: {  	vm8 =	vgt.f32 v3, $0.0e+00  }
0x2c4: {  	v3 =	vsel vm8, v3, v63  }
0x2c5: {  	v3 =	vsub.f32 v3, v55;
	_ =	sdelay $0x1  }
0x2c6: {  	v3 =	vmul.f32 $1.442695020e+00, v3;
	_ =	sdelay $0x1  }
0x2c7: {  	(erf) = vpow2.f32 v3;
	_ =	sdelay $0x5  }
0x2c8: {  	v3 =	vor.u32 $0x701, v0;
	_ =	sdelay $0x2  }
0x2c9: {  	v63 =	vpop (erf)  }
0x2ca: {  	[tilespmem:v2+s0+$0x0] =	vst.idx.msk $0xffff, v63  }
0x2cb: {  	v2 =	vld.idx.msk [tilespmem:v3+s26+$0x0], $0xffff  }
0x2cc: {  	v63 =	vld.idx.msk [tilespmem:v3+s28+$0x0], $0xffff;
	_ =	sdelay $0x4  }
0x2cd: {  	v2 =	vadd.f32 v63, v2;
	_ =	sdelay $0x1  }
0x2ce: {  	v63 =	vmul.f32 $2.000000030e-01, v2  }
0x2cf: {  	vm9 =	vgt.f32 v2, $0.0e+00  }
0x2d0: {  	v2 =	vsel vm9, v2, v63  }
0x2d1: {  	v2 =	vsub.f32 v2, v56;
	_ =	sdelay $0x1  }
0x2d2: {  	v2 =	vmul.f32 $1.442695020e+00, v2;
	_ =	sdelay $0x1  }
0x2d3: {  	(erf) = vpow2.f32 v2;
	_ =	sdelay $0x5  }
0x2d4: {  	v2 =	vor.u32 $0x702, v0;
	_ =	sdelay $0x2  }
0x2d5: {  	v63 =	vpop (erf)  }
0x2d6: {  	[tilespmem:v3+s0+$0x0] =	vst.idx.msk $0xffff, v63  }
0x2d7: {  	v3 =	vld.idx.msk [tilespmem:v2+s26+$0x0], $0xffff  }
0x2d8: {  	v63 =	vld.idx.msk [tilespmem:v2+s28+$0x0], $0xffff;
	_ =	sdelay $0x4  }
0x2d9: {  	v3 =	vadd.f32 v63, v3;
	_ =	sdelay $0x1  }
0x2da: {  	v63 =	vmul.f32 $2.000000030e-01, v3  }
0x2db: {  	vm10 =	vgt.f32 v3, $0.0e+00  }
0x2dc: {  	v3 =	vsel vm10, v3, v63  }
0x2dd: {  	v3 =	vsub.f32 v3, v57;
	_ =	sdelay $0x1  }
0x2de: {  	v3 =	vmul.f32 $1.442695020e+00, v3;
	_ =	sdelay $0x1  }
0x2df: {  	(erf) = vpow2.f32 v3;
	_ =	sdelay $0x5  }
0x2e0: {  	v3 =	vor.u32 $0x703, v0;
	_ =	sdelay $0x2  }
0x2e1: {  	v63 =	vpop (erf)  }
0x2e2: {  	[tilespmem:v2+s0+$0x0] =	vst.idx.msk $0xffff, v63  }
0x2e3: {  	v2 =	vld.idx.msk [tilespmem:v3+s26+$0x0], $0xffff  }
0x2e4: {  	v63 =	vld.idx.msk [tilespmem:v3+s28+$0x0], $0xffff;
	_ =	sdelay $0x4  }
0x2e5: {  	v2 =	vadd.f32 v63, v2;
	_ =	sdelay $0x1  }
0x2e6: {  	v63 =	vmul.f32 $2.000000030e-01, v2  }
0x2e7: {  	vm11 =	vgt.f32 v2, $0.0e+00  }
0x2e8: {  	v2 =	vsel vm11, v2, v63  }
0x2e9: {  	v2 =	vsub.f32 v2, v58;
	_ =	sdelay $0x1  }
0x2ea: {  	v2 =	vmul.f32 $1.442695020e+00, v2;
	_ =	sdelay $0x1  }
0x2eb: {  	(erf) = vpow2.f32 v2;
	_ =	sdelay $0x5  }
0x2ec: {  	v2 =	vor.u32 $0x704, v0;
	_ =	sdelay $0x2  }
0x2ed: {  	v63 =	vpop (erf)  }
0x2ee: {  	[tilespmem:v3+s0+$0x0] =	vst.idx.msk $0xffff, v63  }
0x2ef: {  	v3 =	vld.idx.msk [tilespmem:v2+s26+$0x0], $0xffff  }
0x2f0: {  	v63 =	vld.idx.msk [tilespmem:v2+s28+$0x0], $0xffff;
	_ =	sdelay $0x4  }
0x2f1: {  	v3 =	vadd.f32 v63, v3;
	_ =	sdelay $0x1  }
0x2f2: {  	v63 =	vmul.f32 $2.000000030e-01, v3  }
0x2f3: {  	vm12 =	vgt.f32 v3, $0.0e+00  }
0x2f4: {  	v3 =	vsel vm12, v3, v63  }
0x2f5: {  	v3 =	vsub.f32 v3, v59;
	_ =	sdelay $0x1  }
0x2f6: {  	v3 =	vmul.f32 $1.442695020e+00, v3;
	_ =	sdelay $0x1  }
0x2f7: {  	(erf) = vpow2.f32 v3;
	_ =	sdelay $0x5  }
0x2f8: {  	v3 =	vor.u32 $0x705, v0;
	_ =	sdelay $0x2  }
0x2f9: {  	v63 =	vpop (erf)  }
0x2fa: {  	[tilespmem:v2+s0+$0x0] =	vst.idx.msk $0xffff, v63  }
0x2fb: {  	v2 =	vld.idx.msk [tilespmem:v3+s26+$0x0], $0xffff  }
0x2fc: {  	v63 =	vld.idx.msk [tilespmem:v3+s28+$0x0], $0xffff;
	_ =	sdelay $0x4  }
0x2fd: {  	v2 =	vadd.f32 v63, v2;
	_ =	sdelay $0x1  }
0x2fe: {  	v63 =	vmul.f32 $2.000000030e-01, v2  }
0x2ff: {  	vm13 =	vgt.f32 v2, $0.0e+00  }
0x300: {  	v2 =	vsel vm13, v2, v63  }
0x301: {  	v2 =	vsub.f32 v2, v60;
	_ =	sdelay $0x1  }
0x302: {  	v2 =	vmul.f32 $1.442695020e+00, v2;
	_ =	sdelay $0x1  }
0x303: {  	(erf) = vpow2.f32 v2;
	_ =	sdelay $0x5  }
0x304: {  	v2 =	vor.u32 $0x706, v0;
	_ =	sdelay $0x2  }
0x305: {  	v63 =	vpop (erf)  }
0x306: {  	[tilespmem:v3+s0+$0x0] =	vst.idx.msk $0xffff, v63  }
0x307: {  	v3 =	vld.idx.msk [tilespmem:v2+s26+$0x0], $0xffff  }
0x308: {  	v63 =	vld.idx.msk [tilespmem:v2+s28+$0x0], $0xffff;
	_ =	sdelay $0x4  }
0x309: {  	v3 =	vadd.f32 v63, v3;
	_ =	sdelay $0x1  }
0x30a: {  	v63 =	vmul.f32 $2.000000030e-01, v3  }
0x30b: {  	vm14 =	vgt.f32 v3, $0.0e+00  }
0x30c: {  	v3 =	vsel vm14, v3, v63  }
0x30d: {  	v3 =	vsub.f32 v3, v61;
	_ =	sdelay $0x1  }
0x30e: {  	v3 =	vmul.f32 $1.442695020e+00, v3;
	_ =	sdelay $0x1  }
0x30f: {  	(erf) = vpow2.f32 v3;
	_ =	sdelay $0x5  }
0x310: {  	v3 =	vor.u32 $0x707, v0;
	_ =	sdelay $0x2  }
0x311: {  	v63 =	vpop (erf)  }
0x312: {  	[tilespmem:v2+s0+$0x0] =	vst.idx.msk $0xffff, v63  }
0x313: {  	v2 =	vld.idx.msk [tilespmem:v3+s26+$0x0], $0xffff  }
0x314: {  	v63 =	vld.idx.msk [tilespmem:v3+s28+$0x0], $0xffff;
	_ =	sdelay $0x4  }
0x315: {  	v2 =	vadd.f32 v63, v2;
	_ =	sdelay $0x1  }
0x316: {  	v63 =	vmul.f32 $2.000000030e-01, v2  }
0x317: {  	vm15 =	vgt.f32 v2, $0.0e+00  }
0x318: {  	v2 =	vsel vm15, v2, v63  }
0x319: {  	v2 =	vsub.f32 v2, v62;
	_ =	sdelay $0x1  }
0x31a: {  	v2 =	vmul.f32 $1.442695020e+00, v2;
	_ =	sdelay $0x1  }
0x31b: {  	(erf) = vpow2.f32 v2;
	_ =	sdelay $0x4  }
0x31c: {  	s11 =	simm.s32 $0x0  }
0x31d: {  	v2 =	vmov s11;
	_ =	sdelay $0x2  }
0x31e: {  	v63 =	vpop (erf)  }
0x31f: {  	[tilespmem:v3+s0+$0x0] =	vst.idx.msk $0xffff, v63  }
0x320: {  	s4 =	simm.s32 $0x140;
	v3 =	vld.idx.msk [tilespmem:v2+s0+$0x0], $0xffff  }
0x321: {  	v63 =	vld [tilespmem:s4+$0xFFFFFFC0];
	_ =	sdelay $0x2  }
0x322: {  	v4 =	vor.u32 $0x1, v2;
	_ =	sdelay $0x1  }
0x323: {  	v3 =	vmul.f32 v63, v3;
	_ =	sdelay $0x1  }
0x324: {  	[tilespmem:s4+$0xFFFFFFC0] =	vst v3  }
0x325: {  	v3 =	vld.idx.msk [tilespmem:v4+s0+$0x0], $0xffff  }
0x326: {  	v4 =	vld [tilespmem:s4+$0xFFFFFFD0];
	_ =	sdelay $0x2  }
0x327: {  	v63 =	vor.u32 $0x2, v2;
	_ =	sdelay $0x1  }
0x328: {  	v3 =	vmul.f32 v4, v3;
	_ =	sdelay $0x1  }
0x329: {  	v4 =	vld [tilespmem:s4+$0xFFFFFFE0];
	[tilespmem:s4+$0xFFFFFFD0] =	vst v3  }
0x32a: {  	v3 =	vld.idx.msk [tilespmem:v63+s0+$0x0], $0xffff;
	_ =	sdelay $0x2  }
0x32b: {  	v63 =	vor.u32 $0x3, v2;
	_ =	sdelay $0x1  }
0x32c: {  	v3 =	vmul.f32 v4, v3;
	_ =	sdelay $0x1  }
0x32d: {  	v4 =	vld [tilespmem:s4+$0xFFFFFFF0];
	[tilespmem:s4+$0xFFFFFFE0] =	vst v3  }
0x32e: {  	v3 =	vld.idx.msk [tilespmem:v63+s0+$0x0], $0xffff;
	_ =	sdelay $0x2  }
0x32f: {  	v63 =	vor.u32 $0x4, v2;
	_ =	sdelay $0x1  }
0x330: {  	v3 =	vmul.f32 v4, v3;
	_ =	sdelay $0x1  }
0x331: {  	v4 =	vld [tilespmem:s4+$0x0];
	[tilespmem:s4+$0xFFFFFFF0] =	vst v3  }
0x332: {  	v3 =	vld.idx.msk [tilespmem:v63+s0+$0x0], $0xffff;
	_ =	sdelay $0x2  }
0x333: {  	v63 =	vor.u32 $0x5, v2;
	_ =	sdelay $0x1  }
0x334: {  	v3 =	vmul.f32 v4, v3;
	_ =	sdelay $0x1  }
0x335: {  	v4 =	vld [tilespmem:s4+$0x10];
	[tilespmem:s4+$0x0] =	vst v3  }
0x336: {  	v3 =	vld.idx.msk [tilespmem:v63+s0+$0x0], $0xffff;
	_ =	sdelay $0x2  }
0x337: {  	v63 =	vor.u32 $0x6, v2;
	_ =	sdelay $0x1  }
0x338: {  	v3 =	vmul.f32 v4, v3;
	_ =	sdelay $0x1  }
0x339: {  	v4 =	vld [tilespmem:s4+$0x20];
	[tilespmem:s4+$0x10] =	vst v3  }
0x33a: {  	v3 =	vld.idx.msk [tilespmem:v63+s0+$0x0], $0xffff;
	_ =	sdelay $0x2  }
0x33b: {  	v2 =	vor.u32 $0x7, v2;
	_ =	sdelay $0x1  }
0x33c: {  	v3 =	vmul.f32 v4, v3;
	_ =	sdelay $0x1  }
0x33d: {  	[tilespmem:s4+$0x20] =	vst v3  }
0x33e: {  	v63 =	vld.idx.msk [tilespmem:v2+s0+$0x0], $0xffff  }
0x33f: {  	v2 =	vld [tilespmem:s4+$0x30];
	_ =	sdelay $0x1  }
0x340: {  	s10 =	simm.s32 $0x2;
	s11 =	simm.s32 $0x10  }
.LBB2_5:
0x341: {  	p0 =	sne.s32 s10, $0x7F;
	v3 =	vmov s11;
	_ =	sdelay $0x1  }
0x342: {  	v2 =	vmul.f32 v2, v63;
	_ =	sdelay $0x1  }
0x343: {  	[tilespmem:s4+$0x30] =	vst v2  }
0x344: {  	s4 =	sadd.s32 $0x80, s4;
	v2 =	vld.idx.msk [tilespmem:v3+s0+$0x0], $0xffff  }
0x345: {  	v4 =	vld [tilespmem:s4+$0xFFFFFFC0];
	_ =	sdelay $0x2  }
0x346: {  	v63 =	vor.u32 $0x1, v3;
	_ =	sdelay $0x1  }
0x347: {  	v2 =	vmul.f32 v4, v2;
	_ =	sdelay $0x1  }
0x348: {  	[tilespmem:s4+$0xFFFFFFC0] =	vst v2  }
0x349: {  	v2 =	vld.idx.msk [tilespmem:v63+s0+$0x0], $0xffff  }
0x34a: {  	v4 =	vld [tilespmem:s4+$0xFFFFFFD0];
	_ =	sdelay $0x2  }
0x34b: {  	v63 =	vor.u32 $0x2, v3;
	_ =	sdelay $0x1  }
0x34c: {  	v2 =	vmul.f32 v4, v2;
	_ =	sdelay $0x1  }
0x34d: {  	[tilespmem:s4+$0xFFFFFFD0] =	vst v2  }
0x34e: {  	v2 =	vld.idx.msk [tilespmem:v63+s0+$0x0], $0xffff  }
0x34f: {  	v4 =	vld [tilespmem:s4+$0xFFFFFFE0];
	_ =	sdelay $0x2  }
0x350: {  	v63 =	vor.u32 $0x3, v3;
	_ =	sdelay $0x1  }
0x351: {  	v2 =	vmul.f32 v4, v2;
	_ =	sdelay $0x1  }
0x352: {  	[tilespmem:s4+$0xFFFFFFE0] =	vst v2  }
0x353: {  	v2 =	vld.idx.msk [tilespmem:v63+s0+$0x0], $0xffff  }
0x354: {  	v4 =	vld [tilespmem:s4+$0xFFFFFFF0];
	_ =	sdelay $0x2  }
0x355: {  	v63 =	vor.u32 $0x4, v3;
	_ =	sdelay $0x1  }
0x356: {  	v2 =	vmul.f32 v4, v2;
	_ =	sdelay $0x1  }
0x357: {  	[tilespmem:s4+$0xFFFFFFF0] =	vst v2  }
0x358: {  	v2 =	vld.idx.msk [tilespmem:v63+s0+$0x0], $0xffff  }
0x359: {  	v4 =	vld [tilespmem:s4+$0x0];
	_ =	sdelay $0x2  }
0x35a: {  	v63 =	vor.u32 $0x5, v3;
	_ =	sdelay $0x1  }
0x35b: {  	v2 =	vmul.f32 v4, v2;
	_ =	sdelay $0x1  }
0x35c: {  	[tilespmem:s4+$0x0] =	vst v2  }
0x35d: {  	v2 =	vld.idx.msk [tilespmem:v63+s0+$0x0], $0xffff  }
0x35e: {  	v4 =	vld [tilespmem:s4+$0x10];
	_ =	sdelay $0x2  }
0x35f: {  	v63 =	vor.u32 $0x6, v3;
	_ =	sdelay $0x1  }
0x360: {  	v2 =	vmul.f32 v4, v2;
	_ =	sdelay $0x1  }
0x361: {  	[tilespmem:s4+$0x10] =	vst v2  }
0x362: {  	v2 =	vld.idx.msk [tilespmem:v63+s0+$0x0], $0xffff  }
0x363: {  	v4 =	vld [tilespmem:s4+$0x20];
	_ =	sdelay $0x2  }
0x364: {  	v3 =	vor.u32 $0x7, v3;
	_ =	sdelay $0x1  }
0x365: {  	v2 =	vmul.f32 v4, v2;
	_ =	sdelay $0x1  }
.Ltmp1:
0x366: {  	[tilespmem:s4+$0x20] =	vst v2;
	(pc) =	sbr.rel @p0 .LBB2_5-.Ltmp1, $3  }
0x367: {  	v63 =	vld.idx.msk [tilespmem:v3+s0+$0x0], $0xffff  }
0x368: {  	v2 =	vld [tilespmem:s4+$0x30];
	_ =	sdelay $0x1  }
0x369: {  	s11 =	sshll.u32 s10, $0x4;
	s10 =	sadd.s32 $0x1, s10  }
0x36a: {  	v3 =	vmov s11;
	_ =	sdelay $0x1  }
0x36b: {  	v2 =	vmul.f32 v2, v63  }
0x36c: {  	s11 =	sadd.s32 $0x80, s4  }
0x36d: {  	v4 =	vld [tilespmem:s11+$0xFFFFFFC0];
	[tilespmem:s4+$0x30] =	vst v2  }
0x36e: {  	v2 =	vld.idx.msk [tilespmem:v3+s0+$0x0], $0xffff;
	_ =	sdelay $0x2  }
0x36f: {  	v63 =	vor.u32 $0x1, v3;
	_ =	sdelay $0x1  }
0x370: {  	v2 =	vmul.f32 v4, v2;
	_ =	sdelay $0x1  }
0x371: {  	v4 =	vld [tilespmem:s11+$0xFFFFFFD0];
	[tilespmem:s11+$0xFFFFFFC0] =	vst v2  }
0x372: {  	v2 =	vld.idx.msk [tilespmem:v63+s0+$0x0], $0xffff;
	_ =	sdelay $0x2  }
0x373: {  	v63 =	vor.u32 $0x2, v3;
	_ =	sdelay $0x1  }
0x374: {  	v2 =	vmul.f32 v4, v2;
	_ =	sdelay $0x1  }
0x375: {  	v4 =	vld [tilespmem:s11+$0xFFFFFFE0];
	[tilespmem:s11+$0xFFFFFFD0] =	vst v2  }
0x376: {  	v2 =	vld.idx.msk [tilespmem:v63+s0+$0x0], $0xffff;
	_ =	sdelay $0x2  }
0x377: {  	v63 =	vor.u32 $0x3, v3;
	_ =	sdelay $0x1  }
0x378: {  	v2 =	vmul.f32 v4, v2;
	_ =	sdelay $0x1  }
0x379: {  	v4 =	vld [tilespmem:s11+$0xFFFFFFF0];
	[tilespmem:s11+$0xFFFFFFE0] =	vst v2  }
0x37a: {  	v2 =	vld.idx.msk [tilespmem:v63+s0+$0x0], $0xffff;
	_ =	sdelay $0x2  }
0x37b: {  	v63 =	vor.u32 $0x4, v3;
	_ =	sdelay $0x1  }
0x37c: {  	v2 =	vmul.f32 v4, v2;
	_ =	sdelay $0x1  }
0x37d: {  	v4 =	vld [tilespmem:s11+$0x0];
	[tilespmem:s11+$0xFFFFFFF0] =	vst v2  }
0x37e: {  	v2 =	vld.idx.msk [tilespmem:v63+s0+$0x0], $0xffff;
	_ =	sdelay $0x2  }
0x37f: {  	v63 =	vor.u32 $0x5, v3;
	_ =	sdelay $0x1  }
0x380: {  	v2 =	vmul.f32 v4, v2;
	_ =	sdelay $0x1  }
0x381: {  	v4 =	vld [tilespmem:s11+$0x10];
	[tilespmem:s11+$0x0] =	vst v2  }
0x382: {  	v2 =	vld.idx.msk [tilespmem:v63+s0+$0x0], $0xffff;
	_ =	sdelay $0x2  }
0x383: {  	v63 =	vor.u32 $0x6, v3;
	_ =	sdelay $0x1  }
0x384: {  	v2 =	vmul.f32 v4, v2;
	_ =	sdelay $0x1  }
0x385: {  	v4 =	vld [tilespmem:s11+$0x20];
	[tilespmem:s11+$0x10] =	vst v2  }
0x386: {  	v2 =	vld.idx.msk [tilespmem:v63+s0+$0x0], $0xffff;
	_ =	sdelay $0x2  }
0x387: {  	v3 =	vor.u32 $0x7, v3;
	_ =	sdelay $0x1  }
0x388: {  	v2 =	vmul.f32 v4, v2;
	_ =	sdelay $0x1  }
0x389: {  	[tilespmem:s11+$0x20] =	vst v2  }
0x38a: {  	v2 =	vld.idx.msk [tilespmem:v3+s0+$0x0], $0xffff  }
0x38b: {  	v3 =	vld [tilespmem:s11+$0x30];
	_ =	sdelay $0x4  }
0x38c: {  	v2 =	vmul.f32 v3, v2;
	_ =	sdelay $0x1  }
0x38d: {  	[tilespmem:s11+$0x30] =	vst v2  }
0x38e: {  	[spmem:s2] =	stream.indirect.scatter.add.f32 [tilespmem:s25], [sflag:$0x4], $0x80, s24, s24, $0xb8;
	[tilespmem:$0x1C120] =	vst v63  }
0x38f: {  	s23 =	sadd.s32 $0x1, s23;
	_ =	swait.ge [sflag:s20], $0x4000  }
0x390: {  	p0 =	sne.s32 s23, $0x51;
	[sflag:s20] =	ssyncset.done $0x0  }
.Ltmp2:
0x391: {  	[sflag:s20] =	ssyncadd.s32 $0xFFFFC000;
	(pc) =	sbr.rel @p0 .LBB2_4-.Ltmp2, $4  }
0x392: {  	[spmem:s3] =	stream.indirect.scatter.add.f32 [tilespmem:s0], [sflag:$0x4], $0x10, s24, s24, $0xb8;
	[tilespmem:$0x1C120] =	vst v63  }
0x393: {  	_ =	swait.ge [sflag:s20], $0x800  }
0x394: {  	[sflag:s20] =	ssyncset.done $0x0  }
0x395: {  	[sflag:s20] =	ssyncadd.s32 $0xFFFFF800  }
0x396: {  	[bflag:$0x0] =	sbarrier.arrive $0xFFFF  }
0x397: {  	[hbm:s16], [sflag:s13] =	dma.local [spmem:s19], $0x2800  }
0x398: {  	s5 =	sadd.s32 $0x1, s5;
	_ =	swait.ge [sflag:s20], $0x2800  }
0x399: {  	p0 =	sne.s32 s5, s18;
	[sflag:s20] =	ssyncset.done $0x0  }
.Ltmp3:
0x39a: {  	[sflag:s20] =	ssyncadd.s32 $0xFFFFD800;
	(pc) =	sbr.rel @p0 .LBB2_1-.Ltmp3, $4  }
0x39b: {  	[hbm:s17], [sflag:s13] =	dma.local [spmem:s21], $0x500  }
0x39c: {  	_ =	swait.ge [sflag:s20], $0x500  }
0x39d: {  	[sflag:s20] =	ssyncset.done $0x0  }
0x39e: {  	[sflag:s20] =	ssyncadd.s32 $0xFFFFFB00  }
0x39f: {  	_ =	sfence.sel $0x180000  }
0x3a0: {  	[bflag:$0x0] =	sbarrier.arrive $0xFFFF  }
0x3a1: {  	_ =	strace $0x90000047  }
0x3a2: {  	s0 =	stileid.u32;
	[bflag:$0x2] =	sbarrier.arrive $0xFFFF  }
0x3a3: {  	p0 =	sne.s32 s0, $0x0;
	s0 =	rddreg [dreg:$0x4]  }
0x3a4: {  	s0 =	sadd.s32 @!p0 $0x100000, s0  }
0x3a5: {  	[sflag:s0] =	ssyncadd.tile.s32 @!p0 $0x1;
	_ =	shalt  }
.Lfunc_end2:
_tile_overlayer_lowered:
.L_overlay_start_2:
0x3a6: {  	(tag) =	ssettag $0x2  }
0x3a7: {  	s0 =	rddreg [dreg:$0x0];
	s2 =	stileid.u32  }
0x3a8: {  	s1 =	rddreg [dreg:$0x1];
	p0 =	sne.s32 s2, $0x0  }
0x3a9: {  	s3 =	rddreg [dreg:$0x2];
	[bflag:$0x3] =	sbarrier.arrive $0xFFFF;
	s2 =	simm.s32 @!p0 $0x1C04  }
0x3aa: {  	[timem:s3], [sflag:s2] =	dma.local @!p0 [hbm:s0], s1  }
0x3ab: {  	s0 =	simm.s32 @!p0 $0x4  }
0x3ac: {  	_ =	swait.ge @!p0 [sflag:s0], s1  }
0x3ad: {  	s1 =	ssub.s32 @!p0 $0x0, s1;
	[sflag:s0] =	ssyncset.done @!p0 $0x0  }
0x3ae: {  	[sflag:s0] =	ssyncadd.s32 @!p0 s1  }
0x3af: {  	[bflag:$0x3] =	sbarrier.arrive $0xFFFF  }
0x3b0: {  	_ =	shalt  }

</sc_bundles>
